<compile_context>
chip_gen: v7x
topology: tpu7x:2x2x1
jax: 0.10.2.dev20260603
libtpu: 0.0.44.dev20260713+nightly
codegen_flags: <defaults>
</compile_context>

<pallas_src>
import jax
import jax.numpy as jnp
from jax import lax
from jax.experimental import pallas as pl
from jax.experimental.pallas import tpu as pltpu
from jax.experimental.pallas import tpu_sc as plsc

N = 10000
E = 320000
D = 128
DEPTH = 3
A_P = -1.0
B_P = 2.0
L_P = -1.0
R_P = 1.0
BASEALPHA = 1.0

NC = 2
NS = 16
NW = NC * NS
EPW = E // NW
C = 80
NCH = EPW // C
ROWS_PT = N // NS
ZR = 25
HL = 16


def _mesh():
    return plsc.VectorSubcoreMesh(core_axis_name="c", subcore_axis_name="s")


def _hist_body(row2d, out, ones_v, idx_v, acc, sem):
    c = lax.axis_index("c")
    s = lax.axis_index("s")
    wid = c * NS + s

    pltpu.sync_copy(row2d.at[pl.ds(wid * NCH, NCH)], idx_v)

    def zfill(i, carry):
        ones_v[i, :] = jnp.zeros((16,), jnp.float32)
        return carry

    lax.fori_loop(0, C, zfill, 0)

    def zcopy(i, carry):
        pltpu.async_copy(
            ones_v.at[pl.ds(0, 25)], acc.at[pl.ds(s * ROWS_PT + i * 25, 25)], sem
        )
        return carry

    lax.fori_loop(0, 25, zcopy, 0)

    def zdrain(i, carry):
        pltpu.make_async_copy(
            ones_v.at[pl.ds(0, 25)], acc.at[pl.ds(s * ROWS_PT, 25)], sem
        ).wait()
        return carry

    lax.fori_loop(0, 25, zdrain, 0)

    def fill(i, carry):
        ones_v[i, :] = jnp.ones((16,), jnp.float32)
        return carry

    lax.fori_loop(0, C, fill, 0)
    plsc.subcore_barrier()

    pltpu.async_copy(ones_v, acc.at[idx_v.at[0]], sem, add=True)
    pltpu.async_copy(ones_v, acc.at[idx_v.at[1]], sem, add=True)

    def chunk(j, carry):
        pltpu.async_copy(ones_v, acc.at[idx_v.at[j + 2]], sem, add=True)
        pltpu.make_async_copy(ones_v, acc.at[idx_v.at[j]], sem).wait()
        return carry

    lax.fori_loop(0, NCH - 2, chunk, 0)
    pltpu.make_async_copy(ones_v, acc.at[idx_v.at[0]], sem).wait()
    pltpu.make_async_copy(ones_v, acc.at[idx_v.at[0]], sem).wait()
    plsc.subcore_barrier()
    pltpu.sync_copy(
        acc.at[pl.ds(s * ROWS_PT, ROWS_PT)], out.at[c, pl.ds(s * ROWS_PT, ROWS_PT)]
    )


def _histogram(row2d):
    kfn = pl.kernel(
        _hist_body,
        out_type=jax.ShapeDtypeStruct((NC, N, HL), jnp.float32),
        mesh=_mesh(),
        compiler_params=pltpu.CompilerParams(use_tc_tiling_on_sc=False),
        scratch_types=[
            pltpu.VMEM((C, HL), jnp.float32),
            pltpu.VMEM((NCH, C), jnp.int32),
            pltpu.VMEM_SHARED((N, HL), jnp.float32),
            pltpu.SemaphoreType.DMA,
        ],
    )
    return kfn(row2d)


def _spmm_body(u, col2d, row2d, out, colv, rowv, g0, g1, g2, acc, gs0, gs1, gs2, ss, ss1, ss2):
    c = lax.axis_index("c")
    s = lax.axis_index("s")
    wid = c * NS + s

    def zfill(t, carry):
        g0[t // 8, pl.ds((t % 8) * 16, 16)] = jnp.zeros((16,), jnp.float32)
        return carry

    lax.fori_loop(0, ZR * 8, zfill, 0)

    def zcopy(i, carry):
        pltpu.async_copy(
            g0.at[pl.ds(0, ZR)], acc.at[pl.ds(s * ROWS_PT + i * ZR, ZR)], ss
        )
        return carry

    lax.fori_loop(0, N // NS // ZR, zcopy, 0)

    pltpu.sync_copy(col2d.at[pl.ds(wid * NCH, NCH)], colv)
    pltpu.sync_copy(row2d.at[pl.ds(wid * NCH, NCH)], rowv)

    bufs = (g0, g1, g2)
    gsems = (gs0, gs1, gs2)
    ssems = (ss, ss1, ss2)
    for i in (1, 2):
        pltpu.async_copy(u.at[colv.at[i]], bufs[i], gsems[i])

    def zdrain(i, carry):
        pltpu.make_async_copy(g0.at[pl.ds(0, ZR)], acc.at[pl.ds(s * ROWS_PT, ZR)], ss).wait()
        return carry

    lax.fori_loop(0, N // NS // ZR, zdrain, 0)
    pltpu.async_copy(u.at[colv.at[0]], g0, gs0)
    plsc.subcore_barrier()


    def step(t, carry):
        for i in range(3):
            j = 3 * t + i
            pltpu.make_async_copy(u.at[colv.at[j]], bufs[i], gsems[i]).wait()
            pltpu.async_copy(bufs[i], acc.at[rowv.at[j]], ssems[i], add=True)
            pltpu.make_async_copy(bufs[i], acc.at[rowv.at[j]], ssems[i]).wait()

            @pl.when(j + 3 < NCH)
            def _():
                pltpu.async_copy(u.at[colv.at[j + 3]], bufs[i], gsems[i])

        return carry

    lax.fori_loop(0, NCH // 3, step, 0)
    for k in range(NCH - 3 * (NCH // 3)):
        j = 3 * (NCH // 3) + k
        pltpu.make_async_copy(u.at[colv.at[j]], bufs[k], gsems[k]).wait()
        pltpu.sync_copy(bufs[k], acc.at[rowv.at[j]], add=True)

    plsc.subcore_barrier()
    pltpu.sync_copy(
        acc.at[pl.ds(s * ROWS_PT, ROWS_PT)], out.at[c, pl.ds(s * ROWS_PT, ROWS_PT)]
    )


def _spmm_partials(u, col2d, row2d):
    kfn = pl.kernel(
        _spmm_body,
        out_type=jax.ShapeDtypeStruct((NC, N, D), jnp.float32),
        mesh=_mesh(),
        compiler_params=pltpu.CompilerParams(use_tc_tiling_on_sc=False),
        scratch_types=[
            pltpu.VMEM((NCH, C), jnp.int32),
            pltpu.VMEM((NCH, C), jnp.int32),
            pltpu.VMEM((C, D), jnp.float32),
            pltpu.VMEM((C, D), jnp.float32),
            pltpu.VMEM((C, D), jnp.float32),
            pltpu.VMEM_SHARED((N, D), jnp.float32),
            pltpu.SemaphoreType.DMA,
            pltpu.SemaphoreType.DMA,
            pltpu.SemaphoreType.DMA,
            pltpu.SemaphoreType.DMA,
            pltpu.SemaphoreType.DMA,
            pltpu.SemaphoreType.DMA,
        ],
    )
    return kfn(u, col2d, row2d)


_BLK = 1000


def _prep_body(degp_ref, x_ref, dis_ref, u0_ref, out_ref):
    deg = degp_ref[0] + degp_ref[1]
    dis = jnp.where(deg > 0.0, lax.rsqrt(jnp.maximum(deg, 1e-30)), 0.0)
    dis_ref[...] = dis
    u0_ref[...] = dis[:, 0:1] * x_ref[...]
    out_ref[...] = x_ref[...]


def _prep(degp, x):
    return pl.pallas_call(
        _prep_body,
        grid=(N // _BLK,),
        in_specs=[
            pl.BlockSpec((NC, _BLK, HL), lambda i: (0, i, 0)),
            pl.BlockSpec((_BLK, D), lambda i: (i, 0)),
        ],
        out_specs=[
            pl.BlockSpec((_BLK, HL), lambda i: (i, 0)),
            pl.BlockSpec((_BLK, D), lambda i: (i, 0)),
            pl.BlockSpec((_BLK, D), lambda i: (i, 0)),
        ],
        out_shape=[
            jax.ShapeDtypeStruct((N, HL), jnp.float32),
            jax.ShapeDtypeStruct((N, D), jnp.float32),
            jax.ShapeDtypeStruct((N, (DEPTH + 1) * D), jnp.float32),
        ],
    )(degp, x)


def _combine_body(coef_ref, sp_ref, dis_ref, xk_ref, xkm1_ref, big_ref, *out_refs):
    del big_ref
    d = dis_ref[:, 0:1]
    adj = d * (sp_ref[0] + sp_ref[1])
    y = coef_ref[0] * adj + coef_ref[1] * xk_ref[...] + coef_ref[2] * xkm1_ref[...]
    out_refs[-1][...] = y
    if len(out_refs) == 3:
        out_refs[0][...] = y
        out_refs[1][...] = d * y


def _combine(coefs, sp, dis, xk, xkm1, big, lo, want_u):
    xk1_specs = (
        [
            pl.BlockSpec((_BLK, D), lambda i: (i, 0)),
            pl.BlockSpec((_BLK, D), lambda i: (i, 0)),
        ]
        if want_u
        else []
    )
    xk1_shapes = (
        [
            jax.ShapeDtypeStruct((N, D), jnp.float32),
            jax.ShapeDtypeStruct((N, D), jnp.float32),
        ]
        if want_u
        else []
    )
    return pl.pallas_call(
        _combine_body,
        grid=(N // _BLK,),
        in_specs=[
            pl.BlockSpec(memory_space=pltpu.SMEM),
            pl.BlockSpec((NC, _BLK, D), lambda i: (0, i, 0)),
            pl.BlockSpec((_BLK, HL), lambda i: (i, 0)),
            pl.BlockSpec((_BLK, D), lambda i: (i, 0)),
            pl.BlockSpec((_BLK, D), lambda i: (i, 0)),
            pl.BlockSpec(memory_space=pl.ANY),
        ],
        out_specs=xk1_specs
        + [pl.BlockSpec((_BLK, D), lambda i, lo=lo: (i, lo))],
        out_shape=xk1_shapes
        + [jax.ShapeDtypeStruct((N, (DEPTH + 1) * D), jnp.float32)],
        input_output_aliases={5: len(xk1_shapes)},
    )(coefs, sp, dis, xk, xkm1, big)


def kernel(x, edge_index, edge_attr, alphas):
    del edge_attr
    row2d = edge_index[0].reshape(E // C, C)
    col2d = edge_index[1].reshape(E // C, C)

    degp = _histogram(row2d)
    dis, u, big = _prep(degp, x)

    al = [BASEALPHA * jnp.tanh(alphas[i]) for i in range(DEPTH + 1)]
    a, b, l, r = A_P, B_P, L_P, R_P

    xk, xkm1 = x, x
    for lo in range(1, DEPTH + 1):
        sp = _spmm_partials(u, col2d, row2d)
        if lo == 1:
            coef1 = ((a - b) / 2 - (a + b + 2) / 2 * (l + r) / (r - l)) * al[0]
            coef2 = ((a + b + 2) / (r - l)) * al[0]
            c_adj, c_k, c_km1 = coef2, coef1, jnp.float32(0.0)
        else:
            coef_l = 2 * lo * (lo + a + b) * (2 * lo - 2 + a + b)
            coef_lm1_1 = (2 * lo + a + b - 1) * (2 * lo + a + b) * (2 * lo + a + b - 2)
            coef_lm1_2 = (2 * lo + a + b - 1) * (a**2 - b**2)
            coef_lm2 = 2 * (lo - 1 + a) * (lo - 1 + b) * (2 * lo + a + b)
            tmp1 = al[lo - 1] * (coef_lm1_1 / coef_l)
            tmp2 = al[lo - 1] * (coef_lm1_2 / coef_l)
            tmp3 = al[lo - 1] * al[lo - 2] * (coef_lm2 / coef_l)
            tmp1_2 = tmp1 * (2 / (r - l))
            tmp2_2 = tmp1 * ((r + l) / (r - l)) + tmp2
            c_adj, c_k, c_km1 = tmp1_2, -tmp2_2, -tmp3
        coefs = jnp.stack(
            [jnp.float32(c_adj), jnp.float32(c_k), jnp.float32(c_km1), jnp.float32(0.0)]
        )
        if lo < DEPTH:
            xk1, u, big = _combine(coefs, sp, dis, xk, xkm1, big, lo, True)
            xkm1, xk = xk, xk1
        else:
            (big,) = _combine(coefs, sp, dis, xk, xkm1, big, lo, False)

    return big.reshape(N, DEPTH + 1, D)

# --- scband reference (transcript-rebuilt; emitter-appended) ---
"""Pipeline reference for scband-jacobi-poly-conv-21414706938560 (READ-ONLY COPY).

The authoritative reference and input builder live on the scoring server;
editing this copy changes nothing except your own understanding.
"""

import jax, jax.numpy as jnp
import numpy as np

N = 10000
E = 320000
D = 128
DEPTH = 3
A_P = -1.0
B_P = 2.0
L_P = -1.0
R_P = 1.0
BASEALPHA = 1.0


def setup_inputs(seed: int = 0) -> dict:
    key = jax.random.key(seed)
    k1, k2 = jax.random.split(key, 2)
    x = jax.random.normal(k1, (N, D), dtype=jnp.float32)
    edge_index = jax.random.randint(k2, (2, E), 0, N)
    edge_attr = jnp.ones((E,), dtype=jnp.float32)
    # learned parameters: alphas, initialized to min(1/alpha, 1) = 1.0
    alphas = jnp.ones((DEPTH + 1,), dtype=jnp.float32)
    return {"x": x, "edge_index": edge_index, "edge_attr": edge_attr, "alphas": alphas}


def _spmm(row, col, val, m, n):
    # sparse adj @ dense: gather cols, scale, scatter-add by row
    return jax.ops.segment_sum(val[:, None] * m[col], row, num_segments=n)


def reference(x, edge_index, edge_attr, alphas):
    n = x.shape[0]
    row = edge_index[0]
    col = edge_index[1]
    # buildAdj with gcn normalization
    deg = jax.ops.segment_sum(edge_attr, row, num_segments=n)
    safe_deg = jnp.where(deg > 0, deg, 1.0)
    dis = jnp.where(deg > 0, safe_deg ** -0.5, 0.0)
    val = dis[row] * edge_attr * dis[col]

    al = [BASEALPHA * jnp.tanh(alphas[i]) for i in range(DEPTH + 1)]

    def adjmm(m):
        return _spmm(row, col, val, m, n)

    def jacobi(Lo, xs):
        a, b, l, r = A_P, B_P, L_P, R_P
        if Lo == 0:
            return xs[0]
        if Lo == 1:
            coef1 = ((a - b) / 2 - (a + b + 2) / 2 * (l + r) / (r - l)) * al[0]
            coef2 = ((a + b + 2) / (r - l)) * al[0]
            return coef1 * xs[-1] + coef2 * adjmm(xs[-1])
        coef_l = 2 * Lo * (Lo + a + b) * (2 * Lo - 2 + a + b)
        coef_lm1_1 = (2 * Lo + a + b - 1) * (2 * Lo + a + b) * (2 * Lo + a + b - 2)
        coef_lm1_2 = (2 * Lo + a + b - 1) * (a ** 2 - b ** 2)
        coef_lm2 = 2 * (Lo - 1 + a) * (Lo - 1 + b) * (2 * Lo + a + b)
        tmp1 = al[Lo - 1] * (coef_lm1_1 / coef_l)
        tmp2 = al[Lo - 1] * (coef_lm1_2 / coef_l)
        tmp3 = al[Lo - 1] * al[Lo - 2] * (coef_lm2 / coef_l)
        tmp1_2 = tmp1 * (2 / (r - l))
        tmp2_2 = tmp1 * ((r + l) / (r - l)) + tmp2
        nx = tmp1_2 * adjmm(xs[-1]) - tmp2_2 * xs[-1]
        nx = nx - tmp3 * xs[-2]
        return nx

    xs = [jacobi(0, [x])]
    for Lo in range(1, DEPTH + 1):
        xs.append(jacobi(Lo, xs))
    return jnp.stack(xs, axis=1)

if __name__ == "__main__":
    import jax
    _d = setup_inputs()
    print(jax.jit(kernel)(*tuple(_d.values())))

</pallas_src>

<mosaic_0001>
#map = affine_map<(d0, d1) -> (0, 0)>
#map1 = affine_map<(d0, d1) -> (0, 0, 0)>
module attributes {stable_mosaic.version = 14 : i64} {
  func.func @_spmm_body(%arg0: i32, %arg1: i32, %arg2: memref<10000x128xf32, #tpu.memory_space<hbm>>, %arg3: memref<4000x80xi32, #tpu.memory_space<hbm>>, %arg4: memref<4000x80xi32, #tpu.memory_space<hbm>>, %arg5: memref<2x10000x128xf32, #tpu.memory_space<hbm>>, %arg6: memref<125x80xi32, #tpu.memory_space<vmem>>, %arg7: memref<125x80xi32, #tpu.memory_space<vmem>>, %arg8: memref<80x128xf32, #tpu.memory_space<vmem>>, %arg9: memref<80x128xf32, #tpu.memory_space<vmem>>, %arg10: memref<80x128xf32, #tpu.memory_space<vmem>>, %arg11: memref<10000x128xf32, #tpu.memory_space<vmem_shared>>, %arg12: memref<!tpu.dma_semaphore, #tpu.memory_space<semaphore_mem>>, %arg13: memref<!tpu.dma_semaphore, #tpu.memory_space<semaphore_mem>>, %arg14: memref<!tpu.dma_semaphore, #tpu.memory_space<semaphore_mem>>, %arg15: memref<!tpu.dma_semaphore, #tpu.memory_space<semaphore_mem>>, %arg16: memref<!tpu.dma_semaphore, #tpu.memory_space<semaphore_mem>>, %arg17: memref<!tpu.dma_semaphore, #tpu.memory_space<semaphore_mem>>) attributes {dimension_semantics = [#tpu.dimension_semantics<core_parallel>, #tpu.dimension_semantics<subcore_parallel>], iteration_bounds = array<i64: 2, 16>, scalar_prefetch = 0 : i64, scratch_operands = 12 : i64, tpu.core_type = #tpu.core_type<sc_vector_subcore>, window_params = [{transform_indices = #map}, {transform_indices = #map}, {transform_indices = #map}, {transform_indices = #map1}]} {
    %mul3A = arith.constant 16 : i32
    %mul3A_0 = arith.muli %arg0, %mul3A : i32
    %add3A = arith.addi %mul3A_0, %arg1 : i32
    %scan3A = arith.constant 0 : i32
    %scan3A_1 = arith.constant 0 : i32
    %scan3A_2 = arith.constant 200 : i32
    %scan3A_3 = arith.addi %scan3A_1, %scan3A_2 : i32
    %scan3A_4 = arith.constant 1 : i32
    scf.for %scan3A_67 = %scan3A_1 to %scan3A_3 step %scan3A_4  : i32 {
      %broadcast_in_dim3A = arith.constant 0.000000e+00 : f32
      %broadcast_in_dim3A_68 = vector.broadcast %broadcast_in_dim3A : f32 to vector<16xf32>
      %jit3A = arith.constant 8 : i32
      %div3A = arith.divsi %scan3A_67, %jit3A : i32
      %sign3A = arith.constant 0 : i32
      %sign3A_69 = arith.cmpi sgt, %scan3A_67, %sign3A : i32
      %sign3A_70 = arith.extui %sign3A_69 : i1 to i32
      %sign3A_71 = arith.constant 0 : i32
      %sign3A_72 = arith.cmpi slt, %scan3A_67, %sign3A_71 : i32
      %sign3A_73 = arith.extui %sign3A_72 : i1 to i32
      %sign3A_74 = arith.subi %sign3A_70, %sign3A_73 : i32
      %sign3A_75 = arith.constant 0 : i32
      %sign3A_76 = arith.cmpi sgt, %jit3A, %sign3A_75 : i32
      %sign3A_77 = arith.extui %sign3A_76 : i1 to i32
      %sign3A_78 = arith.constant 0 : i32
      %sign3A_79 = arith.cmpi slt, %jit3A, %sign3A_78 : i32
      %sign3A_80 = arith.extui %sign3A_79 : i1 to i32
      %sign3A_81 = arith.subi %sign3A_77, %sign3A_80 : i32
      %ne3A = arith.cmpi ne, %sign3A_74, %sign3A_81 : i32
      %rem3A = arith.remsi %scan3A_67, %jit3A : i32
      %ne3A_82 = arith.constant 0 : i32
      %ne3A_83 = arith.cmpi ne, %rem3A, %ne3A_82 : i32
      %and3A = arith.andi %ne3A, %ne3A_83 : i1
      %sub3A = arith.constant 1 : i32
      %sub3A_84 = arith.subi %div3A, %sub3A : i32
      %select_n3A = arith.select %and3A, %sub3A_84, %div3A : i32
      %jit3A_85 = arith.constant 8 : i32
      %eq3A = arith.constant 0 : i32
      %eq3A_86 = arith.cmpi eq, %jit3A_85, %eq3A : i32
      %jit3A_87 = arith.constant 1 : i32
      %select_n3A_88 = arith.select %eq3A_86, %jit3A_87, %jit3A_85 : i32
      %rem3A_89 = arith.remsi %scan3A_67, %select_n3A_88 : i32
      %ne3A_90 = arith.constant 0 : i32
      %ne3A_91 = arith.cmpi ne, %rem3A_89, %ne3A_90 : i32
      %lt3A = arith.constant 0 : i32
      %lt3A_92 = arith.cmpi slt, %rem3A_89, %lt3A : i32
      %lt3A_93 = arith.constant 0 : i32
      %lt3A_94 = arith.cmpi slt, %select_n3A_88, %lt3A_93 : i32
      %ne3A_95 = arith.xori %lt3A_92, %lt3A_94 : i1
      %and3A_96 = arith.andi %ne3A_95, %ne3A_91 : i1
      %add3A_97 = arith.addi %rem3A_89, %select_n3A_88 : i32
      %select_n3A_98 = arith.select %and3A_96, %add3A_97, %rem3A_89 : i32
      %mul3A_99 = arith.constant 16 : i32
      %mul3A_100 = arith.muli %select_n3A_98, %mul3A_99 : i32
      %swap3A = arith.index_cast %select_n3A : i32 to index
      %swap3A_101 = arith.index_cast %mul3A_100 : i32 to index
      %swap3A_102 = tpu.vector_load %arg8[%swap3A, %swap3A_101] {strides = array<i32>} : memref<80x128xf32, #tpu.memory_space<vmem>>, vector<1x16xf32>,
      %swap3A_103 = vector.shape_cast %swap3A_102 : vector<1x16xf32> to vector<16xf32>
      %swap3A_104 = vector.shape_cast %broadcast_in_dim3A_68 : vector<16xf32> to vector<1x16xf32>
      tpu.vector_store %arg8[%swap3A, %swap3A_101], %swap3A_104 {strides = array<i32>} : memref<80x128xf32, #tpu.memory_space<vmem>>, vector<1x16xf32>,
    }
    %scan3A_5 = arith.constant 200 : i32
    %scan3A_6 = arith.constant 0 : i32
    %scan3A_7 = arith.constant 0 : i32
    %scan3A_8 = arith.constant 25 : i32
    %scan3A_9 = arith.addi %scan3A_7, %scan3A_8 : i32
    %scan3A_10 = arith.constant 1 : i32
    scf.for %scan3A_67 = %scan3A_7 to %scan3A_9 step %scan3A_10  : i32 {
      %mul3A_68 = arith.constant 625 : i32
      %mul3A_69 = arith.muli %arg1, %mul3A_68 : i32
      %mul3A_70 = arith.constant 25 : i32
      %mul3A_71 = arith.muli %scan3A_67, %mul3A_70 : i32
      %add3A_72 = arith.addi %mul3A_69, %mul3A_71 : i32
      %dma_start3A_73 = arith.constant 0 : i32
      %dma_start3A_74 = arith.constant 0 : i32
      %dma_start3A_75 = tpu.memref_slice %arg8[%dma_start3A_73, %dma_start3A_74] : memref<80x128xf32, #tpu.memory_space<vmem>> -> memref<25x128xf32, #tpu.memory_space<vmem>>
      %dma_start3A_76 = arith.constant 0 : i32
      %dma_start3A_77 = tpu.memref_slice %arg11[%add3A_72, %dma_start3A_76] : memref<10000x128xf32, #tpu.memory_space<vmem_shared>> -> memref<25x128xf32, #tpu.memory_space<vmem_shared>>
      %dma_start3A_78 = arith.constant 0 : i32
      %dma_start3A_79 = tpu.memref_slice %arg11[%add3A_72, %dma_start3A_78] : memref<10000x128xf32, #tpu.memory_space<vmem_shared>> -> memref<25x128xf32, #tpu.memory_space<vmem_shared>>
      %dma_start3A_80 = arith.constant 0 : i32
      %dma_start3A_81 = arith.constant 0 : i32
      %dma_start3A_82 = tpu.memref_slice %arg8[%dma_start3A_80, %dma_start3A_81] : memref<80x128xf32, #tpu.memory_space<vmem>> -> memref<25x128xf32, #tpu.memory_space<vmem>>
      tpu.enqueue_dma source(%dma_start3A_82 : memref<25x128xf32, #tpu.memory_space<vmem>>) target(%dma_start3A_79 : memref<25x128xf32, #tpu.memory_space<vmem_shared>>) target_semaphore(%arg15 : memref<!tpu.dma_semaphore, #tpu.memory_space<semaphore_mem>>)
    }
    %scan3A_11 = arith.constant 25 : i32
    %mul3A_12 = arith.constant 125 : i32
    %mul3A_13 = arith.muli %add3A, %mul3A_12 : i32
    "tpu.region"() ({
      %run_scoped3A_67 = tpu.sem_alloc : memref<!tpu.dma_semaphore, #tpu.memory_space<semaphore_mem>>
      %dma_start3A_68 = arith.constant 0 : i32
      %dma_start3A_69 = tpu.memref_slice %arg3[%mul3A_13, %dma_start3A_68] : memref<4000x80xi32, #tpu.memory_space<hbm>> -> memref<125x80xi32, #tpu.memory_space<hbm>>
      %dma_start3A_70 = arith.constant 0 : i32
      %dma_start3A_71 = tpu.memref_slice %arg3[%mul3A_13, %dma_start3A_70] : memref<4000x80xi32, #tpu.memory_space<hbm>> -> memref<125x80xi32, #tpu.memory_space<hbm>>
      tpu.enqueue_dma source(%dma_start3A_71 : memref<125x80xi32, #tpu.memory_space<hbm>>) target(%arg6 : memref<125x80xi32, #tpu.memory_space<vmem>>) target_semaphore(%run_scoped3A_67 : memref<!tpu.dma_semaphore, #tpu.memory_space<semaphore_mem>>)
      %dma_wait3A_72 = arith.constant 0 : i32
      %dma_wait3A_73 = tpu.memref_slice %arg3[%mul3A_13, %dma_wait3A_72] : memref<4000x80xi32, #tpu.memory_space<hbm>> -> memref<125x80xi32, #tpu.memory_space<hbm>>
      %dma_wait3A_74 = arith.constant 0 : i32
      %dma_wait3A_75 = tpu.memref_slice %arg3[%mul3A_13, %dma_wait3A_74] : memref<4000x80xi32, #tpu.memory_space<hbm>> -> memref<125x80xi32, #tpu.memory_space<hbm>>
      tpu.wait_dma2 semaphore(%run_scoped3A_67 : memref<!tpu.dma_semaphore, #tpu.memory_space<semaphore_mem>>) src(%dma_wait3A_75 : memref<125x80xi32, #tpu.memory_space<hbm>>) dst(%arg6 : memref<125x80xi32, #tpu.memory_space<vmem>>)
      tpu.yield
    }) : () -> ()
    %mul3A_14 = arith.constant 125 : i32
    %mul3A_15 = arith.muli %add3A, %mul3A_14 : i32
    "tpu.region"() ({
      %run_scoped3A_67 = tpu.sem_alloc : memref<!tpu.dma_semaphore, #tpu.memory_space<semaphore_mem>>
      %dma_start3A_68 = arith.constant 0 : i32
      %dma_start3A_69 = tpu.memref_slice %arg4[%mul3A_15, %dma_start3A_68] : memref<4000x80xi32, #tpu.memory_space<hbm>> -> memref<125x80xi32, #tpu.memory_space<hbm>>
      %dma_start3A_70 = arith.constant 0 : i32
      %dma_start3A_71 = tpu.memref_slice %arg4[%mul3A_15, %dma_start3A_70] : memref<4000x80xi32, #tpu.memory_space<hbm>> -> memref<125x80xi32, #tpu.memory_space<hbm>>
      tpu.enqueue_dma source(%dma_start3A_71 : memref<125x80xi32, #tpu.memory_space<hbm>>) target(%arg7 : memref<125x80xi32, #tpu.memory_space<vmem>>) target_semaphore(%run_scoped3A_67 : memref<!tpu.dma_semaphore, #tpu.memory_space<semaphore_mem>>)
      %dma_wait3A_72 = arith.constant 0 : i32
      %dma_wait3A_73 = tpu.memref_slice %arg4[%mul3A_15, %dma_wait3A_72] : memref<4000x80xi32, #tpu.memory_space<hbm>> -> memref<125x80xi32, #tpu.memory_space<hbm>>
      %dma_wait3A_74 = arith.constant 0 : i32
      %dma_wait3A_75 = tpu.memref_slice %arg4[%mul3A_15, %dma_wait3A_74] : memref<4000x80xi32, #tpu.memory_space<hbm>> -> memref<125x80xi32, #tpu.memory_space<hbm>>
      tpu.wait_dma2 semaphore(%run_scoped3A_67 : memref<!tpu.dma_semaphore, #tpu.memory_space<semaphore_mem>>) src(%dma_wait3A_75 : memref<125x80xi32, #tpu.memory_space<hbm>>) dst(%arg7 : memref<125x80xi32, #tpu.memory_space<vmem>>)
      tpu.yield
    }) : () -> ()
    %dma_start3A = arith.constant 1 : i32
    %dma_start3A_16 = arith.constant 0 : i32
    %dma_start3A_17 = tpu.memref_slice %arg6[%dma_start3A, %dma_start3A_16] : memref<125x80xi32, #tpu.memory_space<vmem>> -> memref<1x80xi32, #tpu.memory_space<vmem>>
    %dma_start3A_18 = tpu.memref_squeeze %dma_start3A_17 : memref<1x80xi32, #tpu.memory_space<vmem>> -> memref<80xi32, #tpu.memory_space<vmem>>
    %dma_start3A_19 = arith.constant 0 : i32
    %dma_start3A_20 = arith.constant 0 : i32
    %dma_start3A_21 = tpu.memref_slice %arg2[%dma_start3A_19, %dma_start3A_20] : memref<10000x128xf32, #tpu.memory_space<hbm>> -> memref<10000x128xf32, #tpu.memory_space<hbm>>
    tpu.enqueue_indirect_dma source(%dma_start3A_21 : memref<10000x128xf32, #tpu.memory_space<hbm>>) target(%arg9 : memref<80x128xf32, #tpu.memory_space<vmem>>) offsets(%dma_start3A_18 : memref<80xi32, #tpu.memory_space<vmem>>) semaphore(%arg13 : memref<!tpu.dma_semaphore, #tpu.memory_space<semaphore_mem>>)
    %dma_start3A_22 = arith.constant 2 : i32
    %dma_start3A_23 = arith.constant 0 : i32
    %dma_start3A_24 = tpu.memref_slice %arg6[%dma_start3A_22, %dma_start3A_23] : memref<125x80xi32, #tpu.memory_space<vmem>> -> memref<1x80xi32, #tpu.memory_space<vmem>>
    %dma_start3A_25 = tpu.memref_squeeze %dma_start3A_24 : memref<1x80xi32, #tpu.memory_space<vmem>> -> memref<80xi32, #tpu.memory_space<vmem>>
    %dma_start3A_26 = arith.constant 0 : i32
    %dma_start3A_27 = arith.constant 0 : i32
    %dma_start3A_28 = tpu.memref_slice %arg2[%dma_start3A_26, %dma_start3A_27] : memref<10000x128xf32, #tpu.memory_space<hbm>> -> memref<10000x128xf32, #tpu.memory_space<hbm>>
    tpu.enqueue_indirect_dma source(%dma_start3A_28 : memref<10000x128xf32, #tpu.memory_space<hbm>>) target(%arg10 : memref<80x128xf32, #tpu.memory_space<vmem>>) offsets(%dma_start3A_25 : memref<80xi32, #tpu.memory_space<vmem>>) semaphore(%arg14 : memref<!tpu.dma_semaphore, #tpu.memory_space<semaphore_mem>>)
    %scan3A_29 = arith.constant 0 : i32
    %scan3A_30 = arith.constant 0 : i32
    %scan3A_31 = arith.constant 25 : i32
    %scan3A_32 = arith.addi %scan3A_30, %scan3A_31 : i32
    %scan3A_33 = arith.constant 1 : i32
    scf.for %scan3A_67 = %scan3A_30 to %scan3A_32 step %scan3A_33  : i32 {
      %mul3A_68 = arith.constant 625 : i32
      %mul3A_69 = arith.muli %arg1, %mul3A_68 : i32
      %dma_wait3A_70 = arith.constant 0 : i32
      %dma_wait3A_71 = arith.constant 0 : i32
      %dma_wait3A_72 = tpu.memref_slice %arg8[%dma_wait3A_70, %dma_wait3A_71] : memref<80x128xf32, #tpu.memory_space<vmem>> -> memref<25x128xf32, #tpu.memory_space<vmem>>
      %dma_wait3A_73 = arith.constant 0 : i32
      %dma_wait3A_74 = tpu.memref_slice %arg11[%mul3A_69, %dma_wait3A_73] : memref<10000x128xf32, #tpu.memory_space<vmem_shared>> -> memref<25x128xf32, #tpu.memory_space<vmem_shared>>
      %dma_wait3A_75 = arith.constant 0 : i32
      %dma_wait3A_76 = tpu.memref_slice %arg11[%mul3A_69, %dma_wait3A_75] : memref<10000x128xf32, #tpu.memory_space<vmem_shared>> -> memref<25x128xf32, #tpu.memory_space<vmem_shared>>
      %dma_wait3A_77 = arith.constant 0 : i32
      %dma_wait3A_78 = arith.constant 0 : i32
      %dma_wait3A_79 = tpu.memref_slice %arg8[%dma_wait3A_77, %dma_wait3A_78] : memref<80x128xf32, #tpu.memory_space<vmem>> -> memref<25x128xf32, #tpu.memory_space<vmem>>
      tpu.wait_dma2 semaphore(%arg15 : memref<!tpu.dma_semaphore, #tpu.memory_space<semaphore_mem>>) src(%dma_wait3A_79 : memref<25x128xf32, #tpu.memory_space<vmem>>) dst(%dma_wait3A_76 : memref<25x128xf32, #tpu.memory_space<vmem_shared>>)
    }
    %scan3A_34 = arith.constant 25 : i32
    %dma_start3A_35 = arith.constant 0 : i32
    %dma_start3A_36 = arith.constant 0 : i32
    %dma_start3A_37 = tpu.memref_slice %arg6[%dma_start3A_35, %dma_start3A_36] : memref<125x80xi32, #tpu.memory_space<vmem>> -> memref<1x80xi32, #tpu.memory_space<vmem>>
    %dma_start3A_38 = tpu.memref_squeeze %dma_start3A_37 : memref<1x80xi32, #tpu.memory_space<vmem>> -> memref<80xi32, #tpu.memory_space<vmem>>
    %dma_start3A_39 = arith.constant 0 : i32
    %dma_start3A_40 = arith.constant 0 : i32
    %dma_start3A_41 = tpu.memref_slice %arg2[%dma_start3A_39, %dma_start3A_40] : memref<10000x128xf32, #tpu.memory_space<hbm>> -> memref<10000x128xf32, #tpu.memory_space<hbm>>
    tpu.enqueue_indirect_dma source(%dma_start3A_41 : memref<10000x128xf32, #tpu.memory_space<hbm>>) target(%arg8 : memref<80x128xf32, #tpu.memory_space<vmem>>) offsets(%dma_start3A_38 : memref<80xi32, #tpu.memory_space<vmem>>) semaphore(%arg12 : memref<!tpu.dma_semaphore, #tpu.memory_space<semaphore_mem>>)
    %barrier3A = arith.constant 0 : index
    tpu.barrier barrier_id(%barrier3A)
    %scan3A_42 = arith.constant 0 : i32
    %scan3A_43 = arith.constant 0 : i32
    %scan3A_44 = arith.constant 41 : i32
    %scan3A_45 = arith.addi %scan3A_43, %scan3A_44 : i32
    %scan3A_46 = arith.constant 1 : i32
    scf.for %scan3A_67 = %scan3A_43 to %scan3A_45 step %scan3A_46  : i32 {
      %mul3A_68 = arith.constant 3 : i32
      %mul3A_69 = arith.muli %mul3A_68, %scan3A_67 : i32
      %add3A_70 = arith.constant 0 : i32
      %add3A_71 = arith.addi %mul3A_69, %add3A_70 : i32
      %dma_wait3A_72 = arith.constant 0 : i32
      %dma_wait3A_73 = tpu.memref_slice %arg6[%add3A_71, %dma_wait3A_72] : memref<125x80xi32, #tpu.memory_space<vmem>> -> memref<1x80xi32, #tpu.memory_space<vmem>>
      %dma_wait3A_74 = tpu.memref_squeeze %dma_wait3A_73 : memref<1x80xi32, #tpu.memory_space<vmem>> -> memref<80xi32, #tpu.memory_space<vmem>>
      %dma_wait3A_75 = arith.constant 0 : i32
      %dma_wait3A_76 = arith.constant 0 : i32
      %dma_wait3A_77 = tpu.memref_slice %arg2[%dma_wait3A_75, %dma_wait3A_76] : memref<10000x128xf32, #tpu.memory_space<hbm>> -> memref<10000x128xf32, #tpu.memory_space<hbm>>
      tpu.wait_indirect_dma semaphore(%arg12 : memref<!tpu.dma_semaphore, #tpu.memory_space<semaphore_mem>>) src(%dma_wait3A_77 : memref<10000x128xf32, #tpu.memory_space<hbm>>) dst(%arg8 : memref<80x128xf32, #tpu.memory_space<vmem>>)
      %dma_start3A_78 = arith.constant 0 : i32
      %dma_start3A_79 = tpu.memref_slice %arg7[%add3A_71, %dma_start3A_78] : memref<125x80xi32, #tpu.memory_space<vmem>> -> memref<1x80xi32, #tpu.memory_space<vmem>>
      %dma_start3A_80 = tpu.memref_squeeze %dma_start3A_79 : memref<1x80xi32, #tpu.memory_space<vmem>> -> memref<80xi32, #tpu.memory_space<vmem>>
      %dma_start3A_81 = arith.constant 0 : i32
      %dma_start3A_82 = arith.constant 0 : i32
      %dma_start3A_83 = tpu.memref_slice %arg11[%dma_start3A_81, %dma_start3A_82] : memref<10000x128xf32, #tpu.memory_space<vmem_shared>> -> memref<10000x128xf32, #tpu.memory_space<vmem_shared>>
      tpu.enqueue_indirect_dma source(%arg8 : memref<80x128xf32, #tpu.memory_space<vmem>>) target(%dma_start3A_83 : memref<10000x128xf32, #tpu.memory_space<vmem_shared>>) offsets(%dma_start3A_80 : memref<80xi32, #tpu.memory_space<vmem>>) semaphore(%arg15 : memref<!tpu.dma_semaphore, #tpu.memory_space<semaphore_mem>>) {add = true}
      %dma_wait3A_84 = arith.constant 0 : i32
      %dma_wait3A_85 = tpu.memref_slice %arg7[%add3A_71, %dma_wait3A_84] : memref<125x80xi32, #tpu.memory_space<vmem>> -> memref<1x80xi32, #tpu.memory_space<vmem>>
      %dma_wait3A_86 = tpu.memref_squeeze %dma_wait3A_85 : memref<1x80xi32, #tpu.memory_space<vmem>> -> memref<80xi32, #tpu.memory_space<vmem>>
      %dma_wait3A_87 = arith.constant 0 : i32
      %dma_wait3A_88 = arith.constant 0 : i32
      %dma_wait3A_89 = tpu.memref_slice %arg11[%dma_wait3A_87, %dma_wait3A_88] : memref<10000x128xf32, #tpu.memory_space<vmem_shared>> -> memref<10000x128xf32, #tpu.memory_space<vmem_shared>>
      tpu.wait_indirect_dma semaphore(%arg15 : memref<!tpu.dma_semaphore, #tpu.memory_space<semaphore_mem>>) src(%arg8 : memref<80x128xf32, #tpu.memory_space<vmem>>) dst(%dma_wait3A_89 : memref<10000x128xf32, #tpu.memory_space<vmem_shared>>)
      %add3A_90 = arith.constant 3 : i32
      %add3A_91 = arith.addi %add3A_71, %add3A_90 : i32
      %lt3A = arith.constant 125 : i32
      %lt3A_92 = arith.cmpi slt, %add3A_91, %lt3A : i32
      %convert_element_type3A = arith.extui %lt3A_92 : i1 to i32
      %cond3A = arith.constant 0 : i32
      %cond3A_93 = arith.cmpi ne, %convert_element_type3A, %cond3A : i32
      scf.if %cond3A_93 {
        %add3A_152 = arith.constant 3 : i32
        %add3A_153 = arith.addi %add3A_71, %add3A_152 : i32
        %dma_start3A_154 = arith.constant 0 : i32
        %dma_start3A_155 = tpu.memref_slice %arg6[%add3A_153, %dma_start3A_154] : memref<125x80xi32, #tpu.memory_space<vmem>> -> memref<1x80xi32, #tpu.memory_space<vmem>>
        %dma_start3A_156 = tpu.memref_squeeze %dma_start3A_155 : memref<1x80xi32, #tpu.memory_space<vmem>> -> memref<80xi32, #tpu.memory_space<vmem>>
        %dma_start3A_157 = arith.constant 0 : i32
        %dma_start3A_158 = arith.constant 0 : i32
        %dma_start3A_159 = tpu.memref_slice %arg2[%dma_start3A_157, %dma_start3A_158] : memref<10000x128xf32, #tpu.memory_space<hbm>> -> memref<10000x128xf32, #tpu.memory_space<hbm>>
        tpu.enqueue_indirect_dma source(%dma_start3A_159 : memref<10000x128xf32, #tpu.memory_space<hbm>>) target(%arg8 : memref<80x128xf32, #tpu.memory_space<vmem>>) offsets(%dma_start3A_156 : memref<80xi32, #tpu.memory_space<vmem>>) semaphore(%arg12 : memref<!tpu.dma_semaphore, #tpu.memory_space<semaphore_mem>>)
      } else {
      }
      %mul3A_94 = arith.constant 3 : i32
      %mul3A_95 = arith.muli %mul3A_94, %scan3A_67 : i32
      %add3A_96 = arith.constant 1 : i32
      %add3A_97 = arith.addi %mul3A_95, %add3A_96 : i32
      %dma_wait3A_98 = arith.constant 0 : i32
      %dma_wait3A_99 = tpu.memref_slice %arg6[%add3A_97, %dma_wait3A_98] : memref<125x80xi32, #tpu.memory_space<vmem>> -> memref<1x80xi32, #tpu.memory_space<vmem>>
      %dma_wait3A_100 = tpu.memref_squeeze %dma_wait3A_99 : memref<1x80xi32, #tpu.memory_space<vmem>> -> memref<80xi32, #tpu.memory_space<vmem>>
      %dma_wait3A_101 = arith.constant 0 : i32
      %dma_wait3A_102 = arith.constant 0 : i32
      %dma_wait3A_103 = tpu.memref_slice %arg2[%dma_wait3A_101, %dma_wait3A_102] : memref<10000x128xf32, #tpu.memory_space<hbm>> -> memref<10000x128xf32, #tpu.memory_space<hbm>>
      tpu.wait_indirect_dma semaphore(%arg13 : memref<!tpu.dma_semaphore, #tpu.memory_space<semaphore_mem>>) src(%dma_wait3A_103 : memref<10000x128xf32, #tpu.memory_space<hbm>>) dst(%arg9 : memref<80x128xf32, #tpu.memory_space<vmem>>)
      %dma_start3A_104 = arith.constant 0 : i32
      %dma_start3A_105 = tpu.memref_slice %arg7[%add3A_97, %dma_start3A_104] : memref<125x80xi32, #tpu.memory_space<vmem>> -> memref<1x80xi32, #tpu.memory_space<vmem>>
      %dma_start3A_106 = tpu.memref_squeeze %dma_start3A_105 : memref<1x80xi32, #tpu.memory_space<vmem>> -> memref<80xi32, #tpu.memory_space<vmem>>
      %dma_start3A_107 = arith.constant 0 : i32
      %dma_start3A_108 = arith.constant 0 : i32
      %dma_start3A_109 = tpu.memref_slice %arg11[%dma_start3A_107, %dma_start3A_108] : memref<10000x128xf32, #tpu.memory_space<vmem_shared>> -> memref<10000x128xf32, #tpu.memory_space<vmem_shared>>
      tpu.enqueue_indirect_dma source(%arg9 : memref<80x128xf32, #tpu.memory_space<vmem>>) target(%dma_start3A_109 : memref<10000x128xf32, #tpu.memory_space<vmem_shared>>) offsets(%dma_start3A_106 : memref<80xi32, #tpu.memory_space<vmem>>) semaphore(%arg16 : memref<!tpu.dma_semaphore, #tpu.memory_space<semaphore_mem>>) {add = true}
      %dma_wait3A_110 = arith.constant 0 : i32
      %dma_wait3A_111 = tpu.memref_slice %arg7[%add3A_97, %dma_wait3A_110] : memref<125x80xi32, #tpu.memory_space<vmem>> -> memref<1x80xi32, #tpu.memory_space<vmem>>
      %dma_wait3A_112 = tpu.memref_squeeze %dma_wait3A_111 : memref<1x80xi32, #tpu.memory_space<vmem>> -> memref<80xi32, #tpu.memory_space<vmem>>
      %dma_wait3A_113 = arith.constant 0 : i32
      %dma_wait3A_114 = arith.constant 0 : i32
      %dma_wait3A_115 = tpu.memref_slice %arg11[%dma_wait3A_113, %dma_wait3A_114] : memref<10000x128xf32, #tpu.memory_space<vmem_shared>> -> memref<10000x128xf32, #tpu.memory_space<vmem_shared>>
      tpu.wait_indirect_dma semaphore(%arg16 : memref<!tpu.dma_semaphore, #tpu.memory_space<semaphore_mem>>) src(%arg9 : memref<80x128xf32, #tpu.memory_space<vmem>>) dst(%dma_wait3A_115 : memref<10000x128xf32, #tpu.memory_space<vmem_shared>>)
      %add3A_116 = arith.constant 3 : i32
      %add3A_117 = arith.addi %add3A_97, %add3A_116 : i32
      %lt3A_118 = arith.constant 125 : i32
      %lt3A_119 = arith.cmpi slt, %add3A_117, %lt3A_118 : i32
      %convert_element_type3A_120 = arith.extui %lt3A_119 : i1 to i32
      %cond3A_121 = arith.constant 0 : i32
      %cond3A_122 = arith.cmpi ne, %convert_element_type3A_120, %cond3A_121 : i32
      scf.if %cond3A_122 {
        %add3A_152 = arith.constant 3 : i32
        %add3A_153 = arith.addi %add3A_97, %add3A_152 : i32
        %dma_start3A_154 = arith.constant 0 : i32
        %dma_start3A_155 = tpu.memref_slice %arg6[%add3A_153, %dma_start3A_154] : memref<125x80xi32, #tpu.memory_space<vmem>> -> memref<1x80xi32, #tpu.memory_space<vmem>>
        %dma_start3A_156 = tpu.memref_squeeze %dma_start3A_155 : memref<1x80xi32, #tpu.memory_space<vmem>> -> memref<80xi32, #tpu.memory_space<vmem>>
        %dma_start3A_157 = arith.constant 0 : i32
        %dma_start3A_158 = arith.constant 0 : i32
        %dma_start3A_159 = tpu.memref_slice %arg2[%dma_start3A_157, %dma_start3A_158] : memref<10000x128xf32, #tpu.memory_space<hbm>> -> memref<10000x128xf32, #tpu.memory_space<hbm>>
        tpu.enqueue_indirect_dma source(%dma_start3A_159 : memref<10000x128xf32, #tpu.memory_space<hbm>>) target(%arg9 : memref<80x128xf32, #tpu.memory_space<vmem>>) offsets(%dma_start3A_156 : memref<80xi32, #tpu.memory_space<vmem>>) semaphore(%arg13 : memref<!tpu.dma_semaphore, #tpu.memory_space<semaphore_mem>>)
      } else {
      }
      %mul3A_123 = arith.constant 3 : i32
      %mul3A_124 = arith.muli %mul3A_123, %scan3A_67 : i32
      %add3A_125 = arith.constant 2 : i32
      %add3A_126 = arith.addi %mul3A_124, %add3A_125 : i32
      %dma_wait3A_127 = arith.constant 0 : i32
      %dma_wait3A_128 = tpu.memref_slice %arg6[%add3A_126, %dma_wait3A_127] : memref<125x80xi32, #tpu.memory_space<vmem>> -> memref<1x80xi32, #tpu.memory_space<vmem>>
      %dma_wait3A_129 = tpu.memref_squeeze %dma_wait3A_128 : memref<1x80xi32, #tpu.memory_space<vmem>> -> memref<80xi32, #tpu.memory_space<vmem>>
      %dma_wait3A_130 = arith.constant 0 : i32
      %dma_wait3A_131 = arith.constant 0 : i32
      %dma_wait3A_132 = tpu.memref_slice %arg2[%dma_wait3A_130, %dma_wait3A_131] : memref<10000x128xf32, #tpu.memory_space<hbm>> -> memref<10000x128xf32, #tpu.memory_space<hbm>>
      tpu.wait_indirect_dma semaphore(%arg14 : memref<!tpu.dma_semaphore, #tpu.memory_space<semaphore_mem>>) src(%dma_wait3A_132 : memref<10000x128xf32, #tpu.memory_space<hbm>>) dst(%arg10 : memref<80x128xf32, #tpu.memory_space<vmem>>)
      %dma_start3A_133 = arith.constant 0 : i32
      %dma_start3A_134 = tpu.memref_slice %arg7[%add3A_126, %dma_start3A_133] : memref<125x80xi32, #tpu.memory_space<vmem>> -> memref<1x80xi32, #tpu.memory_space<vmem>>
      %dma_start3A_135 = tpu.memref_squeeze %dma_start3A_134 : memref<1x80xi32, #tpu.memory_space<vmem>> -> memref<80xi32, #tpu.memory_space<vmem>>
      %dma_start3A_136 = arith.constant 0 : i32
      %dma_start3A_137 = arith.constant 0 : i32
      %dma_start3A_138 = tpu.memref_slice %arg11[%dma_start3A_136, %dma_start3A_137] : memref<10000x128xf32, #tpu.memory_space<vmem_shared>> -> memref<10000x128xf32, #tpu.memory_space<vmem_shared>>
      tpu.enqueue_indirect_dma source(%arg10 : memref<80x128xf32, #tpu.memory_space<vmem>>) target(%dma_start3A_138 : memref<10000x128xf32, #tpu.memory_space<vmem_shared>>) offsets(%dma_start3A_135 : memref<80xi32, #tpu.memory_space<vmem>>) semaphore(%arg17 : memref<!tpu.dma_semaphore, #tpu.memory_space<semaphore_mem>>) {add = true}
      %dma_wait3A_139 = arith.constant 0 : i32
      %dma_wait3A_140 = tpu.memref_slice %arg7[%add3A_126, %dma_wait3A_139] : memref<125x80xi32, #tpu.memory_space<vmem>> -> memref<1x80xi32, #tpu.memory_space<vmem>>
      %dma_wait3A_141 = tpu.memref_squeeze %dma_wait3A_140 : memref<1x80xi32, #tpu.memory_space<vmem>> -> memref<80xi32, #tpu.memory_space<vmem>>
      %dma_wait3A_142 = arith.constant 0 : i32
      %dma_wait3A_143 = arith.constant 0 : i32
      %dma_wait3A_144 = tpu.memref_slice %arg11[%dma_wait3A_142, %dma_wait3A_143] : memref<10000x128xf32, #tpu.memory_space<vmem_shared>> -> memref<10000x128xf32, #tpu.memory_space<vmem_shared>>
      tpu.wait_indirect_dma semaphore(%arg17 : memref<!tpu.dma_semaphore, #tpu.memory_space<semaphore_mem>>) src(%arg10 : memref<80x128xf32, #tpu.memory_space<vmem>>) dst(%dma_wait3A_144 : memref<10000x128xf32, #tpu.memory_space<vmem_shared>>)
      %add3A_145 = arith.constant 3 : i32
      %add3A_146 = arith.addi %add3A_126, %add3A_145 : i32
      %lt3A_147 = arith.constant 125 : i32
      %lt3A_148 = arith.cmpi slt, %add3A_146, %lt3A_147 : i32
      %convert_element_type3A_149 = arith.extui %lt3A_148 : i1 to i32
      %cond3A_150 = arith.constant 0 : i32
      %cond3A_151 = arith.cmpi ne, %convert_element_type3A_149, %cond3A_150 : i32
      scf.if %cond3A_151 {
        %add3A_152 = arith.constant 3 : i32
        %add3A_153 = arith.addi %add3A_126, %add3A_152 : i32
        %dma_start3A_154 = arith.constant 0 : i32
        %dma_start3A_155 = tpu.memref_slice %arg6[%add3A_153, %dma_start3A_154] : memref<125x80xi32, #tpu.memory_space<vmem>> -> memref<1x80xi32, #tpu.memory_space<vmem>>
        %dma_start3A_156 = tpu.memref_squeeze %dma_start3A_155 : memref<1x80xi32, #tpu.memory_space<vmem>> -> memref<80xi32, #tpu.memory_space<vmem>>
        %dma_start3A_157 = arith.constant 0 : i32
        %dma_start3A_158 = arith.constant 0 : i32
        %dma_start3A_159 = tpu.memref_slice %arg2[%dma_start3A_157, %dma_start3A_158] : memref<10000x128xf32, #tpu.memory_space<hbm>> -> memref<10000x128xf32, #tpu.memory_space<hbm>>
        tpu.enqueue_indirect_dma source(%dma_start3A_159 : memref<10000x128xf32, #tpu.memory_space<hbm>>) target(%arg10 : memref<80x128xf32, #tpu.memory_space<vmem>>) offsets(%dma_start3A_156 : memref<80xi32, #tpu.memory_space<vmem>>) semaphore(%arg14 : memref<!tpu.dma_semaphore, #tpu.memory_space<semaphore_mem>>)
      } else {
      }
    }
    %scan3A_47 = arith.constant 41 : i32
    %dma_wait3A = arith.constant 123 : i32
    %dma_wait3A_48 = arith.constant 0 : i32
    %dma_wait3A_49 = tpu.memref_slice %arg6[%dma_wait3A, %dma_wait3A_48] : memref<125x80xi32, #tpu.memory_space<vmem>> -> memref<1x80xi32, #tpu.memory_space<vmem>>
    %dma_wait3A_50 = tpu.memref_squeeze %dma_wait3A_49 : memref<1x80xi32, #tpu.memory_space<vmem>> -> memref<80xi32, #tpu.memory_space<vmem>>
    %dma_wait3A_51 = arith.constant 0 : i32
    %dma_wait3A_52 = arith.constant 0 : i32
    %dma_wait3A_53 = tpu.memref_slice %arg2[%dma_wait3A_51, %dma_wait3A_52] : memref<10000x128xf32, #tpu.memory_space<hbm>> -> memref<10000x128xf32, #tpu.memory_space<hbm>>
    tpu.wait_indirect_dma semaphore(%arg12 : memref<!tpu.dma_semaphore, #tpu.memory_space<semaphore_mem>>) src(%dma_wait3A_53 : memref<10000x128xf32, #tpu.memory_space<hbm>>) dst(%arg8 : memref<80x128xf32, #tpu.memory_space<vmem>>)
    %run_scoped3A = arith.constant 123 : i32
    "tpu.region"() ({
      %run_scoped3A_67 = tpu.sem_alloc : memref<!tpu.dma_semaphore, #tpu.memory_space<semaphore_mem>>
      %dma_start3A_68 = arith.constant 0 : i32
      %dma_start3A_69 = tpu.memref_slice %arg7[%run_scoped3A, %dma_start3A_68] : memref<125x80xi32, #tpu.memory_space<vmem>> -> memref<1x80xi32, #tpu.memory_space<vmem>>
      %dma_start3A_70 = tpu.memref_squeeze %dma_start3A_69 : memref<1x80xi32, #tpu.memory_space<vmem>> -> memref<80xi32, #tpu.memory_space<vmem>>
      %dma_start3A_71 = arith.constant 0 : i32
      %dma_start3A_72 = arith.constant 0 : i32
      %dma_start3A_73 = tpu.memref_slice %arg11[%dma_start3A_71, %dma_start3A_72] : memref<10000x128xf32, #tpu.memory_space<vmem_shared>> -> memref<10000x128xf32, #tpu.memory_space<vmem_shared>>
      tpu.enqueue_indirect_dma source(%arg8 : memref<80x128xf32, #tpu.memory_space<vmem>>) target(%dma_start3A_73 : memref<10000x128xf32, #tpu.memory_space<vmem_shared>>) offsets(%dma_start3A_70 : memref<80xi32, #tpu.memory_space<vmem>>) semaphore(%run_scoped3A_67 : memref<!tpu.dma_semaphore, #tpu.memory_space<semaphore_mem>>) {add = true}
      %dma_wait3A_74 = arith.constant 0 : i32
      %dma_wait3A_75 = tpu.memref_slice %arg7[%run_scoped3A, %dma_wait3A_74] : memref<125x80xi32, #tpu.memory_space<vmem>> -> memref<1x80xi32, #tpu.memory_space<vmem>>
      %dma_wait3A_76 = tpu.memref_squeeze %dma_wait3A_75 : memref<1x80xi32, #tpu.memory_space<vmem>> -> memref<80xi32, #tpu.memory_space<vmem>>
      %dma_wait3A_77 = arith.constant 0 : i32
      %dma_wait3A_78 = arith.constant 0 : i32
      %dma_wait3A_79 = tpu.memref_slice %arg11[%dma_wait3A_77, %dma_wait3A_78] : memref<10000x128xf32, #tpu.memory_space<vmem_shared>> -> memref<10000x128xf32, #tpu.memory_space<vmem_shared>>
      tpu.wait_indirect_dma semaphore(%run_scoped3A_67 : memref<!tpu.dma_semaphore, #tpu.memory_space<semaphore_mem>>) src(%arg8 : memref<80x128xf32, #tpu.memory_space<vmem>>) dst(%dma_wait3A_79 : memref<10000x128xf32, #tpu.memory_space<vmem_shared>>)
      tpu.yield
    }) : () -> ()
    %dma_wait3A_54 = arith.constant 124 : i32
    %dma_wait3A_55 = arith.constant 0 : i32
    %dma_wait3A_56 = tpu.memref_slice %arg6[%dma_wait3A_54, %dma_wait3A_55] : memref<125x80xi32, #tpu.memory_space<vmem>> -> memref<1x80xi32, #tpu.memory_space<vmem>>
    %dma_wait3A_57 = tpu.memref_squeeze %dma_wait3A_56 : memref<1x80xi32, #tpu.memory_space<vmem>> -> memref<80xi32, #tpu.memory_space<vmem>>
    %dma_wait3A_58 = arith.constant 0 : i32
    %dma_wait3A_59 = arith.constant 0 : i32
    %dma_wait3A_60 = tpu.memref_slice %arg2[%dma_wait3A_58, %dma_wait3A_59] : memref<10000x128xf32, #tpu.memory_space<hbm>> -> memref<10000x128xf32, #tpu.memory_space<hbm>>
    tpu.wait_indirect_dma semaphore(%arg13 : memref<!tpu.dma_semaphore, #tpu.memory_space<semaphore_mem>>) src(%dma_wait3A_60 : memref<10000x128xf32, #tpu.memory_space<hbm>>) dst(%arg9 : memref<80x128xf32, #tpu.memory_space<vmem>>)
    %run_scoped3A_61 = arith.constant 124 : i32
    "tpu.region"() ({
      %run_scoped3A_67 = tpu.sem_alloc : memref<!tpu.dma_semaphore, #tpu.memory_space<semaphore_mem>>
      %dma_start3A_68 = arith.constant 0 : i32
      %dma_start3A_69 = tpu.memref_slice %arg7[%run_scoped3A_61, %dma_start3A_68] : memref<125x80xi32, #tpu.memory_space<vmem>> -> memref<1x80xi32, #tpu.memory_space<vmem>>
      %dma_start3A_70 = tpu.memref_squeeze %dma_start3A_69 : memref<1x80xi32, #tpu.memory_space<vmem>> -> memref<80xi32, #tpu.memory_space<vmem>>
      %dma_start3A_71 = arith.constant 0 : i32
      %dma_start3A_72 = arith.constant 0 : i32
      %dma_start3A_73 = tpu.memref_slice %arg11[%dma_start3A_71, %dma_start3A_72] : memref<10000x128xf32, #tpu.memory_space<vmem_shared>> -> memref<10000x128xf32, #tpu.memory_space<vmem_shared>>
      tpu.enqueue_indirect_dma source(%arg9 : memref<80x128xf32, #tpu.memory_space<vmem>>) target(%dma_start3A_73 : memref<10000x128xf32, #tpu.memory_space<vmem_shared>>) offsets(%dma_start3A_70 : memref<80xi32, #tpu.memory_space<vmem>>) semaphore(%run_scoped3A_67 : memref<!tpu.dma_semaphore, #tpu.memory_space<semaphore_mem>>) {add = true}
      %dma_wait3A_74 = arith.constant 0 : i32
      %dma_wait3A_75 = tpu.memref_slice %arg7[%run_scoped3A_61, %dma_wait3A_74] : memref<125x80xi32, #tpu.memory_space<vmem>> -> memref<1x80xi32, #tpu.memory_space<vmem>>
      %dma_wait3A_76 = tpu.memref_squeeze %dma_wait3A_75 : memref<1x80xi32, #tpu.memory_space<vmem>> -> memref<80xi32, #tpu.memory_space<vmem>>
      %dma_wait3A_77 = arith.constant 0 : i32
      %dma_wait3A_78 = arith.constant 0 : i32
      %dma_wait3A_79 = tpu.memref_slice %arg11[%dma_wait3A_77, %dma_wait3A_78] : memref<10000x128xf32, #tpu.memory_space<vmem_shared>> -> memref<10000x128xf32, #tpu.memory_space<vmem_shared>>
      tpu.wait_indirect_dma semaphore(%run_scoped3A_67 : memref<!tpu.dma_semaphore, #tpu.memory_space<semaphore_mem>>) src(%arg9 : memref<80x128xf32, #tpu.memory_space<vmem>>) dst(%dma_wait3A_79 : memref<10000x128xf32, #tpu.memory_space<vmem_shared>>)
      tpu.yield
    }) : () -> ()
    %barrier3A_62 = arith.constant 0 : index
    tpu.barrier barrier_id(%barrier3A_62)
    %mul3A_63 = arith.constant 625 : i32
    %mul3A_64 = arith.muli %arg1, %mul3A_63 : i32
    %mul3A_65 = arith.constant 625 : i32
    %mul3A_66 = arith.muli %arg1, %mul3A_65 : i32
    "tpu.region"() ({
      %run_scoped3A_67 = tpu.sem_alloc : memref<!tpu.dma_semaphore, #tpu.memory_space<semaphore_mem>>
      %dma_start3A_68 = arith.constant 0 : i32
      %dma_start3A_69 = tpu.memref_slice %arg5[%arg0, %mul3A_66, %dma_start3A_68] : memref<2x10000x128xf32, #tpu.memory_space<hbm>> -> memref<1x625x128xf32, #tpu.memory_space<hbm>>
      %dma_start3A_70 = tpu.memref_squeeze %dma_start3A_69 : memref<1x625x128xf32, #tpu.memory_space<hbm>> -> memref<625x128xf32, #tpu.memory_space<hbm>>
      %dma_start3A_71 = arith.constant 0 : i32
      %dma_start3A_72 = tpu.memref_slice %arg11[%mul3A_64, %dma_start3A_71] : memref<10000x128xf32, #tpu.memory_space<vmem_shared>> -> memref<625x128xf32, #tpu.memory_space<vmem_shared>>
      tpu.enqueue_dma source(%dma_start3A_72 : memref<625x128xf32, #tpu.memory_space<vmem_shared>>) target(%dma_start3A_70 : memref<625x128xf32, #tpu.memory_space<hbm>>) target_semaphore(%run_scoped3A_67 : memref<!tpu.dma_semaphore, #tpu.memory_space<semaphore_mem>>)
      %dma_wait3A_73 = arith.constant 0 : i32
      %dma_wait3A_74 = tpu.memref_slice %arg5[%arg0, %mul3A_66, %dma_wait3A_73] : memref<2x10000x128xf32, #tpu.memory_space<hbm>> -> memref<1x625x128xf32, #tpu.memory_space<hbm>>
      %dma_wait3A_75 = tpu.memref_squeeze %dma_wait3A_74 : memref<1x625x128xf32, #tpu.memory_space<hbm>> -> memref<625x128xf32, #tpu.memory_space<hbm>>
      %dma_wait3A_76 = arith.constant 0 : i32
      %dma_wait3A_77 = tpu.memref_slice %arg11[%mul3A_64, %dma_wait3A_76] : memref<10000x128xf32, #tpu.memory_space<vmem_shared>> -> memref<625x128xf32, #tpu.memory_space<vmem_shared>>
      tpu.wait_dma2 semaphore(%run_scoped3A_67 : memref<!tpu.dma_semaphore, #tpu.memory_space<semaphore_mem>>) src(%dma_wait3A_77 : memref<625x128xf32, #tpu.memory_space<vmem_shared>>) dst(%dma_wait3A_75 : memref<625x128xf32, #tpu.memory_space<hbm>>)
      tpu.yield
    }) : () -> ()
    return
  }
}

#map = affine_map<(d0, d1) -> (0, 0)>
#map1 = affine_map<(d0, d1) -> (0, 0, 0)>
module attributes {stable_mosaic.version = 14 : i64} {
  func.func @_spmm_body(%arg0: i32, %arg1: i32, %arg2: memref<10000x128xf32, #tpu.memory_space<hbm>>, %arg3: memref<4000x80xi32, #tpu.memory_space<hbm>>, %arg4: memref<4000x80xi32, #tpu.memory_space<hbm>>, %arg5: memref<2x10000x128xf32, #tpu.memory_space<hbm>>, %arg6: memref<125x80xi32, #tpu.memory_space<vmem>>, %arg7: memref<125x80xi32, #tpu.memory_space<vmem>>, %arg8: memref<80x128xf32, #tpu.memory_space<vmem>>, %arg9: memref<80x128xf32, #tpu.memory_space<vmem>>, %arg10: memref<80x128xf32, #tpu.memory_space<vmem>>, %arg11: memref<10000x128xf32, #tpu.memory_space<vmem_shared>>, %arg12: memref<!tpu.dma_semaphore, #tpu.memory_space<semaphore_mem>>, %arg13: memref<!tpu.dma_semaphore, #tpu.memory_space<semaphore_mem>>, %arg14: memref<!tpu.dma_semaphore, #tpu.memory_space<semaphore_mem>>, %arg15: memref<!tpu.dma_semaphore, #tpu.memory_space<semaphore_mem>>, %arg16: memref<!tpu.dma_semaphore, #tpu.memory_space<semaphore_mem>>, %arg17: memref<!tpu.dma_semaphore, #tpu.memory_space<semaphore_mem>>) attributes {dimension_semantics = [#tpu.dimension_semantics<core_parallel>, #tpu.dimension_semantics<subcore_parallel>], iteration_bounds = array<i64: 2, 16>, scalar_prefetch = 0 : i64, scratch_operands = 12 : i64, tpu.core_type = #tpu.core_type<sc_vector_subcore>, window_params = [{transform_indices = #map}, {transform_indices = #map}, {transform_indices = #map}, {transform_indices = #map1}]} {
    %mul3A = arith.constant 16 : i32
    %mul3A_0 = arith.muli %arg0, %mul3A : i32
    %add3A = arith.addi %mul3A_0, %arg1 : i32
    %scan3A = arith.constant 0 : i32
    %scan3A_1 = arith.constant 0 : i32
    %scan3A_2 = arith.constant 200 : i32
    %scan3A_3 = arith.addi %scan3A_1, %scan3A_2 : i32
    %scan3A_4 = arith.constant 1 : i32
    scf.for %scan3A_67 = %scan3A_1 to %scan3A_3 step %scan3A_4  : i32 {
      %broadcast_in_dim3A = arith.constant 0.000000e+00 : f32
      %broadcast_in_dim3A_68 = vector.broadcast %broadcast_in_dim3A : f32 to vector<16xf32>
      %jit3A = arith.constant 8 : i32
      %div3A = arith.divsi %scan3A_67, %jit3A : i32
      %sign3A = arith.constant 0 : i32
      %sign3A_69 = arith.cmpi sgt, %scan3A_67, %sign3A : i32
      %sign3A_70 = arith.extui %sign3A_69 : i1 to i32
      %sign3A_71 = arith.constant 0 : i32
      %sign3A_72 = arith.cmpi slt, %scan3A_67, %sign3A_71 : i32
      %sign3A_73 = arith.extui %sign3A_72 : i1 to i32
      %sign3A_74 = arith.subi %sign3A_70, %sign3A_73 : i32
      %sign3A_75 = arith.constant 0 : i32
      %sign3A_76 = arith.cmpi sgt, %jit3A, %sign3A_75 : i32
      %sign3A_77 = arith.extui %sign3A_76 : i1 to i32
      %sign3A_78 = arith.constant 0 : i32
      %sign3A_79 = arith.cmpi slt, %jit3A, %sign3A_78 : i32
      %sign3A_80 = arith.extui %sign3A_79 : i1 to i32
      %sign3A_81 = arith.subi %sign3A_77, %sign3A_80 : i32
      %ne3A = arith.cmpi ne, %sign3A_74, %sign3A_81 : i32
      %rem3A = arith.remsi %scan3A_67, %jit3A : i32
      %ne3A_82 = arith.constant 0 : i32
      %ne3A_83 = arith.cmpi ne, %rem3A, %ne3A_82 : i32
      %and3A = arith.andi %ne3A, %ne3A_83 : i1
      %sub3A = arith.constant 1 : i32
      %sub3A_84 = arith.subi %div3A, %sub3A : i32
      %select_n3A = arith.select %and3A, %sub3A_84, %div3A : i32
      %jit3A_85 = arith.constant 8 : i32
      %eq3A = arith.constant 0 : i32
      %eq3A_86 = arith.cmpi eq, %jit3A_85, %eq3A : i32
      %jit3A_87 = arith.constant 1 : i32
      %select_n3A_88 = arith.select %eq3A_86, %jit3A_87, %jit3A_85 : i32
      %rem3A_89 = arith.remsi %scan3A_67, %select_n3A_88 : i32
      %ne3A_90 = arith.constant 0 : i32
      %ne3A_91 = arith.cmpi ne, %rem3A_89, %ne3A_90 : i32
      %lt3A = arith.constant 0 : i32
      %lt3A_92 = arith.cmpi slt, %rem3A_89, %lt3A : i32
      %lt3A_93 = arith.constant 0 : i32
      %lt3A_94 = arith.cmpi slt, %select_n3A_88, %lt3A_93 : i32
      %ne3A_95 = arith.xori %lt3A_92, %lt3A_94 : i1
      %and3A_96 = arith.andi %ne3A_95, %ne3A_91 : i1
      %add3A_97 = arith.addi %rem3A_89, %select_n3A_88 : i32
      %select_n3A_98 = arith.select %and3A_96, %add3A_97, %rem3A_89 : i32
      %mul3A_99 = arith.constant 16 : i32
      %mul3A_100 = arith.muli %select_n3A_98, %mul3A_99 : i32
      %swap3A = arith.index_cast %select_n3A : i32 to index
      %swap3A_101 = arith.index_cast %mul3A_100 : i32 to index
      %swap3A_102 = tpu.vector_load %arg8[%swap3A, %swap3A_101] {strides = array<i32>} : memref<80x128xf32, #tpu.memory_space<vmem>>, vector<1x16xf32>,
      %swap3A_103 = vector.shape_cast %swap3A_102 : vector<1x16xf32> to vector<16xf32>
      %swap3A_104 = vector.shape_cast %broadcast_in_dim3A_68 : vector<16xf32> to vector<1x16xf32>
      tpu.vector_store %arg8[%swap3A, %swap3A_101], %swap3A_104 {strides = array<i32>} : memref<80x128xf32, #tpu.memory_space<vmem>>, vector<1x16xf32>,
    }
    %scan3A_5 = arith.constant 200 : i32
    %scan3A_6 = arith.constant 0 : i32
    %scan3A_7 = arith.constant 0 : i32
    %scan3A_8 = arith.constant 25 : i32
    %scan3A_9 = arith.addi %scan3A_7, %scan3A_8 : i32
    %scan3A_10 = arith.constant 1 : i32
    scf.for %scan3A_67 = %scan3A_7 to %scan3A_9 step %scan3A_10  : i32 {
      %mul3A_68 = arith.constant 625 : i32
      %mul3A_69 = arith.muli %arg1, %mul3A_68 : i32
      %mul3A_70 = arith.constant 25 : i32
      %mul3A_71 = arith.muli %scan3A_67, %mul3A_70 : i32
      %add3A_72 = arith.addi %mul3A_69, %mul3A_71 : i32
      %dma_start3A_73 = arith.constant 0 : i32
      %dma_start3A_74 = arith.constant 0 : i32
      %dma_start3A_75 = tpu.memref_slice %arg8[%dma_start3A_73, %dma_start3A_74] : memref<80x128xf32, #tpu.memory_space<vmem>> -> memref<25x128xf32, #tpu.memory_space<vmem>>
      %dma_start3A_76 = arith.constant 0 : i32
      %dma_start3A_77 = tpu.memref_slice %arg11[%add3A_72, %dma_start3A_76] : memref<10000x128xf32, #tpu.memory_space<vmem_shared>> -> memref<25x128xf32, #tpu.memory_space<vmem_shared>>
      %dma_start3A_78 = arith.constant 0 : i32
      %dma_start3A_79 = tpu.memref_slice %arg11[%add3A_72, %dma_start3A_78] : memref<10000x128xf32, #tpu.memory_space<vmem_shared>> -> memref<25x128xf32, #tpu.memory_space<vmem_shared>>
      %dma_start3A_80 = arith.constant 0 : i32
      %dma_start3A_81 = arith.constant 0 : i32
      %dma_start3A_82 = tpu.memref_slice %arg8[%dma_start3A_80, %dma_start3A_81] : memref<80x128xf32, #tpu.memory_space<vmem>> -> memref<25x128xf32, #tpu.memory_space<vmem>>
      tpu.enqueue_dma source(%dma_start3A_82 : memref<25x128xf32, #tpu.memory_space<vmem>>) target(%dma_start3A_79 : memref<25x128xf32, #tpu.memory_space<vmem_shared>>) target_semaphore(%arg15 : memref<!tpu.dma_semaphore, #tpu.memory_space<semaphore_mem>>)
    }
    %scan3A_11 = arith.constant 25 : i32
    %mul3A_12 = arith.constant 125 : i32
    %mul3A_13 = arith.muli %add3A, %mul3A_12 : i32
    "tpu.region"() ({
      %run_scoped3A_67 = tpu.sem_alloc : memref<!tpu.dma_semaphore, #tpu.memory_space<semaphore_mem>>
      %dma_start3A_68 = arith.constant 0 : i32
      %dma_start3A_69 = tpu.memref_slice %arg3[%mul3A_13, %dma_start3A_68] : memref<4000x80xi32, #tpu.memory_space<hbm>> -> memref<125x80xi32, #tpu.memory_space<hbm>>
      %dma_start3A_70 = arith.constant 0 : i32
      %dma_start3A_71 = tpu.memref_slice %arg3[%mul3A_13, %dma_start3A_70] : memref<4000x80xi32, #tpu.memory_space<hbm>> -> memref<125x80xi32, #tpu.memory_space<hbm>>
      tpu.enqueue_dma source(%dma_start3A_71 : memref<125x80xi32, #tpu.memory_space<hbm>>) target(%arg6 : memref<125x80xi32, #tpu.memory_space<vmem>>) target_semaphore(%run_scoped3A_67 : memref<!tpu.dma_semaphore, #tpu.memory_space<semaphore_mem>>)
      %dma_wait3A_72 = arith.constant 0 : i32
      %dma_wait3A_73 = tpu.memref_slice %arg3[%mul3A_13, %dma_wait3A_72] : memref<4000x80xi32, #tpu.memory_space<hbm>> -> memref<125x80xi32, #tpu.memory_space<hbm>>
      %dma_wait3A_74 = arith.constant 0 : i32
      %dma_wait3A_75 = tpu.memref_slice %arg3[%mul3A_13, %dma_wait3A_74] : memref<4000x80xi32, #tpu.memory_space<hbm>> -> memref<125x80xi32, #tpu.memory_space<hbm>>
      tpu.wait_dma2 semaphore(%run_scoped3A_67 : memref<!tpu.dma_semaphore, #tpu.memory_space<semaphore_mem>>) src(%dma_wait3A_75 : memref<125x80xi32, #tpu.memory_space<hbm>>) dst(%arg6 : memref<125x80xi32, #tpu.memory_space<vmem>>)
      tpu.yield
    }) : () -> ()
    %mul3A_14 = arith.constant 125 : i32
    %mul3A_15 = arith.muli %add3A, %mul3A_14 : i32
    "tpu.region"() ({
      %run_scoped3A_67 = tpu.sem_alloc : memref<!tpu.dma_semaphore, #tpu.memory_space<semaphore_mem>>
      %dma_start3A_68 = arith.constant 0 : i32
      %dma_start3A_69 = tpu.memref_slice %arg4[%mul3A_15, %dma_start3A_68] : memref<4000x80xi32, #tpu.memory_space<hbm>> -> memref<125x80xi32, #tpu.memory_space<hbm>>
      %dma_start3A_70 = arith.constant 0 : i32
      %dma_start3A_71 = tpu.memref_slice %arg4[%mul3A_15, %dma_start3A_70] : memref<4000x80xi32, #tpu.memory_space<hbm>> -> memref<125x80xi32, #tpu.memory_space<hbm>>
      tpu.enqueue_dma source(%dma_start3A_71 : memref<125x80xi32, #tpu.memory_space<hbm>>) target(%arg7 : memref<125x80xi32, #tpu.memory_space<vmem>>) target_semaphore(%run_scoped3A_67 : memref<!tpu.dma_semaphore, #tpu.memory_space<semaphore_mem>>)
      %dma_wait3A_72 = arith.constant 0 : i32
      %dma_wait3A_73 = tpu.memref_slice %arg4[%mul3A_15, %dma_wait3A_72] : memref<4000x80xi32, #tpu.memory_space<hbm>> -> memref<125x80xi32, #tpu.memory_space<hbm>>
      %dma_wait3A_74 = arith.constant 0 : i32
      %dma_wait3A_75 = tpu.memref_slice %arg4[%mul3A_15, %dma_wait3A_74] : memref<4000x80xi32, #tpu.memory_space<hbm>> -> memref<125x80xi32, #tpu.memory_space<hbm>>
      tpu.wait_dma2 semaphore(%run_scoped3A_67 : memref<!tpu.dma_semaphore, #tpu.memory_space<semaphore_mem>>) src(%dma_wait3A_75 : memref<125x80xi32, #tpu.memory_space<hbm>>) dst(%arg7 : memref<125x80xi32, #tpu.memory_space<vmem>>)
      tpu.yield
    }) : () -> ()
    %dma_start3A = arith.constant 1 : i32
    %dma_start3A_16 = arith.constant 0 : i32
    %dma_start3A_17 = tpu.memref_slice %arg6[%dma_start3A, %dma_start3A_16] : memref<125x80xi32, #tpu.memory_space<vmem>> -> memref<1x80xi32, #tpu.memory_space<vmem>>
    %dma_start3A_18 = tpu.memref_squeeze %dma_start3A_17 : memref<1x80xi32, #tpu.memory_space<vmem>> -> memref<80xi32, #tpu.memory_space<vmem>>
    %dma_start3A_19 = arith.constant 0 : i32
    %dma_start3A_20 = arith.constant 0 : i32
    %dma_start3A_21 = tpu.memref_slice %arg2[%dma_start3A_19, %dma_start3A_20] : memref<10000x128xf32, #tpu.memory_space<hbm>> -> memref<10000x128xf32, #tpu.memory_space<hbm>>
    tpu.enqueue_indirect_dma source(%dma_start3A_21 : memref<10000x128xf32, #tpu.memory_space<hbm>>) target(%arg9 : memref<80x128xf32, #tpu.memory_space<vmem>>) offsets(%dma_start3A_18 : memref<80xi32, #tpu.memory_space<vmem>>) semaphore(%arg13 : memref<!tpu.dma_semaphore, #tpu.memory_space<semaphore_mem>>)
    %dma_start3A_22 = arith.constant 2 : i32
    %dma_start3A_23 = arith.constant 0 : i32
    %dma_start3A_24 = tpu.memref_slice %arg6[%dma_start3A_22, %dma_start3A_23] : memref<125x80xi32, #tpu.memory_space<vmem>> -> memref<1x80xi32, #tpu.memory_space<vmem>>
    %dma_start3A_25 = tpu.memref_squeeze %dma_start3A_24 : memref<1x80xi32, #tpu.memory_space<vmem>> -> memref<80xi32, #tpu.memory_space<vmem>>
    %dma_start3A_26 = arith.constant 0 : i32
    %dma_start3A_27 = arith.constant 0 : i32
    %dma_start3A_28 = tpu.memref_slice %arg2[%dma_start3A_26, %dma_start3A_27] : memref<10000x128xf32, #tpu.memory_space<hbm>> -> memref<10000x128xf32, #tpu.memory_space<hbm>>
    tpu.enqueue_indirect_dma source(%dma_start3A_28 : memref<10000x128xf32, #tpu.memory_space<hbm>>) target(%arg10 : memref<80x128xf32, #tpu.memory_space<vmem>>) offsets(%dma_start3A_25 : memref<80xi32, #tpu.memory_space<vmem>>) semaphore(%arg14 : memref<!tpu.dma_semaphore, #tpu.memory_space<semaphore_mem>>)
    %scan3A_29 = arith.constant 0 : i32
    %scan3A_30 = arith.constant 0 : i32
    %scan3A_31 = arith.constant 25 : i32
    %scan3A_32 = arith.addi %scan3A_30, %scan3A_31 : i32
    %scan3A_33 = arith.constant 1 : i32
    scf.for %scan3A_67 = %scan3A_30 to %scan3A_32 step %scan3A_33  : i32 {
      %mul3A_68 = arith.constant 625 : i32
      %mul3A_69 = arith.muli %arg1, %mul3A_68 : i32
      %dma_wait3A_70 = arith.constant 0 : i32
      %dma_wait3A_71 = arith.constant 0 : i32
      %dma_wait3A_72 = tpu.memref_slice %arg8[%dma_wait3A_70, %dma_wait3A_71] : memref<80x128xf32, #tpu.memory_space<vmem>> -> memref<25x128xf32, #tpu.memory_space<vmem>>
      %dma_wait3A_73 = arith.constant 0 : i32
      %dma_wait3A_74 = tpu.memref_slice %arg11[%mul3A_69, %dma_wait3A_73] : memref<10000x128xf32, #tpu.memory_space<vmem_shared>> -> memref<25x128xf32, #tpu.memory_space<vmem_shared>>
      %dma_wait3A_75 = arith.constant 0 : i32
      %dma_wait3A_76 = tpu.memref_slice %arg11[%mul3A_69, %dma_wait3A_75] : memref<10000x128xf32, #tpu.memory_space<vmem_shared>> -> memref<25x128xf32, #tpu.memory_space<vmem_shared>>
      %dma_wait3A_77 = arith.constant 0 : i32
      %dma_wait3A_78 = arith.constant 0 : i32
      %dma_wait3A_79 = tpu.memref_slice %arg8[%dma_wait3A_77, %dma_wait3A_78] : memref<80x128xf32, #tpu.memory_space<vmem>> -> memref<25x128xf32, #tpu.memory_space<vmem>>
      tpu.wait_dma2 semaphore(%arg15 : memref<!tpu.dma_semaphore, #tpu.memory_space<semaphore_mem>>) src(%dma_wait3A_79 : memref<25x128xf32, #tpu.memory_space<vmem>>) dst(%dma_wait3A_76 : memref<25x128xf32, #tpu.memory_space<vmem_shared>>)
    }
    %scan3A_34 = arith.constant 25 : i32
    %dma_start3A_35 = arith.constant 0 : i32
    %dma_start3A_36 = arith.constant 0 : i32
    %dma_start3A_37 = tpu.memref_slice %arg6[%dma_start3A_35, %dma_start3A_36] : memref<125x80xi32, #tpu.memory_space<vmem>> -> memref<1x80xi32, #tpu.memory_space<vmem>>
    %dma_start3A_38 = tpu.memref_squeeze %dma_start3A_37 : memref<1x80xi32, #tpu.memory_space<vmem>> -> memref<80xi32, #tpu.memory_space<vmem>>
    %dma_start3A_39 = arith.constant 0 : i32
    %dma_start3A_40 = arith.constant 0 : i32
    %dma_start3A_41 = tpu.memref_slice %arg2[%dma_start3A_39, %dma_start3A_40] : memref<10000x128xf32, #tpu.memory_space<hbm>> -> memref<10000x128xf32, #tpu.memory_space<hbm>>
    tpu.enqueue_indirect_dma source(%dma_start3A_41 : memref<10000x128xf32, #tpu.memory_space<hbm>>) target(%arg8 : memref<80x128xf32, #tpu.memory_space<vmem>>) offsets(%dma_start3A_38 : memref<80xi32, #tpu.memory_space<vmem>>) semaphore(%arg12 : memref<!tpu.dma_semaphore, #tpu.memory_space<semaphore_mem>>)
    %barrier3A = arith.constant 0 : index
    tpu.barrier barrier_id(%barrier3A)
    %scan3A_42 = arith.constant 0 : i32
    %scan3A_43 = arith.constant 0 : i32
    %scan3A_44 = arith.constant 41 : i32
    %scan3A_45 = arith.addi %scan3A_43, %scan3A_44 : i32
    %scan3A_46 = arith.constant 1 : i32
    scf.for %scan3A_67 = %scan3A_43 to %scan3A_45 step %scan3A_46  : i32 {
      %mul3A_68 = arith.constant 3 : i32
      %mul3A_69 = arith.muli %mul3A_68, %scan3A_67 : i32
      %add3A_70 = arith.constant 0 : i32
      %add3A_71 = arith.addi %mul3A_69, %add3A_70 : i32
      %dma_wait3A_72 = arith.constant 0 : i32
      %dma_wait3A_73 = tpu.memref_slice %arg6[%add3A_71, %dma_wait3A_72] : memref<125x80xi32, #tpu.memory_space<vmem>> -> memref<1x80xi32, #tpu.memory_space<vmem>>
      %dma_wait3A_74 = tpu.memref_squeeze %dma_wait3A_73 : memref<1x80xi32, #tpu.memory_space<vmem>> -> memref<80xi32, #tpu.memory_space<vmem>>
      %dma_wait3A_75 = arith.constant 0 : i32
      %dma_wait3A_76 = arith.constant 0 : i32
      %dma_wait3A_77 = tpu.memref_slice %arg2[%dma_wait3A_75, %dma_wait3A_76] : memref<10000x128xf32, #tpu.memory_space<hbm>> -> memref<10000x128xf32, #tpu.memory_space<hbm>>
      tpu.wait_indirect_dma semaphore(%arg12 : memref<!tpu.dma_semaphore, #tpu.memory_space<semaphore_mem>>) src(%dma_wait3A_77 : memref<10000x128xf32, #tpu.memory_space<hbm>>) dst(%arg8 : memref<80x128xf32, #tpu.memory_space<vmem>>)
      %dma_start3A_78 = arith.constant 0 : i32
      %dma_start3A_79 = tpu.memref_slice %arg7[%add3A_71, %dma_start3A_78] : memref<125x80xi32, #tpu.memory_space<vmem>> -> memref<1x80xi32, #tpu.memory_space<vmem>>
      %dma_start3A_80 = tpu.memref_squeeze %dma_start3A_79 : memref<1x80xi32, #tpu.memory_space<vmem>> -> memref<80xi32, #tpu.memory_space<vmem>>
      %dma_start3A_81 = arith.constant 0 : i32
      %dma_start3A_82 = arith.constant 0 : i32
      %dma_start3A_83 = tpu.memref_slice %arg11[%dma_start3A_81, %dma_start3A_82] : memref<10000x128xf32, #tpu.memory_space<vmem_shared>> -> memref<10000x128xf32, #tpu.memory_space<vmem_shared>>
      tpu.enqueue_indirect_dma source(%arg8 : memref<80x128xf32, #tpu.memory_space<vmem>>) target(%dma_start3A_83 : memref<10000x128xf32, #tpu.memory_space<vmem_shared>>) offsets(%dma_start3A_80 : memref<80xi32, #tpu.memory_space<vmem>>) semaphore(%arg15 : memref<!tpu.dma_semaphore, #tpu.memory_space<semaphore_mem>>) {add = true}
      %dma_wait3A_84 = arith.constant 0 : i32
      %dma_wait3A_85 = tpu.memref_slice %arg7[%add3A_71, %dma_wait3A_84] : memref<125x80xi32, #tpu.memory_space<vmem>> -> memref<1x80xi32, #tpu.memory_space<vmem>>
      %dma_wait3A_86 = tpu.memref_squeeze %dma_wait3A_85 : memref<1x80xi32, #tpu.memory_space<vmem>> -> memref<80xi32, #tpu.memory_space<vmem>>
      %dma_wait3A_87 = arith.constant 0 : i32
      %dma_wait3A_88 = arith.constant 0 : i32
      %dma_wait3A_89 = tpu.memref_slice %arg11[%dma_wait3A_87, %dma_wait3A_88] : memref<10000x128xf32, #tpu.memory_space<vmem_shared>> -> memref<10000x128xf32, #tpu.memory_space<vmem_shared>>
      tpu.wait_indirect_dma semaphore(%arg15 : memref<!tpu.dma_semaphore, #tpu.memory_space<semaphore_mem>>) src(%arg8 : memref<80x128xf32, #tpu.memory_space<vmem>>) dst(%dma_wait3A_89 : memref<10000x128xf32, #tpu.memory_space<vmem_shared>>)
      %add3A_90 = arith.constant 3 : i32
      %add3A_91 = arith.addi %add3A_71, %add3A_90 : i32
      %lt3A = arith.constant 125 : i32
      %lt3A_92 = arith.cmpi slt, %add3A_91, %lt3A : i32
      %convert_element_type3A = arith.extui %lt3A_92 : i1 to i32
      %cond3A = arith.constant 0 : i32
      %cond3A_93 = arith.cmpi ne, %convert_element_type3A, %cond3A : i32
      scf.if %cond3A_93 {
        %add3A_152 = arith.constant 3 : i32
        %add3A_153 = arith.addi %add3A_71, %add3A_152 : i32
        %dma_start3A_154 = arith.constant 0 : i32
        %dma_start3A_155 = tpu.memref_slice %arg6[%add3A_153, %dma_start3A_154] : memref<125x80xi32, #tpu.memory_space<vmem>> -> memref<1x80xi32, #tpu.memory_space<vmem>>
        %dma_start3A_156 = tpu.memref_squeeze %dma_start3A_155 : memref<1x80xi32, #tpu.memory_space<vmem>> -> memref<80xi32, #tpu.memory_space<vmem>>
        %dma_start3A_157 = arith.constant 0 : i32
        %dma_start3A_158 = arith.constant 0 : i32
        %dma_start3A_159 = tpu.memref_slice %arg2[%dma_start3A_157, %dma_start3A_158] : memref<10000x128xf32, #tpu.memory_space<hbm>> -> memref<10000x128xf32, #tpu.memory_space<hbm>>
        tpu.enqueue_indirect_dma source(%dma_start3A_159 : memref<10000x128xf32, #tpu.memory_space<hbm>>) target(%arg8 : memref<80x128xf32, #tpu.memory_space<vmem>>) offsets(%dma_start3A_156 : memref<80xi32, #tpu.memory_space<vmem>>) semaphore(%arg12 : memref<!tpu.dma_semaphore, #tpu.memory_space<semaphore_mem>>)
      } else {
      }
      %mul3A_94 = arith.constant 3 : i32
      %mul3A_95 = arith.muli %mul3A_94, %scan3A_67 : i32
      %add3A_96 = arith.constant 1 : i32
      %add3A_97 = arith.addi %mul3A_95, %add3A_96 : i32
      %dma_wait3A_98 = arith.constant 0 : i32
      %dma_wait3A_99 = tpu.memref_slice %arg6[%add3A_97, %dma_wait3A_98] : memref<125x80xi32, #tpu.memory_space<vmem>> -> memref<1x80xi32, #tpu.memory_space<vmem>>
      %dma_wait3A_100 = tpu.memref_squeeze %dma_wait3A_99 : memref<1x80xi32, #tpu.memory_space<vmem>> -> memref<80xi32, #tpu.memory_space<vmem>>
      %dma_wait3A_101 = arith.constant 0 : i32
      %dma_wait3A_102 = arith.constant 0 : i32
      %dma_wait3A_103 = tpu.memref_slice %arg2[%dma_wait3A_101, %dma_wait3A_102] : memref<10000x128xf32, #tpu.memory_space<hbm>> -> memref<10000x128xf32, #tpu.memory_space<hbm>>
      tpu.wait_indirect_dma semaphore(%arg13 : memref<!tpu.dma_semaphore, #tpu.memory_space<semaphore_mem>>) src(%dma_wait3A_103 : memref<10000x128xf32, #tpu.memory_space<hbm>>) dst(%arg9 : memref<80x128xf32, #tpu.memory_space<vmem>>)
      %dma_start3A_104 = arith.constant 0 : i32
      %dma_start3A_105 = tpu.memref_slice %arg7[%add3A_97, %dma_start3A_104] : memref<125x80xi32, #tpu.memory_space<vmem>> -> memref<1x80xi32, #tpu.memory_space<vmem>>
      %dma_start3A_106 = tpu.memref_squeeze %dma_start3A_105 : memref<1x80xi32, #tpu.memory_space<vmem>> -> memref<80xi32, #tpu.memory_space<vmem>>
      %dma_start3A_107 = arith.constant 0 : i32
      %dma_start3A_108 = arith.constant 0 : i32
      %dma_start3A_109 = tpu.memref_slice %arg11[%dma_start3A_107, %dma_start3A_108] : memref<10000x128xf32, #tpu.memory_space<vmem_shared>> -> memref<10000x128xf32, #tpu.memory_space<vmem_shared>>
      tpu.enqueue_indirect_dma source(%arg9 : memref<80x128xf32, #tpu.memory_space<vmem>>) target(%dma_start3A_109 : memref<10000x128xf32, #tpu.memory_space<vmem_shared>>) offsets(%dma_start3A_106 : memref<80xi32, #tpu.memory_space<vmem>>) semaphore(%arg16 : memref<!tpu.dma_semaphore, #tpu.memory_space<semaphore_mem>>) {add = true}
      %dma_wait3A_110 = arith.constant 0 : i32
      %dma_wait3A_111 = tpu.memref_slice %arg7[%add3A_97, %dma_wait3A_110] : memref<125x80xi32, #tpu.memory_space<vmem>> -> memref<1x80xi32, #tpu.memory_space<vmem>>
      %dma_wait3A_112 = tpu.memref_squeeze %dma_wait3A_111 : memref<1x80xi32, #tpu.memory_space<vmem>> -> memref<80xi32, #tpu.memory_space<vmem>>
      %dma_wait3A_113 = arith.constant 0 : i32
      %dma_wait3A_114 = arith.constant 0 : i32
      %dma_wait3A_115 = tpu.memref_slice %arg11[%dma_wait3A_113, %dma_wait3A_114] : memref<10000x128xf32, #tpu.memory_space<vmem_shared>> -> memref<10000x128xf32, #tpu.memory_space<vmem_shared>>
      tpu.wait_indirect_dma semaphore(%arg16 : memref<!tpu.dma_semaphore, #tpu.memory_space<semaphore_mem>>) src(%arg9 : memref<80x128xf32, #tpu.memory_space<vmem>>) dst(%dma_wait3A_115 : memref<10000x128xf32, #tpu.memory_space<vmem_shared>>)
      %add3A_116 = arith.constant 3 : i32
      %add3A_117 = arith.addi %add3A_97, %add3A_116 : i32
      %lt3A_118 = arith.constant 125 : i32
      %lt3A_119 = arith.cmpi slt, %add3A_117, %lt3A_118 : i32
      %convert_element_type3A_120 = arith.extui %lt3A_119 : i1 to i32
      %cond3A_121 = arith.constant 0 : i32
      %cond3A_122 = arith.cmpi ne, %convert_element_type3A_120, %cond3A_121 : i32
      scf.if %cond3A_122 {
        %add3A_152 = arith.constant 3 : i32
        %add3A_153 = arith.addi %add3A_97, %add3A_152 : i32
        %dma_start3A_154 = arith.constant 0 : i32
        %dma_start3A_155 = tpu.memref_slice %arg6[%add3A_153, %dma_start3A_154] : memref<125x80xi32, #tpu.memory_space<vmem>> -> memref<1x80xi32, #tpu.memory_space<vmem>>
        %dma_start3A_156 = tpu.memref_squeeze %dma_start3A_155 : memref<1x80xi32, #tpu.memory_space<vmem>> -> memref<80xi32, #tpu.memory_space<vmem>>
        %dma_start3A_157 = arith.constant 0 : i32
        %dma_start3A_158 = arith.constant 0 : i32
        %dma_start3A_159 = tpu.memref_slice %arg2[%dma_start3A_157, %dma_start3A_158] : memref<10000x128xf32, #tpu.memory_space<hbm>> -> memref<10000x128xf32, #tpu.memory_space<hbm>>
        tpu.enqueue_indirect_dma source(%dma_start3A_159 : memref<10000x128xf32, #tpu.memory_space<hbm>>) target(%arg9 : memref<80x128xf32, #tpu.memory_space<vmem>>) offsets(%dma_start3A_156 : memref<80xi32, #tpu.memory_space<vmem>>) semaphore(%arg13 : memref<!tpu.dma_semaphore, #tpu.memory_space<semaphore_mem>>)
      } else {
      }
      %mul3A_123 = arith.constant 3 : i32
      %mul3A_124 = arith.muli %mul3A_123, %scan3A_67 : i32
      %add3A_125 = arith.constant 2 : i32
      %add3A_126 = arith.addi %mul3A_124, %add3A_125 : i32
      %dma_wait3A_127 = arith.constant 0 : i32
      %dma_wait3A_128 = tpu.memref_slice %arg6[%add3A_126, %dma_wait3A_127] : memref<125x80xi32, #tpu.memory_space<vmem>> -> memref<1x80xi32, #tpu.memory_space<vmem>>
      %dma_wait3A_129 = tpu.memref_squeeze %dma_wait3A_128 : memref<1x80xi32, #tpu.memory_space<vmem>> -> memref<80xi32, #tpu.memory_space<vmem>>
      %dma_wait3A_130 = arith.constant 0 : i32
      %dma_wait3A_131 = arith.constant 0 : i32
      %dma_wait3A_132 = tpu.memref_slice %arg2[%dma_wait3A_130, %dma_wait3A_131] : memref<10000x128xf32, #tpu.memory_space<hbm>> -> memref<10000x128xf32, #tpu.memory_space<hbm>>
      tpu.wait_indirect_dma semaphore(%arg14 : memref<!tpu.dma_semaphore, #tpu.memory_space<semaphore_mem>>) src(%dma_wait3A_132 : memref<10000x128xf32, #tpu.memory_space<hbm>>) dst(%arg10 : memref<80x128xf32, #tpu.memory_space<vmem>>)
      %dma_start3A_133 = arith.constant 0 : i32
      %dma_start3A_134 = tpu.memref_slice %arg7[%add3A_126, %dma_start3A_133] : memref<125x80xi32, #tpu.memory_space<vmem>> -> memref<1x80xi32, #tpu.memory_space<vmem>>
      %dma_start3A_135 = tpu.memref_squeeze %dma_start3A_134 : memref<1x80xi32, #tpu.memory_space<vmem>> -> memref<80xi32, #tpu.memory_space<vmem>>
      %dma_start3A_136 = arith.constant 0 : i32
      %dma_start3A_137 = arith.constant 0 : i32
      %dma_start3A_138 = tpu.memref_slice %arg11[%dma_start3A_136, %dma_start3A_137] : memref<10000x128xf32, #tpu.memory_space<vmem_shared>> -> memref<10000x128xf32, #tpu.memory_space<vmem_shared>>
      tpu.enqueue_indirect_dma source(%arg10 : memref<80x128xf32, #tpu.memory_space<vmem>>) target(%dma_start3A_138 : memref<10000x128xf32, #tpu.memory_space<vmem_shared>>) offsets(%dma_start3A_135 : memref<80xi32, #tpu.memory_space<vmem>>) semaphore(%arg17 : memref<!tpu.dma_semaphore, #tpu.memory_space<semaphore_mem>>) {add = true}
      %dma_wait3A_139 = arith.constant 0 : i32
      %dma_wait3A_140 = tpu.memref_slice %arg7[%add3A_126, %dma_wait3A_139] : memref<125x80xi32, #tpu.memory_space<vmem>> -> memref<1x80xi32, #tpu.memory_space<vmem>>
      %dma_wait3A_141 = tpu.memref_squeeze %dma_wait3A_140 : memref<1x80xi32, #tpu.memory_space<vmem>> -> memref<80xi32, #tpu.memory_space<vmem>>
      %dma_wait3A_142 = arith.constant 0 : i32
      %dma_wait3A_143 = arith.constant 0 : i32
      %dma_wait3A_144 = tpu.memref_slice %arg11[%dma_wait3A_142, %dma_wait3A_143] : memref<10000x128xf32, #tpu.memory_space<vmem_shared>> -> memref<10000x128xf32, #tpu.memory_space<vmem_shared>>
      tpu.wait_indirect_dma semaphore(%arg17 : memref<!tpu.dma_semaphore, #tpu.memory_space<semaphore_mem>>) src(%arg10 : memref<80x128xf32, #tpu.memory_space<vmem>>) dst(%dma_wait3A_144 : memref<10000x128xf32, #tpu.memory_space<vmem_shared>>)
      %add3A_145 = arith.constant 3 : i32
      %add3A_146 = arith.addi %add3A_126, %add3A_145 : i32
      %lt3A_147 = arith.constant 125 : i32
      %lt3A_148 = arith.cmpi slt, %add3A_146, %lt3A_147 : i32
      %convert_element_type3A_149 = arith.extui %lt3A_148 : i1 to i32
      %cond3A_150 = arith.constant 0 : i32
      %cond3A_151 = arith.cmpi ne, %convert_element_type3A_149, %cond3A_150 : i32
      scf.if %cond3A_151 {
        %add3A_152 = arith.constant 3 : i32
        %add3A_153 = arith.addi %add3A_126, %add3A_152 : i32
        %dma_start3A_154 = arith.constant 0 : i32
        %dma_start3A_155 = tpu.memref_slice %arg6[%add3A_153, %dma_start3A_154] : memref<125x80xi32, #tpu.memory_space<vmem>> -> memref<1x80xi32, #tpu.memory_space<vmem>>
        %dma_start3A_156 = tpu.memref_squeeze %dma_start3A_155 : memref<1x80xi32, #tpu.memory_space<vmem>> -> memref<80xi32, #tpu.memory_space<vmem>>
        %dma_start3A_157 = arith.constant 0 : i32
        %dma_start3A_158 = arith.constant 0 : i32
        %dma_start3A_159 = tpu.memref_slice %arg2[%dma_start3A_157, %dma_start3A_158] : memref<10000x128xf32, #tpu.memory_space<hbm>> -> memref<10000x128xf32, #tpu.memory_space<hbm>>
        tpu.enqueue_indirect_dma source(%dma_start3A_159 : memref<10000x128xf32, #tpu.memory_space<hbm>>) target(%arg10 : memref<80x128xf32, #tpu.memory_space<vmem>>) offsets(%dma_start3A_156 : memref<80xi32, #tpu.memory_space<vmem>>) semaphore(%arg14 : memref<!tpu.dma_semaphore, #tpu.memory_space<semaphore_mem>>)
      } else {
      }
    }
    %scan3A_47 = arith.constant 41 : i32
    %dma_wait3A = arith.constant 123 : i32
    %dma_wait3A_48 = arith.constant 0 : i32
    %dma_wait3A_49 = tpu.memref_slice %arg6[%dma_wait3A, %dma_wait3A_48] : memref<125x80xi32, #tpu.memory_space<vmem>> -> memref<1x80xi32, #tpu.memory_space<vmem>>
    %dma_wait3A_50 = tpu.memref_squeeze %dma_wait3A_49 : memref<1x80xi32, #tpu.memory_space<vmem>> -> memref<80xi32, #tpu.memory_space<vmem>>
    %dma_wait3A_51 = arith.constant 0 : i32
    %dma_wait3A_52 = arith.constant 0 : i32
    %dma_wait3A_53 = tpu.memref_slice %arg2[%dma_wait3A_51, %dma_wait3A_52] : memref<10000x128xf32, #tpu.memory_space<hbm>> -> memref<10000x128xf32, #tpu.memory_space<hbm>>
    tpu.wait_indirect_dma semaphore(%arg12 : memref<!tpu.dma_semaphore, #tpu.memory_space<semaphore_mem>>) src(%dma_wait3A_53 : memref<10000x128xf32, #tpu.memory_space<hbm>>) dst(%arg8 : memref<80x128xf32, #tpu.memory_space<vmem>>)
    %run_scoped3A = arith.constant 123 : i32
    "tpu.region"() ({
      %run_scoped3A_67 = tpu.sem_alloc : memref<!tpu.dma_semaphore, #tpu.memory_space<semaphore_mem>>
      %dma_start3A_68 = arith.constant 0 : i32
      %dma_start3A_69 = tpu.memref_slice %arg7[%run_scoped3A, %dma_start3A_68] : memref<125x80xi32, #tpu.memory_space<vmem>> -> memref<1x80xi32, #tpu.memory_space<vmem>>
      %dma_start3A_70 = tpu.memref_squeeze %dma_start3A_69 : memref<1x80xi32, #tpu.memory_space<vmem>> -> memref<80xi32, #tpu.memory_space<vmem>>
      %dma_start3A_71 = arith.constant 0 : i32
      %dma_start3A_72 = arith.constant 0 : i32
      %dma_start3A_73 = tpu.memref_slice %arg11[%dma_start3A_71, %dma_start3A_72] : memref<10000x128xf32, #tpu.memory_space<vmem_shared>> -> memref<10000x128xf32, #tpu.memory_space<vmem_shared>>
      tpu.enqueue_indirect_dma source(%arg8 : memref<80x128xf32, #tpu.memory_space<vmem>>) target(%dma_start3A_73 : memref<10000x128xf32, #tpu.memory_space<vmem_shared>>) offsets(%dma_start3A_70 : memref<80xi32, #tpu.memory_space<vmem>>) semaphore(%run_scoped3A_67 : memref<!tpu.dma_semaphore, #tpu.memory_space<semaphore_mem>>) {add = true}
      %dma_wait3A_74 = arith.constant 0 : i32
      %dma_wait3A_75 = tpu.memref_slice %arg7[%run_scoped3A, %dma_wait3A_74] : memref<125x80xi32, #tpu.memory_space<vmem>> -> memref<1x80xi32, #tpu.memory_space<vmem>>
      %dma_wait3A_76 = tpu.memref_squeeze %dma_wait3A_75 : memref<1x80xi32, #tpu.memory_space<vmem>> -> memref<80xi32, #tpu.memory_space<vmem>>
      %dma_wait3A_77 = arith.constant 0 : i32
      %dma_wait3A_78 = arith.constant 0 : i32
      %dma_wait3A_79 = tpu.memref_slice %arg11[%dma_wait3A_77, %dma_wait3A_78] : memref<10000x128xf32, #tpu.memory_space<vmem_shared>> -> memref<10000x128xf32, #tpu.memory_space<vmem_shared>>
      tpu.wait_indirect_dma semaphore(%run_scoped3A_67 : memref<!tpu.dma_semaphore, #tpu.memory_space<semaphore_mem>>) src(%arg8 : memref<80x128xf32, #tpu.memory_space<vmem>>) dst(%dma_wait3A_79 : memref<10000x128xf32, #tpu.memory_space<vmem_shared>>)
      tpu.yield
    }) : () -> ()
    %dma_wait3A_54 = arith.constant 124 : i32
    %dma_wait3A_55 = arith.constant 0 : i32
    %dma_wait3A_56 = tpu.memref_slice %arg6[%dma_wait3A_54, %dma_wait3A_55] : memref<125x80xi32, #tpu.memory_space<vmem>> -> memref<1x80xi32, #tpu.memory_space<vmem>>
    %dma_wait3A_57 = tpu.memref_squeeze %dma_wait3A_56 : memref<1x80xi32, #tpu.memory_space<vmem>> -> memref<80xi32, #tpu.memory_space<vmem>>
    %dma_wait3A_58 = arith.constant 0 : i32
    %dma_wait3A_59 = arith.constant 0 : i32
    %dma_wait3A_60 = tpu.memref_slice %arg2[%dma_wait3A_58, %dma_wait3A_59] : memref<10000x128xf32, #tpu.memory_space<hbm>> -> memref<10000x128xf32, #tpu.memory_space<hbm>>
    tpu.wait_indirect_dma semaphore(%arg13 : memref<!tpu.dma_semaphore, #tpu.memory_space<semaphore_mem>>) src(%dma_wait3A_60 : memref<10000x128xf32, #tpu.memory_space<hbm>>) dst(%arg9 : memref<80x128xf32, #tpu.memory_space<vmem>>)
    %run_scoped3A_61 = arith.constant 124 : i32
    "tpu.region"() ({
      %run_scoped3A_67 = tpu.sem_alloc : memref<!tpu.dma_semaphore, #tpu.memory_space<semaphore_mem>>
      %dma_start3A_68 = arith.constant 0 : i32
      %dma_start3A_69 = tpu.memref_slice %arg7[%run_scoped3A_61, %dma_start3A_68] : memref<125x80xi32, #tpu.memory_space<vmem>> -> memref<1x80xi32, #tpu.memory_space<vmem>>
      %dma_start3A_70 = tpu.memref_squeeze %dma_start3A_69 : memref<1x80xi32, #tpu.memory_space<vmem>> -> memref<80xi32, #tpu.memory_space<vmem>>
      %dma_start3A_71 = arith.constant 0 : i32
      %dma_start3A_72 = arith.constant 0 : i32
      %dma_start3A_73 = tpu.memref_slice %arg11[%dma_start3A_71, %dma_start3A_72] : memref<10000x128xf32, #tpu.memory_space<vmem_shared>> -> memref<10000x128xf32, #tpu.memory_space<vmem_shared>>
      tpu.enqueue_indirect_dma source(%arg9 : memref<80x128xf32, #tpu.memory_space<vmem>>) target(%dma_start3A_73 : memref<10000x128xf32, #tpu.memory_space<vmem_shared>>) offsets(%dma_start3A_70 : memref<80xi32, #tpu.memory_space<vmem>>) semaphore(%run_scoped3A_67 : memref<!tpu.dma_semaphore, #tpu.memory_space<semaphore_mem>>) {add = true}
      %dma_wait3A_74 = arith.constant 0 : i32
      %dma_wait3A_75 = tpu.memref_slice %arg7[%run_scoped3A_61, %dma_wait3A_74] : memref<125x80xi32, #tpu.memory_space<vmem>> -> memref<1x80xi32, #tpu.memory_space<vmem>>
      %dma_wait3A_76 = tpu.memref_squeeze %dma_wait3A_75 : memref<1x80xi32, #tpu.memory_space<vmem>> -> memref<80xi32, #tpu.memory_space<vmem>>
      %dma_wait3A_77 = arith.constant 0 : i32
      %dma_wait3A_78 = arith.constant 0 : i32
      %dma_wait3A_79 = tpu.memref_slice %arg11[%dma_wait3A_77, %dma_wait3A_78] : memref<10000x128xf32, #tpu.memory_space<vmem_shared>> -> memref<10000x128xf32, #tpu.memory_space<vmem_shared>>
      tpu.wait_indirect_dma semaphore(%run_scoped3A_67 : memref<!tpu.dma_semaphore, #tpu.memory_space<semaphore_mem>>) src(%arg9 : memref<80x128xf32, #tpu.memory_space<vmem>>) dst(%dma_wait3A_79 : memref<10000x128xf32, #tpu.memory_space<vmem_shared>>)
      tpu.yield
    }) : () -> ()
    %barrier3A_62 = arith.constant 0 : index
    tpu.barrier barrier_id(%barrier3A_62)
    %mul3A_63 = arith.constant 625 : i32
    %mul3A_64 = arith.muli %arg1, %mul3A_63 : i32
    %mul3A_65 = arith.constant 625 : i32
    %mul3A_66 = arith.muli %arg1, %mul3A_65 : i32
    "tpu.region"() ({
      %run_scoped3A_67 = tpu.sem_alloc : memref<!tpu.dma_semaphore, #tpu.memory_space<semaphore_mem>>
      %dma_start3A_68 = arith.constant 0 : i32
      %dma_start3A_69 = tpu.memref_slice %arg5[%arg0, %mul3A_66, %dma_start3A_68] : memref<2x10000x128xf32, #tpu.memory_space<hbm>> -> memref<1x625x128xf32, #tpu.memory_space<hbm>>
      %dma_start3A_70 = tpu.memref_squeeze %dma_start3A_69 : memref<1x625x128xf32, #tpu.memory_space<hbm>> -> memref<625x128xf32, #tpu.memory_space<hbm>>
      %dma_start3A_71 = arith.constant 0 : i32
      %dma_start3A_72 = tpu.memref_slice %arg11[%mul3A_64, %dma_start3A_71] : memref<10000x128xf32, #tpu.memory_space<vmem_shared>> -> memref<625x128xf32, #tpu.memory_space<vmem_shared>>
      tpu.enqueue_dma source(%dma_start3A_72 : memref<625x128xf32, #tpu.memory_space<vmem_shared>>) target(%dma_start3A_70 : memref<625x128xf32, #tpu.memory_space<hbm>>) target_semaphore(%run_scoped3A_67 : memref<!tpu.dma_semaphore, #tpu.memory_space<semaphore_mem>>)
      %dma_wait3A_73 = arith.constant 0 : i32
      %dma_wait3A_74 = tpu.memref_slice %arg5[%arg0, %mul3A_66, %dma_wait3A_73] : memref<2x10000x128xf32, #tpu.memory_space<hbm>> -> memref<1x625x128xf32, #tpu.memory_space<hbm>>
      %dma_wait3A_75 = tpu.memref_squeeze %dma_wait3A_74 : memref<1x625x128xf32, #tpu.memory_space<hbm>> -> memref<625x128xf32, #tpu.memory_space<hbm>>
      %dma_wait3A_76 = arith.constant 0 : i32
      %dma_wait3A_77 = tpu.memref_slice %arg11[%mul3A_64, %dma_wait3A_76] : memref<10000x128xf32, #tpu.memory_space<vmem_shared>> -> memref<625x128xf32, #tpu.memory_space<vmem_shared>>
      tpu.wait_dma2 semaphore(%run_scoped3A_67 : memref<!tpu.dma_semaphore, #tpu.memory_space<semaphore_mem>>) src(%dma_wait3A_77 : memref<625x128xf32, #tpu.memory_space<vmem_shared>>) dst(%dma_wait3A_75 : memref<625x128xf32, #tpu.memory_space<hbm>>)
      tpu.yield
    }) : () -> ()
    return
  }
}

#map = affine_map<(d0, d1) -> (0, 0)>
#map1 = affine_map<(d0, d1) -> (0, 0, 0)>
module attributes {stable_mosaic.version = 14 : i64} {
  func.func @_hist_body(%arg0: i32, %arg1: i32, %arg2: memref<4000x80xi32, #tpu.memory_space<hbm>>, %arg3: memref<2x10000x16xf32, #tpu.memory_space<hbm>>, %arg4: memref<80x16xf32, #tpu.memory_space<vmem>>, %arg5: memref<125x80xi32, #tpu.memory_space<vmem>>, %arg6: memref<10000x16xf32, #tpu.memory_space<vmem_shared>>, %arg7: memref<!tpu.dma_semaphore, #tpu.memory_space<semaphore_mem>>) attributes {dimension_semantics = [#tpu.dimension_semantics<core_parallel>, #tpu.dimension_semantics<subcore_parallel>], iteration_bounds = array<i64: 2, 16>, scalar_prefetch = 0 : i64, scratch_operands = 4 : i64, tpu.core_type = #tpu.core_type<sc_vector_subcore>, window_params = [{transform_indices = #map}, {transform_indices = #map1}]} {
    %mul3A = arith.constant 16 : i32
    %mul3A_0 = arith.muli %arg0, %mul3A : i32
    %add3A = arith.addi %mul3A_0, %arg1 : i32
    %mul3A_1 = arith.constant 125 : i32
    %mul3A_2 = arith.muli %add3A, %mul3A_1 : i32
    "tpu.region"() ({
      %run_scoped3A = tpu.sem_alloc : memref<!tpu.dma_semaphore, #tpu.memory_space<semaphore_mem>>
      %dma_start3A_63 = arith.constant 0 : i32
      %dma_start3A_64 = tpu.memref_slice %arg2[%mul3A_2, %dma_start3A_63] : memref<4000x80xi32, #tpu.memory_space<hbm>> -> memref<125x80xi32, #tpu.memory_space<hbm>>
      %dma_start3A_65 = arith.constant 0 : i32
      %dma_start3A_66 = tpu.memref_slice %arg2[%mul3A_2, %dma_start3A_65] : memref<4000x80xi32, #tpu.memory_space<hbm>> -> memref<125x80xi32, #tpu.memory_space<hbm>>
      tpu.enqueue_dma source(%dma_start3A_66 : memref<125x80xi32, #tpu.memory_space<hbm>>) target(%arg5 : memref<125x80xi32, #tpu.memory_space<vmem>>) target_semaphore(%run_scoped3A : memref<!tpu.dma_semaphore, #tpu.memory_space<semaphore_mem>>)
      %dma_wait3A_67 = arith.constant 0 : i32
      %dma_wait3A_68 = tpu.memref_slice %arg2[%mul3A_2, %dma_wait3A_67] : memref<4000x80xi32, #tpu.memory_space<hbm>> -> memref<125x80xi32, #tpu.memory_space<hbm>>
      %dma_wait3A_69 = arith.constant 0 : i32
      %dma_wait3A_70 = tpu.memref_slice %arg2[%mul3A_2, %dma_wait3A_69] : memref<4000x80xi32, #tpu.memory_space<hbm>> -> memref<125x80xi32, #tpu.memory_space<hbm>>
      tpu.wait_dma2 semaphore(%run_scoped3A : memref<!tpu.dma_semaphore, #tpu.memory_space<semaphore_mem>>) src(%dma_wait3A_70 : memref<125x80xi32, #tpu.memory_space<hbm>>) dst(%arg5 : memref<125x80xi32, #tpu.memory_space<vmem>>)
      tpu.yield
    }) : () -> ()
    %scan3A = arith.constant 0 : i32
    %scan3A_3 = arith.constant 0 : i32
    %scan3A_4 = arith.constant 80 : i32
    %scan3A_5 = arith.addi %scan3A_3, %scan3A_4 : i32
    %scan3A_6 = arith.constant 1 : i32
    scf.for %scan3A_63 = %scan3A_3 to %scan3A_5 step %scan3A_6  : i32 {
      %broadcast_in_dim3A = arith.constant 0.000000e+00 : f32
      %broadcast_in_dim3A_64 = vector.broadcast %broadcast_in_dim3A : f32 to vector<16xf32>
      %swap3A = arith.index_cast %scan3A_63 : i32 to index
      %swap3A_65 = arith.constant 0 : index
      %swap3A_66 = tpu.vector_load %arg4[%swap3A, %swap3A_65] {strides = array<i32>} : memref<80x16xf32, #tpu.memory_space<vmem>>, vector<1x16xf32>,
      %swap3A_67 = vector.shape_cast %swap3A_66 : vector<1x16xf32> to vector<16xf32>
      %swap3A_68 = vector.shape_cast %broadcast_in_dim3A_64 : vector<16xf32> to vector<1x16xf32>
      tpu.vector_store %arg4[%swap3A, %swap3A_65], %swap3A_68 {strides = array<i32>} : memref<80x16xf32, #tpu.memory_space<vmem>>, vector<1x16xf32>,
    }
    %scan3A_7 = arith.constant 80 : i32
    %scan3A_8 = arith.constant 0 : i32
    %scan3A_9 = arith.constant 0 : i32
    %scan3A_10 = arith.constant 25 : i32
    %scan3A_11 = arith.addi %scan3A_9, %scan3A_10 : i32
    %scan3A_12 = arith.constant 1 : i32
    scf.for %scan3A_63 = %scan3A_9 to %scan3A_11 step %scan3A_12  : i32 {
      %mul3A_64 = arith.constant 625 : i32
      %mul3A_65 = arith.muli %arg1, %mul3A_64 : i32
      %mul3A_66 = arith.constant 25 : i32
      %mul3A_67 = arith.muli %scan3A_63, %mul3A_66 : i32
      %add3A_68 = arith.addi %mul3A_65, %mul3A_67 : i32
      %dma_start3A_69 = arith.constant 0 : i32
      %dma_start3A_70 = arith.constant 0 : i32
      %dma_start3A_71 = tpu.memref_slice %arg4[%dma_start3A_69, %dma_start3A_70] : memref<80x16xf32, #tpu.memory_space<vmem>> -> memref<25x16xf32, #tpu.memory_space<vmem>>
      %dma_start3A_72 = arith.constant 0 : i32
      %dma_start3A_73 = tpu.memref_slice %arg6[%add3A_68, %dma_start3A_72] : memref<10000x16xf32, #tpu.memory_space<vmem_shared>> -> memref<25x16xf32, #tpu.memory_space<vmem_shared>>
      %dma_start3A_74 = arith.constant 0 : i32
      %dma_start3A_75 = tpu.memref_slice %arg6[%add3A_68, %dma_start3A_74] : memref<10000x16xf32, #tpu.memory_space<vmem_shared>> -> memref<25x16xf32, #tpu.memory_space<vmem_shared>>
      %dma_start3A_76 = arith.constant 0 : i32
      %dma_start3A_77 = arith.constant 0 : i32
      %dma_start3A_78 = tpu.memref_slice %arg4[%dma_start3A_76, %dma_start3A_77] : memref<80x16xf32, #tpu.memory_space<vmem>> -> memref<25x16xf32, #tpu.memory_space<vmem>>
      tpu.enqueue_dma source(%dma_start3A_78 : memref<25x16xf32, #tpu.memory_space<vmem>>) target(%dma_start3A_75 : memref<25x16xf32, #tpu.memory_space<vmem_shared>>) target_semaphore(%arg7 : memref<!tpu.dma_semaphore, #tpu.memory_space<semaphore_mem>>)
    }
    %scan3A_13 = arith.constant 25 : i32
    %scan3A_14 = arith.constant 0 : i32
    %scan3A_15 = arith.constant 0 : i32
    %scan3A_16 = arith.constant 25 : i32
    %scan3A_17 = arith.addi %scan3A_15, %scan3A_16 : i32
    %scan3A_18 = arith.constant 1 : i32
    scf.for %scan3A_63 = %scan3A_15 to %scan3A_17 step %scan3A_18  : i32 {
      %mul3A_64 = arith.constant 625 : i32
      %mul3A_65 = arith.muli %arg1, %mul3A_64 : i32
      %dma_wait3A_66 = arith.constant 0 : i32
      %dma_wait3A_67 = arith.constant 0 : i32
      %dma_wait3A_68 = tpu.memref_slice %arg4[%dma_wait3A_66, %dma_wait3A_67] : memref<80x16xf32, #tpu.memory_space<vmem>> -> memref<25x16xf32, #tpu.memory_space<vmem>>
      %dma_wait3A_69 = arith.constant 0 : i32
      %dma_wait3A_70 = tpu.memref_slice %arg6[%mul3A_65, %dma_wait3A_69] : memref<10000x16xf32, #tpu.memory_space<vmem_shared>> -> memref<25x16xf32, #tpu.memory_space<vmem_shared>>
      %dma_wait3A_71 = arith.constant 0 : i32
      %dma_wait3A_72 = tpu.memref_slice %arg6[%mul3A_65, %dma_wait3A_71] : memref<10000x16xf32, #tpu.memory_space<vmem_shared>> -> memref<25x16xf32, #tpu.memory_space<vmem_shared>>
      %dma_wait3A_73 = arith.constant 0 : i32
      %dma_wait3A_74 = arith.constant 0 : i32
      %dma_wait3A_75 = tpu.memref_slice %arg4[%dma_wait3A_73, %dma_wait3A_74] : memref<80x16xf32, #tpu.memory_space<vmem>> -> memref<25x16xf32, #tpu.memory_space<vmem>>
      tpu.wait_dma2 semaphore(%arg7 : memref<!tpu.dma_semaphore, #tpu.memory_space<semaphore_mem>>) src(%dma_wait3A_75 : memref<25x16xf32, #tpu.memory_space<vmem>>) dst(%dma_wait3A_72 : memref<25x16xf32, #tpu.memory_space<vmem_shared>>)
    }
    %scan3A_19 = arith.constant 25 : i32
    %scan3A_20 = arith.constant 0 : i32
    %scan3A_21 = arith.constant 0 : i32
    %scan3A_22 = arith.constant 80 : i32
    %scan3A_23 = arith.addi %scan3A_21, %scan3A_22 : i32
    %scan3A_24 = arith.constant 1 : i32
    scf.for %scan3A_63 = %scan3A_21 to %scan3A_23 step %scan3A_24  : i32 {
      %broadcast_in_dim3A = arith.constant 1.000000e+00 : f32
      %broadcast_in_dim3A_64 = vector.broadcast %broadcast_in_dim3A : f32 to vector<16xf32>
      %swap3A = arith.index_cast %scan3A_63 : i32 to index
      %swap3A_65 = arith.constant 0 : index
      %swap3A_66 = tpu.vector_load %arg4[%swap3A, %swap3A_65] {strides = array<i32>} : memref<80x16xf32, #tpu.memory_space<vmem>>, vector<1x16xf32>,
      %swap3A_67 = vector.shape_cast %swap3A_66 : vector<1x16xf32> to vector<16xf32>
      %swap3A_68 = vector.shape_cast %broadcast_in_dim3A_64 : vector<16xf32> to vector<1x16xf32>
      tpu.vector_store %arg4[%swap3A, %swap3A_65], %swap3A_68 {strides = array<i32>} : memref<80x16xf32, #tpu.memory_space<vmem>>, vector<1x16xf32>,
    }
    %scan3A_25 = arith.constant 80 : i32
    %barrier3A = arith.constant 0 : index
    tpu.barrier barrier_id(%barrier3A)
    %dma_start3A = arith.constant 0 : i32
    %dma_start3A_26 = arith.constant 0 : i32
    %dma_start3A_27 = tpu.memref_slice %arg5[%dma_start3A, %dma_start3A_26] : memref<125x80xi32, #tpu.memory_space<vmem>> -> memref<1x80xi32, #tpu.memory_space<vmem>>
    %dma_start3A_28 = tpu.memref_squeeze %dma_start3A_27 : memref<1x80xi32, #tpu.memory_space<vmem>> -> memref<80xi32, #tpu.memory_space<vmem>>
    %dma_start3A_29 = arith.constant 0 : i32
    %dma_start3A_30 = arith.constant 0 : i32
    %dma_start3A_31 = tpu.memref_slice %arg6[%dma_start3A_29, %dma_start3A_30] : memref<10000x16xf32, #tpu.memory_space<vmem_shared>> -> memref<10000x16xf32, #tpu.memory_space<vmem_shared>>
    tpu.enqueue_indirect_dma source(%arg4 : memref<80x16xf32, #tpu.memory_space<vmem>>) target(%dma_start3A_31 : memref<10000x16xf32, #tpu.memory_space<vmem_shared>>) offsets(%dma_start3A_28 : memref<80xi32, #tpu.memory_space<vmem>>) semaphore(%arg7 : memref<!tpu.dma_semaphore, #tpu.memory_space<semaphore_mem>>) {add = true}
    %dma_start3A_32 = arith.constant 1 : i32
    %dma_start3A_33 = arith.constant 0 : i32
    %dma_start3A_34 = tpu.memref_slice %arg5[%dma_start3A_32, %dma_start3A_33] : memref<125x80xi32, #tpu.memory_space<vmem>> -> memref<1x80xi32, #tpu.memory_space<vmem>>
    %dma_start3A_35 = tpu.memref_squeeze %dma_start3A_34 : memref<1x80xi32, #tpu.memory_space<vmem>> -> memref<80xi32, #tpu.memory_space<vmem>>
    %dma_start3A_36 = arith.constant 0 : i32
    %dma_start3A_37 = arith.constant 0 : i32
    %dma_start3A_38 = tpu.memref_slice %arg6[%dma_start3A_36, %dma_start3A_37] : memref<10000x16xf32, #tpu.memory_space<vmem_shared>> -> memref<10000x16xf32, #tpu.memory_space<vmem_shared>>
    tpu.enqueue_indirect_dma source(%arg4 : memref<80x16xf32, #tpu.memory_space<vmem>>) target(%dma_start3A_38 : memref<10000x16xf32, #tpu.memory_space<vmem_shared>>) offsets(%dma_start3A_35 : memref<80xi32, #tpu.memory_space<vmem>>) semaphore(%arg7 : memref<!tpu.dma_semaphore, #tpu.memory_space<semaphore_mem>>) {add = true}
    %scan3A_39 = arith.constant 0 : i32
    %scan3A_40 = arith.constant 0 : i32
    %scan3A_41 = arith.constant 123 : i32
    %scan3A_42 = arith.addi %scan3A_40, %scan3A_41 : i32
    %scan3A_43 = arith.constant 1 : i32
    scf.for %scan3A_63 = %scan3A_40 to %scan3A_42 step %scan3A_43  : i32 {
      %add3A_64 = arith.constant 2 : i32
      %add3A_65 = arith.addi %scan3A_63, %add3A_64 : i32
      %dma_start3A_66 = arith.constant 0 : i32
      %dma_start3A_67 = tpu.memref_slice %arg5[%add3A_65, %dma_start3A_66] : memref<125x80xi32, #tpu.memory_space<vmem>> -> memref<1x80xi32, #tpu.memory_space<vmem>>
      %dma_start3A_68 = tpu.memref_squeeze %dma_start3A_67 : memref<1x80xi32, #tpu.memory_space<vmem>> -> memref<80xi32, #tpu.memory_space<vmem>>
      %dma_start3A_69 = arith.constant 0 : i32
      %dma_start3A_70 = arith.constant 0 : i32
      %dma_start3A_71 = tpu.memref_slice %arg6[%dma_start3A_69, %dma_start3A_70] : memref<10000x16xf32, #tpu.memory_space<vmem_shared>> -> memref<10000x16xf32, #tpu.memory_space<vmem_shared>>
      tpu.enqueue_indirect_dma source(%arg4 : memref<80x16xf32, #tpu.memory_space<vmem>>) target(%dma_start3A_71 : memref<10000x16xf32, #tpu.memory_space<vmem_shared>>) offsets(%dma_start3A_68 : memref<80xi32, #tpu.memory_space<vmem>>) semaphore(%arg7 : memref<!tpu.dma_semaphore, #tpu.memory_space<semaphore_mem>>) {add = true}
      %dma_wait3A_72 = arith.constant 0 : i32
      %dma_wait3A_73 = tpu.memref_slice %arg5[%scan3A_63, %dma_wait3A_72] : memref<125x80xi32, #tpu.memory_space<vmem>> -> memref<1x80xi32, #tpu.memory_space<vmem>>
      %dma_wait3A_74 = tpu.memref_squeeze %dma_wait3A_73 : memref<1x80xi32, #tpu.memory_space<vmem>> -> memref<80xi32, #tpu.memory_space<vmem>>
      %dma_wait3A_75 = arith.constant 0 : i32
      %dma_wait3A_76 = arith.constant 0 : i32
      %dma_wait3A_77 = tpu.memref_slice %arg6[%dma_wait3A_75, %dma_wait3A_76] : memref<10000x16xf32, #tpu.memory_space<vmem_shared>> -> memref<10000x16xf32, #tpu.memory_space<vmem_shared>>
      tpu.wait_indirect_dma semaphore(%arg7 : memref<!tpu.dma_semaphore, #tpu.memory_space<semaphore_mem>>) src(%arg4 : memref<80x16xf32, #tpu.memory_space<vmem>>) dst(%dma_wait3A_77 : memref<10000x16xf32, #tpu.memory_space<vmem_shared>>)
    }
    %scan3A_44 = arith.constant 123 : i32
    %dma_wait3A = arith.constant 0 : i32
    %dma_wait3A_45 = arith.constant 0 : i32
    %dma_wait3A_46 = tpu.memref_slice %arg5[%dma_wait3A, %dma_wait3A_45] : memref<125x80xi32, #tpu.memory_space<vmem>> -> memref<1x80xi32, #tpu.memory_space<vmem>>
    %dma_wait3A_47 = tpu.memref_squeeze %dma_wait3A_46 : memref<1x80xi32, #tpu.memory_space<vmem>> -> memref<80xi32, #tpu.memory_space<vmem>>
    %dma_wait3A_48 = arith.constant 0 : i32
    %dma_wait3A_49 = arith.constant 0 : i32
    %dma_wait3A_50 = tpu.memref_slice %arg6[%dma_wait3A_48, %dma_wait3A_49] : memref<10000x16xf32, #tpu.memory_space<vmem_shared>> -> memref<10000x16xf32, #tpu.memory_space<vmem_shared>>
    tpu.wait_indirect_dma semaphore(%arg7 : memref<!tpu.dma_semaphore, #tpu.memory_space<semaphore_mem>>) src(%arg4 : memref<80x16xf32, #tpu.memory_space<vmem>>) dst(%dma_wait3A_50 : memref<10000x16xf32, #tpu.memory_space<vmem_shared>>)
    %dma_wait3A_51 = arith.constant 0 : i32
    %dma_wait3A_52 = arith.constant 0 : i32
    %dma_wait3A_53 = tpu.memref_slice %arg5[%dma_wait3A_51, %dma_wait3A_52] : memref<125x80xi32, #tpu.memory_space<vmem>> -> memref<1x80xi32, #tpu.memory_space<vmem>>
    %dma_wait3A_54 = tpu.memref_squeeze %dma_wait3A_53 : memref<1x80xi32, #tpu.memory_space<vmem>> -> memref<80xi32, #tpu.memory_space<vmem>>
    %dma_wait3A_55 = arith.constant 0 : i32
    %dma_wait3A_56 = arith.constant 0 : i32
    %dma_wait3A_57 = tpu.memref_slice %arg6[%dma_wait3A_55, %dma_wait3A_56] : memref<10000x16xf32, #tpu.memory_space<vmem_shared>> -> memref<10000x16xf32, #tpu.memory_space<vmem_shared>>
    tpu.wait_indirect_dma semaphore(%arg7 : memref<!tpu.dma_semaphore, #tpu.memory_space<semaphore_mem>>) src(%arg4 : memref<80x16xf32, #tpu.memory_space<vmem>>) dst(%dma_wait3A_57 : memref<10000x16xf32, #tpu.memory_space<vmem_shared>>)
    %barrier3A_58 = arith.constant 0 : index
    tpu.barrier barrier_id(%barrier3A_58)
    %mul3A_59 = arith.constant 625 : i32
    %mul3A_60 = arith.muli %arg1, %mul3A_59 : i32
    %mul3A_61 = arith.constant 625 : i32
    %mul3A_62 = arith.muli %arg1, %mul3A_61 : i32
    "tpu.region"() ({
      %run_scoped3A = tpu.sem_alloc : memref<!tpu.dma_semaphore, #tpu.memory_space<semaphore_mem>>
      %dma_start3A_63 = arith.constant 0 : i32
      %dma_start3A_64 = tpu.memref_slice %arg3[%arg0, %mul3A_62, %dma_start3A_63] : memref<2x10000x16xf32, #tpu.memory_space<hbm>> -> memref<1x625x16xf32, #tpu.memory_space<hbm>>
      %dma_start3A_65 = tpu.memref_squeeze %dma_start3A_64 : memref<1x625x16xf32, #tpu.memory_space<hbm>> -> memref<625x16xf32, #tpu.memory_space<hbm>>
      %dma_start3A_66 = arith.constant 0 : i32
      %dma_start3A_67 = tpu.memref_slice %arg6[%mul3A_60, %dma_start3A_66] : memref<10000x16xf32, #tpu.memory_space<vmem_shared>> -> memref<625x16xf32, #tpu.memory_space<vmem_shared>>
      tpu.enqueue_dma source(%dma_start3A_67 : memref<625x16xf32, #tpu.memory_space<vmem_shared>>) target(%dma_start3A_65 : memref<625x16xf32, #tpu.memory_space<hbm>>) target_semaphore(%run_scoped3A : memref<!tpu.dma_semaphore, #tpu.memory_space<semaphore_mem>>)
      %dma_wait3A_68 = arith.constant 0 : i32
      %dma_wait3A_69 = tpu.memref_slice %arg3[%arg0, %mul3A_62, %dma_wait3A_68] : memref<2x10000x16xf32, #tpu.memory_space<hbm>> -> memref<1x625x16xf32, #tpu.memory_space<hbm>>
      %dma_wait3A_70 = tpu.memref_squeeze %dma_wait3A_69 : memref<1x625x16xf32, #tpu.memory_space<hbm>> -> memref<625x16xf32, #tpu.memory_space<hbm>>
      %dma_wait3A_71 = arith.constant 0 : i32
      %dma_wait3A_72 = tpu.memref_slice %arg6[%mul3A_60, %dma_wait3A_71] : memref<10000x16xf32, #tpu.memory_space<vmem_shared>> -> memref<625x16xf32, #tpu.memory_space<vmem_shared>>
      tpu.wait_dma2 semaphore(%run_scoped3A : memref<!tpu.dma_semaphore, #tpu.memory_space<semaphore_mem>>) src(%dma_wait3A_72 : memref<625x16xf32, #tpu.memory_space<vmem_shared>>) dst(%dma_wait3A_70 : memref<625x16xf32, #tpu.memory_space<hbm>>)
      tpu.yield
    }) : () -> ()
    return
  }
}

#map = affine_map<(d0, d1) -> (0, 0)>
#map1 = affine_map<(d0, d1) -> (0, 0, 0)>
module attributes {stable_mosaic.version = 14 : i64} {
  func.func @_spmm_body(%arg0: i32, %arg1: i32, %arg2: memref<10000x128xf32, #tpu.memory_space<hbm>>, %arg3: memref<4000x80xi32, #tpu.memory_space<hbm>>, %arg4: memref<4000x80xi32, #tpu.memory_space<hbm>>, %arg5: memref<2x10000x128xf32, #tpu.memory_space<hbm>>, %arg6: memref<125x80xi32, #tpu.memory_space<vmem>>, %arg7: memref<125x80xi32, #tpu.memory_space<vmem>>, %arg8: memref<80x128xf32, #tpu.memory_space<vmem>>, %arg9: memref<80x128xf32, #tpu.memory_space<vmem>>, %arg10: memref<80x128xf32, #tpu.memory_space<vmem>>, %arg11: memref<10000x128xf32, #tpu.memory_space<vmem_shared>>, %arg12: memref<!tpu.dma_semaphore, #tpu.memory_space<semaphore_mem>>, %arg13: memref<!tpu.dma_semaphore, #tpu.memory_space<semaphore_mem>>, %arg14: memref<!tpu.dma_semaphore, #tpu.memory_space<semaphore_mem>>, %arg15: memref<!tpu.dma_semaphore, #tpu.memory_space<semaphore_mem>>, %arg16: memref<!tpu.dma_semaphore, #tpu.memory_space<semaphore_mem>>, %arg17: memref<!tpu.dma_semaphore, #tpu.memory_space<semaphore_mem>>) attributes {dimension_semantics = [#tpu.dimension_semantics<core_parallel>, #tpu.dimension_semantics<subcore_parallel>], iteration_bounds = array<i64: 2, 16>, scalar_prefetch = 0 : i64, scratch_operands = 12 : i64, tpu.core_type = #tpu.core_type<sc_vector_subcore>, window_params = [{transform_indices = #map}, {transform_indices = #map}, {transform_indices = #map}, {transform_indices = #map1}]} {
    %mul3A = arith.constant 16 : i32
    %mul3A_0 = arith.muli %arg0, %mul3A : i32
    %add3A = arith.addi %mul3A_0, %arg1 : i32
    %scan3A = arith.constant 0 : i32
    %scan3A_1 = arith.constant 0 : i32
    %scan3A_2 = arith.constant 200 : i32
    %scan3A_3 = arith.addi %scan3A_1, %scan3A_2 : i32
    %scan3A_4 = arith.constant 1 : i32
    scf.for %scan3A_67 = %scan3A_1 to %scan3A_3 step %scan3A_4  : i32 {
      %broadcast_in_dim3A = arith.constant 0.000000e+00 : f32
      %broadcast_in_dim3A_68 = vector.broadcast %broadcast_in_dim3A : f32 to vector<16xf32>
      %jit3A = arith.constant 8 : i32
      %div3A = arith.divsi %scan3A_67, %jit3A : i32
      %sign3A = arith.constant 0 : i32
      %sign3A_69 = arith.cmpi sgt, %scan3A_67, %sign3A : i32
      %sign3A_70 = arith.extui %sign3A_69 : i1 to i32
      %sign3A_71 = arith.constant 0 : i32
      %sign3A_72 = arith.cmpi slt, %scan3A_67, %sign3A_71 : i32
      %sign3A_73 = arith.extui %sign3A_72 : i1 to i32
      %sign3A_74 = arith.subi %sign3A_70, %sign3A_73 : i32
      %sign3A_75 = arith.constant 0 : i32
      %sign3A_76 = arith.cmpi sgt, %jit3A, %sign3A_75 : i32
      %sign3A_77 = arith.extui %sign3A_76 : i1 to i32
      %sign3A_78 = arith.constant 0 : i32
      %sign3A_79 = arith.cmpi slt, %jit3A, %sign3A_78 : i32
      %sign3A_80 = arith.extui %sign3A_79 : i1 to i32
      %sign3A_81 = arith.subi %sign3A_77, %sign3A_80 : i32
      %ne3A = arith.cmpi ne, %sign3A_74, %sign3A_81 : i32
      %rem3A = arith.remsi %scan3A_67, %jit3A : i32
      %ne3A_82 = arith.constant 0 : i32
      %ne3A_83 = arith.cmpi ne, %rem3A, %ne3A_82 : i32
      %and3A = arith.andi %ne3A, %ne3A_83 : i1
      %sub3A = arith.constant 1 : i32
      %sub3A_84 = arith.subi %div3A, %sub3A : i32
      %select_n3A = arith.select %and3A, %sub3A_84, %div3A : i32
      %jit3A_85 = arith.constant 8 : i32
      %eq3A = arith.constant 0 : i32
      %eq3A_86 = arith.cmpi eq, %jit3A_85, %eq3A : i32
      %jit3A_87 = arith.constant 1 : i32
      %select_n3A_88 = arith.select %eq3A_86, %jit3A_87, %jit3A_85 : i32
      %rem3A_89 = arith.remsi %scan3A_67, %select_n3A_88 : i32
      %ne3A_90 = arith.constant 0 : i32
      %ne3A_91 = arith.cmpi ne, %rem3A_89, %ne3A_90 : i32
      %lt3A = arith.constant 0 : i32
      %lt3A_92 = arith.cmpi slt, %rem3A_89, %lt3A : i32
      %lt3A_93 = arith.constant 0 : i32
      %lt3A_94 = arith.cmpi slt, %select_n3A_88, %lt3A_93 : i32
      %ne3A_95 = arith.xori %lt3A_92, %lt3A_94 : i1
      %and3A_96 = arith.andi %ne3A_95, %ne3A_91 : i1
      %add3A_97 = arith.addi %rem3A_89, %select_n3A_88 : i32
      %select_n3A_98 = arith.select %and3A_96, %add3A_97, %rem3A_89 : i32
      %mul3A_99 = arith.constant 16 : i32
      %mul3A_100 = arith.muli %select_n3A_98, %mul3A_99 : i32
      %swap3A = arith.index_cast %select_n3A : i32 to index
      %swap3A_101 = arith.index_cast %mul3A_100 : i32 to index
      %swap3A_102 = tpu.vector_load %arg8[%swap3A, %swap3A_101] {strides = array<i32>} : memref<80x128xf32, #tpu.memory_space<vmem>>, vector<1x16xf32>,
      %swap3A_103 = vector.shape_cast %swap3A_102 : vector<1x16xf32> to vector<16xf32>
      %swap3A_104 = vector.shape_cast %broadcast_in_dim3A_68 : vector<16xf32> to vector<1x16xf32>
      tpu.vector_store %arg8[%swap3A, %swap3A_101], %swap3A_104 {strides = array<i32>} : memref<80x128xf32, #tpu.memory_space<vmem>>, vector<1x16xf32>,
    }
    %scan3A_5 = arith.constant 200 : i32
    %scan3A_6 = arith.constant 0 : i32
    %scan3A_7 = arith.constant 0 : i32
    %scan3A_8 = arith.constant 25 : i32
    %scan3A_9 = arith.addi %scan3A_7, %scan3A_8 : i32
    %scan3A_10 = arith.constant 1 : i32
    scf.for %scan3A_67 = %scan3A_7 to %scan3A_9 step %scan3A_10  : i32 {
      %mul3A_68 = arith.constant 625 : i32
      %mul3A_69 = arith.muli %arg1, %mul3A_68 : i32
      %mul3A_70 = arith.constant 25 : i32
      %mul3A_71 = arith.muli %scan3A_67, %mul3A_70 : i32
      %add3A_72 = arith.addi %mul3A_69, %mul3A_71 : i32
      %dma_start3A_73 = arith.constant 0 : i32
      %dma_start3A_74 = arith.constant 0 : i32
      %dma_start3A_75 = tpu.memref_slice %arg8[%dma_start3A_73, %dma_start3A_74] : memref<80x128xf32, #tpu.memory_space<vmem>> -> memref<25x128xf32, #tpu.memory_space<vmem>>
      %dma_start3A_76 = arith.constant 0 : i32
      %dma_start3A_77 = tpu.memref_slice %arg11[%add3A_72, %dma_start3A_76] : memref<10000x128xf32, #tpu.memory_space<vmem_shared>> -> memref<25x128xf32, #tpu.memory_space<vmem_shared>>
      %dma_start3A_78 = arith.constant 0 : i32
      %dma_start3A_79 = tpu.memref_slice %arg11[%add3A_72, %dma_start3A_78] : memref<10000x128xf32, #tpu.memory_space<vmem_shared>> -> memref<25x128xf32, #tpu.memory_space<vmem_shared>>
      %dma_start3A_80 = arith.constant 0 : i32
      %dma_start3A_81 = arith.constant 0 : i32
      %dma_start3A_82 = tpu.memref_slice %arg8[%dma_start3A_80, %dma_start3A_81] : memref<80x128xf32, #tpu.memory_space<vmem>> -> memref<25x128xf32, #tpu.memory_space<vmem>>
      tpu.enqueue_dma source(%dma_start3A_82 : memref<25x128xf32, #tpu.memory_space<vmem>>) target(%dma_start3A_79 : memref<25x128xf32, #tpu.memory_space<vmem_shared>>) target_semaphore(%arg15 : memref<!tpu.dma_semaphore, #tpu.memory_space<semaphore_mem>>)
    }
    %scan3A_11 = arith.constant 25 : i32
    %mul3A_12 = arith.constant 125 : i32
    %mul3A_13 = arith.muli %add3A, %mul3A_12 : i32
    "tpu.region"() ({
      %run_scoped3A_67 = tpu.sem_alloc : memref<!tpu.dma_semaphore, #tpu.memory_space<semaphore_mem>>
      %dma_start3A_68 = arith.constant 0 : i32
      %dma_start3A_69 = tpu.memref_slice %arg3[%mul3A_13, %dma_start3A_68] : memref<4000x80xi32, #tpu.memory_space<hbm>> -> memref<125x80xi32, #tpu.memory_space<hbm>>
      %dma_start3A_70 = arith.constant 0 : i32
      %dma_start3A_71 = tpu.memref_slice %arg3[%mul3A_13, %dma_start3A_70] : memref<4000x80xi32, #tpu.memory_space<hbm>> -> memref<125x80xi32, #tpu.memory_space<hbm>>
      tpu.enqueue_dma source(%dma_start3A_71 : memref<125x80xi32, #tpu.memory_space<hbm>>) target(%arg6 : memref<125x80xi32, #tpu.memory_space<vmem>>) target_semaphore(%run_scoped3A_67 : memref<!tpu.dma_semaphore, #tpu.memory_space<semaphore_mem>>)
      %dma_wait3A_72 = arith.constant 0 : i32
      %dma_wait3A_73 = tpu.memref_slice %arg3[%mul3A_13, %dma_wait3A_72] : memref<4000x80xi32, #tpu.memory_space<hbm>> -> memref<125x80xi32, #tpu.memory_space<hbm>>
      %dma_wait3A_74 = arith.constant 0 : i32
      %dma_wait3A_75 = tpu.memref_slice %arg3[%mul3A_13, %dma_wait3A_74] : memref<4000x80xi32, #tpu.memory_space<hbm>> -> memref<125x80xi32, #tpu.memory_space<hbm>>
      tpu.wait_dma2 semaphore(%run_scoped3A_67 : memref<!tpu.dma_semaphore, #tpu.memory_space<semaphore_mem>>) src(%dma_wait3A_75 : memref<125x80xi32, #tpu.memory_space<hbm>>) dst(%arg6 : memref<125x80xi32, #tpu.memory_space<vmem>>)
      tpu.yield
    }) : () -> ()
    %mul3A_14 = arith.constant 125 : i32
    %mul3A_15 = arith.muli %add3A, %mul3A_14 : i32
    "tpu.region"() ({
      %run_scoped3A_67 = tpu.sem_alloc : memref<!tpu.dma_semaphore, #tpu.memory_space<semaphore_mem>>
      %dma_start3A_68 = arith.constant 0 : i32
      %dma_start3A_69 = tpu.memref_slice %arg4[%mul3A_15, %dma_start3A_68] : memref<4000x80xi32, #tpu.memory_space<hbm>> -> memref<125x80xi32, #tpu.memory_space<hbm>>
      %dma_start3A_70 = arith.constant 0 : i32
      %dma_start3A_71 = tpu.memref_slice %arg4[%mul3A_15, %dma_start3A_70] : memref<4000x80xi32, #tpu.memory_space<hbm>> -> memref<125x80xi32, #tpu.memory_space<hbm>>
      tpu.enqueue_dma source(%dma_start3A_71 : memref<125x80xi32, #tpu.memory_space<hbm>>) target(%arg7 : memref<125x80xi32, #tpu.memory_space<vmem>>) target_semaphore(%run_scoped3A_67 : memref<!tpu.dma_semaphore, #tpu.memory_space<semaphore_mem>>)
      %dma_wait3A_72 = arith.constant 0 : i32
      %dma_wait3A_73 = tpu.memref_slice %arg4[%mul3A_15, %dma_wait3A_72] : memref<4000x80xi32, #tpu.memory_space<hbm>> -> memref<125x80xi32, #tpu.memory_space<hbm>>
      %dma_wait3A_74 = arith.constant 0 : i32
      %dma_wait3A_75 = tpu.memref_slice %arg4[%mul3A_15, %dma_wait3A_74] : memref<4000x80xi32, #tpu.memory_space<hbm>> -> memref<125x80xi32, #tpu.memory_space<hbm>>
      tpu.wait_dma2 semaphore(%run_scoped3A_67 : memref<!tpu.dma_semaphore, #tpu.memory_space<semaphore_mem>>) src(%dma_wait3A_75 : memref<125x80xi32, #tpu.memory_space<hbm>>) dst(%arg7 : memref<125x80xi32, #tpu.memory_space<vmem>>)
      tpu.yield
    }) : () -> ()
    %dma_start3A = arith.constant 1 : i32
    %dma_start3A_16 = arith.constant 0 : i32
    %dma_start3A_17 = tpu.memref_slice %arg6[%dma_start3A, %dma_start3A_16] : memref<125x80xi32, #tpu.memory_space<vmem>> -> memref<1x80xi32, #tpu.memory_space<vmem>>
    %dma_start3A_18 = tpu.memref_squeeze %dma_start3A_17 : memref<1x80xi32, #tpu.memory_space<vmem>> -> memref<80xi32, #tpu.memory_space<vmem>>
    %dma_start3A_19 = arith.constant 0 : i32
    %dma_start3A_20 = arith.constant 0 : i32
    %dma_start3A_21 = tpu.memref_slice %arg2[%dma_start3A_19, %dma_start3A_20] : memref<10000x128xf32, #tpu.memory_space<hbm>> -> memref<10000x128xf32, #tpu.memory_space<hbm>>
    tpu.enqueue_indirect_dma source(%dma_start3A_21 : memref<10000x128xf32, #tpu.memory_space<hbm>>) target(%arg9 : memref<80x128xf32, #tpu.memory_space<vmem>>) offsets(%dma_start3A_18 : memref<80xi32, #tpu.memory_space<vmem>>) semaphore(%arg13 : memref<!tpu.dma_semaphore, #tpu.memory_space<semaphore_mem>>)
    %dma_start3A_22 = arith.constant 2 : i32
    %dma_start3A_23 = arith.constant 0 : i32
    %dma_start3A_24 = tpu.memref_slice %arg6[%dma_start3A_22, %dma_start3A_23] : memref<125x80xi32, #tpu.memory_space<vmem>> -> memref<1x80xi32, #tpu.memory_space<vmem>>
    %dma_start3A_25 = tpu.memref_squeeze %dma_start3A_24 : memref<1x80xi32, #tpu.memory_space<vmem>> -> memref<80xi32, #tpu.memory_space<vmem>>
    %dma_start3A_26 = arith.constant 0 : i32
    %dma_start3A_27 = arith.constant 0 : i32
    %dma_start3A_28 = tpu.memref_slice %arg2[%dma_start3A_26, %dma_start3A_27] : memref<10000x128xf32, #tpu.memory_space<hbm>> -> memref<10000x128xf32, #tpu.memory_space<hbm>>
    tpu.enqueue_indirect_dma source(%dma_start3A_28 : memref<10000x128xf32, #tpu.memory_space<hbm>>) target(%arg10 : memref<80x128xf32, #tpu.memory_space<vmem>>) offsets(%dma_start3A_25 : memref<80xi32, #tpu.memory_space<vmem>>) semaphore(%arg14 : memref<!tpu.dma_semaphore, #tpu.memory_space<semaphore_mem>>)
    %scan3A_29 = arith.constant 0 : i32
    %scan3A_30 = arith.constant 0 : i32
    %scan3A_31 = arith.constant 25 : i32
    %scan3A_32 = arith.addi %scan3A_30, %scan3A_31 : i32
    %scan3A_33 = arith.constant 1 : i32
    scf.for %scan3A_67 = %scan3A_30 to %scan3A_32 step %scan3A_33  : i32 {
      %mul3A_68 = arith.constant 625 : i32
      %mul3A_69 = arith.muli %arg1, %mul3A_68 : i32
      %dma_wait3A_70 = arith.constant 0 : i32
      %dma_wait3A_71 = arith.constant 0 : i32
      %dma_wait3A_72 = tpu.memref_slice %arg8[%dma_wait3A_70, %dma_wait3A_71] : memref<80x128xf32, #tpu.memory_space<vmem>> -> memref<25x128xf32, #tpu.memory_space<vmem>>
      %dma_wait3A_73 = arith.constant 0 : i32
      %dma_wait3A_74 = tpu.memref_slice %arg11[%mul3A_69, %dma_wait3A_73] : memref<10000x128xf32, #tpu.memory_space<vmem_shared>> -> memref<25x128xf32, #tpu.memory_space<vmem_shared>>
      %dma_wait3A_75 = arith.constant 0 : i32
      %dma_wait3A_76 = tpu.memref_slice %arg11[%mul3A_69, %dma_wait3A_75] : memref<10000x128xf32, #tpu.memory_space<vmem_shared>> -> memref<25x128xf32, #tpu.memory_space<vmem_shared>>
      %dma_wait3A_77 = arith.constant 0 : i32
      %dma_wait3A_78 = arith.constant 0 : i32
      %dma_wait3A_79 = tpu.memref_slice %arg8[%dma_wait3A_77, %dma_wait3A_78] : memref<80x128xf32, #tpu.memory_space<vmem>> -> memref<25x128xf32, #tpu.memory_space<vmem>>
      tpu.wait_dma2 semaphore(%arg15 : memref<!tpu.dma_semaphore, #tpu.memory_space<semaphore_mem>>) src(%dma_wait3A_79 : memref<25x128xf32, #tpu.memory_space<vmem>>) dst(%dma_wait3A_76 : memref<25x128xf32, #tpu.memory_space<vmem_shared>>)
    }
    %scan3A_34 = arith.constant 25 : i32
    %dma_start3A_35 = arith.constant 0 : i32
    %dma_start3A_36 = arith.constant 0 : i32
    %dma_start3A_37 = tpu.memref_slice %arg6[%dma_start3A_35, %dma_start3A_36] : memref<125x80xi32, #tpu.memory_space<vmem>> -> memref<1x80xi32, #tpu.memory_space<vmem>>
    %dma_start3A_38 = tpu.memref_squeeze %dma_start3A_37 : memref<1x80xi32, #tpu.memory_space<vmem>> -> memref<80xi32, #tpu.memory_space<vmem>>
    %dma_start3A_39 = arith.constant 0 : i32
    %dma_start3A_40 = arith.constant 0 : i32
    %dma_start3A_41 = tpu.memref_slice %arg2[%dma_start3A_39, %dma_start3A_40] : memref<10000x128xf32, #tpu.memory_space<hbm>> -> memref<10000x128xf32, #tpu.memory_space<hbm>>
    tpu.enqueue_indirect_dma source(%dma_start3A_41 : memref<10000x128xf32, #tpu.memory_space<hbm>>) target(%arg8 : memref<80x128xf32, #tpu.memory_space<vmem>>) offsets(%dma_start3A_38 : memref<80xi32, #tpu.memory_space<vmem>>) semaphore(%arg12 : memref<!tpu.dma_semaphore, #tpu.memory_space<semaphore_mem>>)
    %barrier3A = arith.constant 0 : index
    tpu.barrier barrier_id(%barrier3A)
    %scan3A_42 = arith.constant 0 : i32
    %scan3A_43 = arith.constant 0 : i32
    %scan3A_44 = arith.constant 41 : i32
    %scan3A_45 = arith.addi %scan3A_43, %scan3A_44 : i32
    %scan3A_46 = arith.constant 1 : i32
    scf.for %scan3A_67 = %scan3A_43 to %scan3A_45 step %scan3A_46  : i32 {
      %mul3A_68 = arith.constant 3 : i32
      %mul3A_69 = arith.muli %mul3A_68, %scan3A_67 : i32
      %add3A_70 = arith.constant 0 : i32
      %add3A_71 = arith.addi %mul3A_69, %add3A_70 : i32
      %dma_wait3A_72 = arith.constant 0 : i32
      %dma_wait3A_73 = tpu.memref_slice %arg6[%add3A_71, %dma_wait3A_72] : memref<125x80xi32, #tpu.memory_space<vmem>> -> memref<1x80xi32, #tpu.memory_space<vmem>>
      %dma_wait3A_74 = tpu.memref_squeeze %dma_wait3A_73 : memref<1x80xi32, #tpu.memory_space<vmem>> -> memref<80xi32, #tpu.memory_space<vmem>>
      %dma_wait3A_75 = arith.constant 0 : i32
      %dma_wait3A_76 = arith.constant 0 : i32
      %dma_wait3A_77 = tpu.memref_slice %arg2[%dma_wait3A_75, %dma_wait3A_76] : memref<10000x128xf32, #tpu.memory_space<hbm>> -> memref<10000x128xf32, #tpu.memory_space<hbm>>
      tpu.wait_indirect_dma semaphore(%arg12 : memref<!tpu.dma_semaphore, #tpu.memory_space<semaphore_mem>>) src(%dma_wait3A_77 : memref<10000x128xf32, #tpu.memory_space<hbm>>) dst(%arg8 : memref<80x128xf32, #tpu.memory_space<vmem>>)
      %dma_start3A_78 = arith.constant 0 : i32
      %dma_start3A_79 = tpu.memref_slice %arg7[%add3A_71, %dma_start3A_78] : memref<125x80xi32, #tpu.memory_space<vmem>> -> memref<1x80xi32, #tpu.memory_space<vmem>>
      %dma_start3A_80 = tpu.memref_squeeze %dma_start3A_79 : memref<1x80xi32, #tpu.memory_space<vmem>> -> memref<80xi32, #tpu.memory_space<vmem>>
      %dma_start3A_81 = arith.constant 0 : i32
      %dma_start3A_82 = arith.constant 0 : i32
      %dma_start3A_83 = tpu.memref_slice %arg11[%dma_start3A_81, %dma_start3A_82] : memref<10000x128xf32, #tpu.memory_space<vmem_shared>> -> memref<10000x128xf32, #tpu.memory_space<vmem_shared>>
      tpu.enqueue_indirect_dma source(%arg8 : memref<80x128xf32, #tpu.memory_space<vmem>>) target(%dma_start3A_83 : memref<10000x128xf32, #tpu.memory_space<vmem_shared>>) offsets(%dma_start3A_80 : memref<80xi32, #tpu.memory_space<vmem>>) semaphore(%arg15 : memref<!tpu.dma_semaphore, #tpu.memory_space<semaphore_mem>>) {add = true}
      %dma_wait3A_84 = arith.constant 0 : i32
      %dma_wait3A_85 = tpu.memref_slice %arg7[%add3A_71, %dma_wait3A_84] : memref<125x80xi32, #tpu.memory_space<vmem>> -> memref<1x80xi32, #tpu.memory_space<vmem>>
      %dma_wait3A_86 = tpu.memref_squeeze %dma_wait3A_85 : memref<1x80xi32, #tpu.memory_space<vmem>> -> memref<80xi32, #tpu.memory_space<vmem>>
      %dma_wait3A_87 = arith.constant 0 : i32
      %dma_wait3A_88 = arith.constant 0 : i32
      %dma_wait3A_89 = tpu.memref_slice %arg11[%dma_wait3A_87, %dma_wait3A_88] : memref<10000x128xf32, #tpu.memory_space<vmem_shared>> -> memref<10000x128xf32, #tpu.memory_space<vmem_shared>>
      tpu.wait_indirect_dma semaphore(%arg15 : memref<!tpu.dma_semaphore, #tpu.memory_space<semaphore_mem>>) src(%arg8 : memref<80x128xf32, #tpu.memory_space<vmem>>) dst(%dma_wait3A_89 : memref<10000x128xf32, #tpu.memory_space<vmem_shared>>)
      %add3A_90 = arith.constant 3 : i32
      %add3A_91 = arith.addi %add3A_71, %add3A_90 : i32
      %lt3A = arith.constant 125 : i32
      %lt3A_92 = arith.cmpi slt, %add3A_91, %lt3A : i32
      %convert_element_type3A = arith.extui %lt3A_92 : i1 to i32
      %cond3A = arith.constant 0 : i32
      %cond3A_93 = arith.cmpi ne, %convert_element_type3A, %cond3A : i32
      scf.if %cond3A_93 {
        %add3A_152 = arith.constant 3 : i32
        %add3A_153 = arith.addi %add3A_71, %add3A_152 : i32
        %dma_start3A_154 = arith.constant 0 : i32
        %dma_start3A_155 = tpu.memref_slice %arg6[%add3A_153, %dma_start3A_154] : memref<125x80xi32, #tpu.memory_space<vmem>> -> memref<1x80xi32, #tpu.memory_space<vmem>>
        %dma_start3A_156 = tpu.memref_squeeze %dma_start3A_155 : memref<1x80xi32, #tpu.memory_space<vmem>> -> memref<80xi32, #tpu.memory_space<vmem>>
        %dma_start3A_157 = arith.constant 0 : i32
        %dma_start3A_158 = arith.constant 0 : i32
        %dma_start3A_159 = tpu.memref_slice %arg2[%dma_start3A_157, %dma_start3A_158] : memref<10000x128xf32, #tpu.memory_space<hbm>> -> memref<10000x128xf32, #tpu.memory_space<hbm>>
        tpu.enqueue_indirect_dma source(%dma_start3A_159 : memref<10000x128xf32, #tpu.memory_space<hbm>>) target(%arg8 : memref<80x128xf32, #tpu.memory_space<vmem>>) offsets(%dma_start3A_156 : memref<80xi32, #tpu.memory_space<vmem>>) semaphore(%arg12 : memref<!tpu.dma_semaphore, #tpu.memory_space<semaphore_mem>>)
      } else {
      }
      %mul3A_94 = arith.constant 3 : i32
      %mul3A_95 = arith.muli %mul3A_94, %scan3A_67 : i32
      %add3A_96 = arith.constant 1 : i32
      %add3A_97 = arith.addi %mul3A_95, %add3A_96 : i32
      %dma_wait3A_98 = arith.constant 0 : i32
      %dma_wait3A_99 = tpu.memref_slice %arg6[%add3A_97, %dma_wait3A_98] : memref<125x80xi32, #tpu.memory_space<vmem>> -> memref<1x80xi32, #tpu.memory_space<vmem>>
      %dma_wait3A_100 = tpu.memref_squeeze %dma_wait3A_99 : memref<1x80xi32, #tpu.memory_space<vmem>> -> memref<80xi32, #tpu.memory_space<vmem>>
      %dma_wait3A_101 = arith.constant 0 : i32
      %dma_wait3A_102 = arith.constant 0 : i32
      %dma_wait3A_103 = tpu.memref_slice %arg2[%dma_wait3A_101, %dma_wait3A_102] : memref<10000x128xf32, #tpu.memory_space<hbm>> -> memref<10000x128xf32, #tpu.memory_space<hbm>>
      tpu.wait_indirect_dma semaphore(%arg13 : memref<!tpu.dma_semaphore, #tpu.memory_space<semaphore_mem>>) src(%dma_wait3A_103 : memref<10000x128xf32, #tpu.memory_space<hbm>>) dst(%arg9 : memref<80x128xf32, #tpu.memory_space<vmem>>)
      %dma_start3A_104 = arith.constant 0 : i32
      %dma_start3A_105 = tpu.memref_slice %arg7[%add3A_97, %dma_start3A_104] : memref<125x80xi32, #tpu.memory_space<vmem>> -> memref<1x80xi32, #tpu.memory_space<vmem>>
      %dma_start3A_106 = tpu.memref_squeeze %dma_start3A_105 : memref<1x80xi32, #tpu.memory_space<vmem>> -> memref<80xi32, #tpu.memory_space<vmem>>
      %dma_start3A_107 = arith.constant 0 : i32
      %dma_start3A_108 = arith.constant 0 : i32
      %dma_start3A_109 = tpu.memref_slice %arg11[%dma_start3A_107, %dma_start3A_108] : memref<10000x128xf32, #tpu.memory_space<vmem_shared>> -> memref<10000x128xf32, #tpu.memory_space<vmem_shared>>
      tpu.enqueue_indirect_dma source(%arg9 : memref<80x128xf32, #tpu.memory_space<vmem>>) target(%dma_start3A_109 : memref<10000x128xf32, #tpu.memory_space<vmem_shared>>) offsets(%dma_start3A_106 : memref<80xi32, #tpu.memory_space<vmem>>) semaphore(%arg16 : memref<!tpu.dma_semaphore, #tpu.memory_space<semaphore_mem>>) {add = true}
      %dma_wait3A_110 = arith.constant 0 : i32
      %dma_wait3A_111 = tpu.memref_slice %arg7[%add3A_97, %dma_wait3A_110] : memref<125x80xi32, #tpu.memory_space<vmem>> -> memref<1x80xi32, #tpu.memory_space<vmem>>
      %dma_wait3A_112 = tpu.memref_squeeze %dma_wait3A_111 : memref<1x80xi32, #tpu.memory_space<vmem>> -> memref<80xi32, #tpu.memory_space<vmem>>
      %dma_wait3A_113 = arith.constant 0 : i32
      %dma_wait3A_114 = arith.constant 0 : i32
      %dma_wait3A_115 = tpu.memref_slice %arg11[%dma_wait3A_113, %dma_wait3A_114] : memref<10000x128xf32, #tpu.memory_space<vmem_shared>> -> memref<10000x128xf32, #tpu.memory_space<vmem_shared>>
      tpu.wait_indirect_dma semaphore(%arg16 : memref<!tpu.dma_semaphore, #tpu.memory_space<semaphore_mem>>) src(%arg9 : memref<80x128xf32, #tpu.memory_space<vmem>>) dst(%dma_wait3A_115 : memref<10000x128xf32, #tpu.memory_space<vmem_shared>>)
      %add3A_116 = arith.constant 3 : i32
      %add3A_117 = arith.addi %add3A_97, %add3A_116 : i32
      %lt3A_118 = arith.constant 125 : i32
      %lt3A_119 = arith.cmpi slt, %add3A_117, %lt3A_118 : i32
      %convert_element_type3A_120 = arith.extui %lt3A_119 : i1 to i32
      %cond3A_121 = arith.constant 0 : i32
      %cond3A_122 = arith.cmpi ne, %convert_element_type3A_120, %cond3A_121 : i32
      scf.if %cond3A_122 {
        %add3A_152 = arith.constant 3 : i32
        %add3A_153 = arith.addi %add3A_97, %add3A_152 : i32
        %dma_start3A_154 = arith.constant 0 : i32
        %dma_start3A_155 = tpu.memref_slice %arg6[%add3A_153, %dma_start3A_154] : memref<125x80xi32, #tpu.memory_space<vmem>> -> memref<1x80xi32, #tpu.memory_space<vmem>>
        %dma_start3A_156 = tpu.memref_squeeze %dma_start3A_155 : memref<1x80xi32, #tpu.memory_space<vmem>> -> memref<80xi32, #tpu.memory_space<vmem>>
        %dma_start3A_157 = arith.constant 0 : i32
        %dma_start3A_158 = arith.constant 0 : i32
        %dma_start3A_159 = tpu.memref_slice %arg2[%dma_start3A_157, %dma_start3A_158] : memref<10000x128xf32, #tpu.memory_space<hbm>> -> memref<10000x128xf32, #tpu.memory_space<hbm>>
        tpu.enqueue_indirect_dma source(%dma_start3A_159 : memref<10000x128xf32, #tpu.memory_space<hbm>>) target(%arg9 : memref<80x128xf32, #tpu.memory_space<vmem>>) offsets(%dma_start3A_156 : memref<80xi32, #tpu.memory_space<vmem>>) semaphore(%arg13 : memref<!tpu.dma_semaphore, #tpu.memory_space<semaphore_mem>>)
      } else {
      }
      %mul3A_123 = arith.constant 3 : i32
      %mul3A_124 = arith.muli %mul3A_123, %scan3A_67 : i32
      %add3A_125 = arith.constant 2 : i32
      %add3A_126 = arith.addi %mul3A_124, %add3A_125 : i32
      %dma_wait3A_127 = arith.constant 0 : i32
      %dma_wait3A_128 = tpu.memref_slice %arg6[%add3A_126, %dma_wait3A_127] : memref<125x80xi32, #tpu.memory_space<vmem>> -> memref<1x80xi32, #tpu.memory_space<vmem>>
      %dma_wait3A_129 = tpu.memref_squeeze %dma_wait3A_128 : memref<1x80xi32, #tpu.memory_space<vmem>> -> memref<80xi32, #tpu.memory_space<vmem>>
      %dma_wait3A_130 = arith.constant 0 : i32
      %dma_wait3A_131 = arith.constant 0 : i32
      %dma_wait3A_132 = tpu.memref_slice %arg2[%dma_wait3A_130, %dma_wait3A_131] : memref<10000x128xf32, #tpu.memory_space<hbm>> -> memref<10000x128xf32, #tpu.memory_space<hbm>>
      tpu.wait_indirect_dma semaphore(%arg14 : memref<!tpu.dma_semaphore, #tpu.memory_space<semaphore_mem>>) src(%dma_wait3A_132 : memref<10000x128xf32, #tpu.memory_space<hbm>>) dst(%arg10 : memref<80x128xf32, #tpu.memory_space<vmem>>)
      %dma_start3A_133 = arith.constant 0 : i32
      %dma_start3A_134 = tpu.memref_slice %arg7[%add3A_126, %dma_start3A_133] : memref<125x80xi32, #tpu.memory_space<vmem>> -> memref<1x80xi32, #tpu.memory_space<vmem>>
      %dma_start3A_135 = tpu.memref_squeeze %dma_start3A_134 : memref<1x80xi32, #tpu.memory_space<vmem>> -> memref<80xi32, #tpu.memory_space<vmem>>
      %dma_start3A_136 = arith.constant 0 : i32
      %dma_start3A_137 = arith.constant 0 : i32
      %dma_start3A_138 = tpu.memref_slice %arg11[%dma_start3A_136, %dma_start3A_137] : memref<10000x128xf32, #tpu.memory_space<vmem_shared>> -> memref<10000x128xf32, #tpu.memory_space<vmem_shared>>
      tpu.enqueue_indirect_dma source(%arg10 : memref<80x128xf32, #tpu.memory_space<vmem>>) target(%dma_start3A_138 : memref<10000x128xf32, #tpu.memory_space<vmem_shared>>) offsets(%dma_start3A_135 : memref<80xi32, #tpu.memory_space<vmem>>) semaphore(%arg17 : memref<!tpu.dma_semaphore, #tpu.memory_space<semaphore_mem>>) {add = true}
      %dma_wait3A_139 = arith.constant 0 : i32
      %dma_wait3A_140 = tpu.memref_slice %arg7[%add3A_126, %dma_wait3A_139] : memref<125x80xi32, #tpu.memory_space<vmem>> -> memref<1x80xi32, #tpu.memory_space<vmem>>
      %dma_wait3A_141 = tpu.memref_squeeze %dma_wait3A_140 : memref<1x80xi32, #tpu.memory_space<vmem>> -> memref<80xi32, #tpu.memory_space<vmem>>
      %dma_wait3A_142 = arith.constant 0 : i32
      %dma_wait3A_143 = arith.constant 0 : i32
      %dma_wait3A_144 = tpu.memref_slice %arg11[%dma_wait3A_142, %dma_wait3A_143] : memref<10000x128xf32, #tpu.memory_space<vmem_shared>> -> memref<10000x128xf32, #tpu.memory_space<vmem_shared>>
      tpu.wait_indirect_dma semaphore(%arg17 : memref<!tpu.dma_semaphore, #tpu.memory_space<semaphore_mem>>) src(%arg10 : memref<80x128xf32, #tpu.memory_space<vmem>>) dst(%dma_wait3A_144 : memref<10000x128xf32, #tpu.memory_space<vmem_shared>>)
      %add3A_145 = arith.constant 3 : i32
      %add3A_146 = arith.addi %add3A_126, %add3A_145 : i32
      %lt3A_147 = arith.constant 125 : i32
      %lt3A_148 = arith.cmpi slt, %add3A_146, %lt3A_147 : i32
      %convert_element_type3A_149 = arith.extui %lt3A_148 : i1 to i32
      %cond3A_150 = arith.constant 0 : i32
      %cond3A_151 = arith.cmpi ne, %convert_element_type3A_149, %cond3A_150 : i32
      scf.if %cond3A_151 {
        %add3A_152 = arith.constant 3 : i32
        %add3A_153 = arith.addi %add3A_126, %add3A_152 : i32
        %dma_start3A_154 = arith.constant 0 : i32
        %dma_start3A_155 = tpu.memref_slice %arg6[%add3A_153, %dma_start3A_154] : memref<125x80xi32, #tpu.memory_space<vmem>> -> memref<1x80xi32, #tpu.memory_space<vmem>>
        %dma_start3A_156 = tpu.memref_squeeze %dma_start3A_155 : memref<1x80xi32, #tpu.memory_space<vmem>> -> memref<80xi32, #tpu.memory_space<vmem>>
        %dma_start3A_157 = arith.constant 0 : i32
        %dma_start3A_158 = arith.constant 0 : i32
        %dma_start3A_159 = tpu.memref_slice %arg2[%dma_start3A_157, %dma_start3A_158] : memref<10000x128xf32, #tpu.memory_space<hbm>> -> memref<10000x128xf32, #tpu.memory_space<hbm>>
        tpu.enqueue_indirect_dma source(%dma_start3A_159 : memref<10000x128xf32, #tpu.memory_space<hbm>>) target(%arg10 : memref<80x128xf32, #tpu.memory_space<vmem>>) offsets(%dma_start3A_156 : memref<80xi32, #tpu.memory_space<vmem>>) semaphore(%arg14 : memref<!tpu.dma_semaphore, #tpu.memory_space<semaphore_mem>>)
      } else {
      }
    }
    %scan3A_47 = arith.constant 41 : i32
    %dma_wait3A = arith.constant 123 : i32
    %dma_wait3A_48 = arith.constant 0 : i32
    %dma_wait3A_49 = tpu.memref_slice %arg6[%dma_wait3A, %dma_wait3A_48] : memref<125x80xi32, #tpu.memory_space<vmem>> -> memref<1x80xi32, #tpu.memory_space<vmem>>
    %dma_wait3A_50 = tpu.memref_squeeze %dma_wait3A_49 : memref<1x80xi32, #tpu.memory_space<vmem>> -> memref<80xi32, #tpu.memory_space<vmem>>
    %dma_wait3A_51 = arith.constant 0 : i32
    %dma_wait3A_52 = arith.constant 0 : i32
    %dma_wait3A_53 = tpu.memref_slice %arg2[%dma_wait3A_51, %dma_wait3A_52] : memref<10000x128xf32, #tpu.memory_space<hbm>> -> memref<10000x128xf32, #tpu.memory_space<hbm>>
    tpu.wait_indirect_dma semaphore(%arg12 : memref<!tpu.dma_semaphore, #tpu.memory_space<semaphore_mem>>) src(%dma_wait3A_53 : memref<10000x128xf32, #tpu.memory_space<hbm>>) dst(%arg8 : memref<80x128xf32, #tpu.memory_space<vmem>>)
    %run_scoped3A = arith.constant 123 : i32
    "tpu.region"() ({
      %run_scoped3A_67 = tpu.sem_alloc : memref<!tpu.dma_semaphore, #tpu.memory_space<semaphore_mem>>
      %dma_start3A_68 = arith.constant 0 : i32
      %dma_start3A_69 = tpu.memref_slice %arg7[%run_scoped3A, %dma_start3A_68] : memref<125x80xi32, #tpu.memory_space<vmem>> -> memref<1x80xi32, #tpu.memory_space<vmem>>
      %dma_start3A_70 = tpu.memref_squeeze %dma_start3A_69 : memref<1x80xi32, #tpu.memory_space<vmem>> -> memref<80xi32, #tpu.memory_space<vmem>>
      %dma_start3A_71 = arith.constant 0 : i32
      %dma_start3A_72 = arith.constant 0 : i32
      %dma_start3A_73 = tpu.memref_slice %arg11[%dma_start3A_71, %dma_start3A_72] : memref<10000x128xf32, #tpu.memory_space<vmem_shared>> -> memref<10000x128xf32, #tpu.memory_space<vmem_shared>>
      tpu.enqueue_indirect_dma source(%arg8 : memref<80x128xf32, #tpu.memory_space<vmem>>) target(%dma_start3A_73 : memref<10000x128xf32, #tpu.memory_space<vmem_shared>>) offsets(%dma_start3A_70 : memref<80xi32, #tpu.memory_space<vmem>>) semaphore(%run_scoped3A_67 : memref<!tpu.dma_semaphore, #tpu.memory_space<semaphore_mem>>) {add = true}
      %dma_wait3A_74 = arith.constant 0 : i32
      %dma_wait3A_75 = tpu.memref_slice %arg7[%run_scoped3A, %dma_wait3A_74] : memref<125x80xi32, #tpu.memory_space<vmem>> -> memref<1x80xi32, #tpu.memory_space<vmem>>
      %dma_wait3A_76 = tpu.memref_squeeze %dma_wait3A_75 : memref<1x80xi32, #tpu.memory_space<vmem>> -> memref<80xi32, #tpu.memory_space<vmem>>
      %dma_wait3A_77 = arith.constant 0 : i32
      %dma_wait3A_78 = arith.constant 0 : i32
      %dma_wait3A_79 = tpu.memref_slice %arg11[%dma_wait3A_77, %dma_wait3A_78] : memref<10000x128xf32, #tpu.memory_space<vmem_shared>> -> memref<10000x128xf32, #tpu.memory_space<vmem_shared>>
      tpu.wait_indirect_dma semaphore(%run_scoped3A_67 : memref<!tpu.dma_semaphore, #tpu.memory_space<semaphore_mem>>) src(%arg8 : memref<80x128xf32, #tpu.memory_space<vmem>>) dst(%dma_wait3A_79 : memref<10000x128xf32, #tpu.memory_space<vmem_shared>>)
      tpu.yield
    }) : () -> ()
    %dma_wait3A_54 = arith.constant 124 : i32
    %dma_wait3A_55 = arith.constant 0 : i32
    %dma_wait3A_56 = tpu.memref_slice %arg6[%dma_wait3A_54, %dma_wait3A_55] : memref<125x80xi32, #tpu.memory_space<vmem>> -> memref<1x80xi32, #tpu.memory_space<vmem>>
    %dma_wait3A_57 = tpu.memref_squeeze %dma_wait3A_56 : memref<1x80xi32, #tpu.memory_space<vmem>> -> memref<80xi32, #tpu.memory_space<vmem>>
    %dma_wait3A_58 = arith.constant 0 : i32
    %dma_wait3A_59 = arith.constant 0 : i32
    %dma_wait3A_60 = tpu.memref_slice %arg2[%dma_wait3A_58, %dma_wait3A_59] : memref<10000x128xf32, #tpu.memory_space<hbm>> -> memref<10000x128xf32, #tpu.memory_space<hbm>>
    tpu.wait_indirect_dma semaphore(%arg13 : memref<!tpu.dma_semaphore, #tpu.memory_space<semaphore_mem>>) src(%dma_wait3A_60 : memref<10000x128xf32, #tpu.memory_space<hbm>>) dst(%arg9 : memref<80x128xf32, #tpu.memory_space<vmem>>)
    %run_scoped3A_61 = arith.constant 124 : i32
    "tpu.region"() ({
      %run_scoped3A_67 = tpu.sem_alloc : memref<!tpu.dma_semaphore, #tpu.memory_space<semaphore_mem>>
      %dma_start3A_68 = arith.constant 0 : i32
      %dma_start3A_69 = tpu.memref_slice %arg7[%run_scoped3A_61, %dma_start3A_68] : memref<125x80xi32, #tpu.memory_space<vmem>> -> memref<1x80xi32, #tpu.memory_space<vmem>>
      %dma_start3A_70 = tpu.memref_squeeze %dma_start3A_69 : memref<1x80xi32, #tpu.memory_space<vmem>> -> memref<80xi32, #tpu.memory_space<vmem>>
      %dma_start3A_71 = arith.constant 0 : i32
      %dma_start3A_72 = arith.constant 0 : i32
      %dma_start3A_73 = tpu.memref_slice %arg11[%dma_start3A_71, %dma_start3A_72] : memref<10000x128xf32, #tpu.memory_space<vmem_shared>> -> memref<10000x128xf32, #tpu.memory_space<vmem_shared>>
      tpu.enqueue_indirect_dma source(%arg9 : memref<80x128xf32, #tpu.memory_space<vmem>>) target(%dma_start3A_73 : memref<10000x128xf32, #tpu.memory_space<vmem_shared>>) offsets(%dma_start3A_70 : memref<80xi32, #tpu.memory_space<vmem>>) semaphore(%run_scoped3A_67 : memref<!tpu.dma_semaphore, #tpu.memory_space<semaphore_mem>>) {add = true}
      %dma_wait3A_74 = arith.constant 0 : i32
      %dma_wait3A_75 = tpu.memref_slice %arg7[%run_scoped3A_61, %dma_wait3A_74] : memref<125x80xi32, #tpu.memory_space<vmem>> -> memref<1x80xi32, #tpu.memory_space<vmem>>
      %dma_wait3A_76 = tpu.memref_squeeze %dma_wait3A_75 : memref<1x80xi32, #tpu.memory_space<vmem>> -> memref<80xi32, #tpu.memory_space<vmem>>
      %dma_wait3A_77 = arith.constant 0 : i32
      %dma_wait3A_78 = arith.constant 0 : i32
      %dma_wait3A_79 = tpu.memref_slice %arg11[%dma_wait3A_77, %dma_wait3A_78] : memref<10000x128xf32, #tpu.memory_space<vmem_shared>> -> memref<10000x128xf32, #tpu.memory_space<vmem_shared>>
      tpu.wait_indirect_dma semaphore(%run_scoped3A_67 : memref<!tpu.dma_semaphore, #tpu.memory_space<semaphore_mem>>) src(%arg9 : memref<80x128xf32, #tpu.memory_space<vmem>>) dst(%dma_wait3A_79 : memref<10000x128xf32, #tpu.memory_space<vmem_shared>>)
      tpu.yield
    }) : () -> ()
    %barrier3A_62 = arith.constant 0 : index
    tpu.barrier barrier_id(%barrier3A_62)
    %mul3A_63 = arith.constant 625 : i32
    %mul3A_64 = arith.muli %arg1, %mul3A_63 : i32
    %mul3A_65 = arith.constant 625 : i32
    %mul3A_66 = arith.muli %arg1, %mul3A_65 : i32
    "tpu.region"() ({
      %run_scoped3A_67 = tpu.sem_alloc : memref<!tpu.dma_semaphore, #tpu.memory_space<semaphore_mem>>
      %dma_start3A_68 = arith.constant 0 : i32
      %dma_start3A_69 = tpu.memref_slice %arg5[%arg0, %mul3A_66, %dma_start3A_68] : memref<2x10000x128xf32, #tpu.memory_space<hbm>> -> memref<1x625x128xf32, #tpu.memory_space<hbm>>
      %dma_start3A_70 = tpu.memref_squeeze %dma_start3A_69 : memref<1x625x128xf32, #tpu.memory_space<hbm>> -> memref<625x128xf32, #tpu.memory_space<hbm>>
      %dma_start3A_71 = arith.constant 0 : i32
      %dma_start3A_72 = tpu.memref_slice %arg11[%mul3A_64, %dma_start3A_71] : memref<10000x128xf32, #tpu.memory_space<vmem_shared>> -> memref<625x128xf32, #tpu.memory_space<vmem_shared>>
      tpu.enqueue_dma source(%dma_start3A_72 : memref<625x128xf32, #tpu.memory_space<vmem_shared>>) target(%dma_start3A_70 : memref<625x128xf32, #tpu.memory_space<hbm>>) target_semaphore(%run_scoped3A_67 : memref<!tpu.dma_semaphore, #tpu.memory_space<semaphore_mem>>)
      %dma_wait3A_73 = arith.constant 0 : i32
      %dma_wait3A_74 = tpu.memref_slice %arg5[%arg0, %mul3A_66, %dma_wait3A_73] : memref<2x10000x128xf32, #tpu.memory_space<hbm>> -> memref<1x625x128xf32, #tpu.memory_space<hbm>>
      %dma_wait3A_75 = tpu.memref_squeeze %dma_wait3A_74 : memref<1x625x128xf32, #tpu.memory_space<hbm>> -> memref<625x128xf32, #tpu.memory_space<hbm>>
      %dma_wait3A_76 = arith.constant 0 : i32
      %dma_wait3A_77 = tpu.memref_slice %arg11[%mul3A_64, %dma_wait3A_76] : memref<10000x128xf32, #tpu.memory_space<vmem_shared>> -> memref<625x128xf32, #tpu.memory_space<vmem_shared>>
      tpu.wait_dma2 semaphore(%run_scoped3A_67 : memref<!tpu.dma_semaphore, #tpu.memory_space<semaphore_mem>>) src(%dma_wait3A_77 : memref<625x128xf32, #tpu.memory_space<vmem_shared>>) dst(%dma_wait3A_75 : memref<625x128xf32, #tpu.memory_space<hbm>>)
      tpu.yield
    }) : () -> ()
    return
  }
}

module attributes {stable_mosaic.version = 14 : i64} {
  func.func @_prep_body(%arg0: i32, %arg1: memref<2x1000x16xf32, #tpu.memory_space<vmem>>, %arg2: memref<1000x128xf32, #tpu.memory_space<vmem>>, %arg3: memref<1000x16xf32, #tpu.memory_space<vmem>>, %arg4: memref<1000x128xf32, #tpu.memory_space<vmem>>, %arg5: memref<1000x128xf32, #tpu.memory_space<vmem>>) attributes {dimension_semantics = [#tpu.dimension_semantics<arbitrary>], iteration_bounds = array<i64: 10>, scalar_prefetch = 0 : i64, scratch_operands = 0 : i64, tpu.core_type = #tpu.core_type<tc>, window_params = [{transform_indices = @transform_0, window_bounds = array<i64: 2, 1000, 16>}, {transform_indices = @transform_1, window_bounds = array<i64: 1000, 128>}, {transform_indices = @transform_2, window_bounds = array<i64: 1000, 16>}, {transform_indices = @transform_3, window_bounds = array<i64: 1000, 128>}, {transform_indices = @transform_4, window_bounds = array<i64: 1000, 128>}]} {
    %get3A = arith.constant 0 : index
    %get3A_0 = arith.constant 0 : index
    %get3A_1 = arith.constant 0 : index
    %get3A_2 = vector.load %arg1[%get3A, %get3A_0, %get3A_1] : memref<2x1000x16xf32, #tpu.memory_space<vmem>>, vector<1x1000x16xf32>
    %get3A_3 = vector.shape_cast %get3A_2 : vector<1x1000x16xf32> to vector<1000x16xf32>
    %get3A_4 = arith.constant 1 : index
    %get3A_5 = arith.constant 0 : index
    %get3A_6 = arith.constant 0 : index
    %get3A_7 = vector.load %arg1[%get3A_4, %get3A_5, %get3A_6] : memref<2x1000x16xf32, #tpu.memory_space<vmem>>, vector<1x1000x16xf32>
    %get3A_8 = vector.shape_cast %get3A_7 : vector<1x1000x16xf32> to vector<1000x16xf32>
    %add3A = arith.addf %get3A_3, %get3A_8 : vector<1000x16xf32>
    %gt3A = arith.constant 0.000000e+00 : f32
    %gt3A_9 = vector.broadcast %gt3A : f32 to vector<1000x16xf32>
    %gt3A_10 = arith.cmpf ogt, %add3A, %gt3A_9 : vector<1000x16xf32>
    %max3A = arith.constant 1.000000e-30 : f32
    %max3A_11 = vector.broadcast %max3A : f32 to vector<1000x16xf32>
    %max3A_12 = arith.maximumf %add3A, %max3A_11 : vector<1000x16xf32>
    %rsqrt3A = math.rsqrt %max3A_12 : vector<1000x16xf32>
    %jit3A = arith.constant 0.000000e+00 : f32
    %broadcast_in_dim3A = vector.broadcast %jit3A : f32 to vector<1000x16xf32>
    %select_n3A = arith.select %gt3A_10, %rsqrt3A, %broadcast_in_dim3A : vector<1000x16xi1>, vector<1000x16xf32>
    %swap3A = arith.constant 0 : index
    %swap3A_13 = arith.constant 0 : index
    %swap3A_14 = vector.load %arg3[%swap3A, %swap3A_13] : memref<1000x16xf32, #tpu.memory_space<vmem>>, vector<1000x16xf32>
    tpu.vector_store %arg3[%swap3A, %swap3A_13], %select_n3A {strides = array<i32>} : memref<1000x16xf32, #tpu.memory_space<vmem>>, vector<1000x16xf32>,
    %slice3A = vector.extract_strided_slice %select_n3A {offsets = [0, 0], sizes = [1000, 1], strides = [1, 1]} : vector<1000x16xf32> to vector<1000x1xf32>
    %get3A_15 = arith.constant 0 : index
    %get3A_16 = arith.constant 0 : index
    %get3A_17 = vector.load %arg2[%get3A_15, %get3A_16] : memref<1000x128xf32, #tpu.memory_space<vmem>>, vector<1000x128xf32>
    %mul3A = vector.broadcast %slice3A : vector<1000x1xf32> to vector<1000x128xf32>
    %mul3A_18 = arith.mulf %mul3A, %get3A_17 : vector<1000x128xf32>
    %swap3A_19 = arith.constant 0 : index
    %swap3A_20 = arith.constant 0 : index
    %swap3A_21 = vector.load %arg4[%swap3A_19, %swap3A_20] : memref<1000x128xf32, #tpu.memory_space<vmem>>, vector<1000x128xf32>
    tpu.vector_store %arg4[%swap3A_19, %swap3A_20], %mul3A_18 {strides = array<i32>} : memref<1000x128xf32, #tpu.memory_space<vmem>>, vector<1000x128xf32>,
    %get3A_22 = arith.constant 0 : index
    %get3A_23 = arith.constant 0 : index
    %get3A_24 = vector.load %arg2[%get3A_22, %get3A_23] : memref<1000x128xf32, #tpu.memory_space<vmem>>, vector<1000x128xf32>
    %swap3A_25 = arith.constant 0 : index
    %swap3A_26 = arith.constant 0 : index
    %swap3A_27 = vector.load %arg5[%swap3A_25, %swap3A_26] : memref<1000x128xf32, #tpu.memory_space<vmem>>, vector<1000x128xf32>
    tpu.vector_store %arg5[%swap3A_25, %swap3A_26], %get3A_24 {strides = array<i32>} : memref<1000x128xf32, #tpu.memory_space<vmem>>, vector<1000x128xf32>,
    return
  }
  func.func @transform_0(%arg0: i32) -> (i32, i32, i32) {
    %c0_i32 = arith.constant 0 : i32
    %c0_i32_0 = arith.constant 0 : i32
    %c0_i32_1 = arith.constant 0 : i32
    return %c0_i32, %arg0, %c0_i32_0 : i32, i32, i32
  }
  func.func @transform_1(%arg0: i32) -> (i32, i32) {
    %c0_i32 = arith.constant 0 : i32
    %c0_i32_0 = arith.constant 0 : i32
    return %arg0, %c0_i32 : i32, i32
  }
  func.func @transform_2(%arg0: i32) -> (i32, i32) {
    %c0_i32 = arith.constant 0 : i32
    %c0_i32_0 = arith.constant 0 : i32
    return %arg0, %c0_i32 : i32, i32
  }
  func.func @transform_3(%arg0: i32) -> (i32, i32) {
    %c0_i32 = arith.constant 0 : i32
    %c0_i32_0 = arith.constant 0 : i32
    return %arg0, %c0_i32 : i32, i32
  }
  func.func @transform_4(%arg0: i32) -> (i32, i32) {
    %c0_i32 = arith.constant 0 : i32
    %c0_i32_0 = arith.constant 0 : i32
    return %arg0, %c0_i32 : i32, i32
  }
}

module attributes {stable_mosaic.version = 14 : i64} {
  func.func @_combine_body(%arg0: i32, %arg1: memref<4xf32, #tpu.memory_space<smem>>, %arg2: memref<2x1000x128xf32, #tpu.memory_space<vmem>>, %arg3: memref<1000x16xf32, #tpu.memory_space<vmem>>, %arg4: memref<1000x128xf32, #tpu.memory_space<vmem>>, %arg5: memref<1000x128xf32, #tpu.memory_space<vmem>>, %arg6: memref<10000x512xf32, #tpu.memory_space<any>>, %arg7: memref<1000x128xf32, #tpu.memory_space<vmem>>, %arg8: memref<1000x128xf32, #tpu.memory_space<vmem>>, %arg9: memref<1000x128xf32, #tpu.memory_space<vmem>>) attributes {dimension_semantics = [#tpu.dimension_semantics<arbitrary>], iteration_bounds = array<i64: 10>, scalar_prefetch = 0 : i64, scratch_operands = 0 : i64, tpu.core_type = #tpu.core_type<tc>, window_params = [{transform_indices = @transform_0, window_bounds = array<i64: 4>}, {transform_indices = @transform_1, window_bounds = array<i64: 2, 1000, 128>}, {transform_indices = @transform_2, window_bounds = array<i64: 1000, 16>}, {transform_indices = @transform_3, window_bounds = array<i64: 1000, 128>}, {transform_indices = @transform_4, window_bounds = array<i64: 1000, 128>}, {}, {transform_indices = @transform_6, window_bounds = array<i64: 1000, 128>}, {transform_indices = @transform_7, window_bounds = array<i64: 1000, 128>}, {transform_indices = @transform_8, window_bounds = array<i64: 1000, 128>}]} {
    %get3A = arith.constant 0 : index
    %get3A_0 = arith.constant 0 : index
    %get3A_1 = vector.load %arg3[%get3A, %get3A_0] : memref<1000x16xf32, #tpu.memory_space<vmem>>, vector<1000x1xf32>
    %get3A_2 = arith.constant 0 : index
    %get3A_3 = arith.constant 0 : index
    %get3A_4 = arith.constant 0 : index
    %get3A_5 = vector.load %arg2[%get3A_2, %get3A_3, %get3A_4] : memref<2x1000x128xf32, #tpu.memory_space<vmem>>, vector<1x1000x128xf32>
    %get3A_6 = vector.shape_cast %get3A_5 : vector<1x1000x128xf32> to vector<1000x128xf32>
    %get3A_7 = arith.constant 1 : index
    %get3A_8 = arith.constant 0 : index
    %get3A_9 = arith.constant 0 : index
    %get3A_10 = vector.load %arg2[%get3A_7, %get3A_8, %get3A_9] : memref<2x1000x128xf32, #tpu.memory_space<vmem>>, vector<1x1000x128xf32>
    %get3A_11 = vector.shape_cast %get3A_10 : vector<1x1000x128xf32> to vector<1000x128xf32>
    %add3A = arith.addf %get3A_6, %get3A_11 : vector<1000x128xf32>
    %mul3A = vector.broadcast %get3A_1 : vector<1000x1xf32> to vector<1000x128xf32>
    %mul3A_12 = arith.mulf %mul3A, %add3A : vector<1000x128xf32>
    %get3A_13 = arith.constant 0 : index
    %get3A_14 = memref.load %arg1[%get3A_13] : memref<4xf32, #tpu.memory_space<smem>>
    %mul3A_15 = vector.broadcast %get3A_14 : f32 to vector<1000x128xf32>
    %mul3A_16 = arith.mulf %mul3A_15, %mul3A_12 : vector<1000x128xf32>
    %get3A_17 = arith.constant 1 : index
    %get3A_18 = memref.load %arg1[%get3A_17] : memref<4xf32, #tpu.memory_space<smem>>
    %get3A_19 = arith.constant 0 : index
    %get3A_20 = arith.constant 0 : index
    %get3A_21 = vector.load %arg4[%get3A_19, %get3A_20] : memref<1000x128xf32, #tpu.memory_space<vmem>>, vector<1000x128xf32>
    %mul3A_22 = vector.broadcast %get3A_18 : f32 to vector<1000x128xf32>
    %mul3A_23 = arith.mulf %mul3A_22, %get3A_21 : vector<1000x128xf32>
    %add3A_24 = arith.addf %mul3A_16, %mul3A_23 : vector<1000x128xf32>
    %get3A_25 = arith.constant 2 : index
    %get3A_26 = memref.load %arg1[%get3A_25] : memref<4xf32, #tpu.memory_space<smem>>
    %get3A_27 = arith.constant 0 : index
    %get3A_28 = arith.constant 0 : index
    %get3A_29 = vector.load %arg5[%get3A_27, %get3A_28] : memref<1000x128xf32, #tpu.memory_space<vmem>>, vector<1000x128xf32>
    %mul3A_30 = vector.broadcast %get3A_26 : f32 to vector<1000x128xf32>
    %mul3A_31 = arith.mulf %mul3A_30, %get3A_29 : vector<1000x128xf32>
    %add3A_32 = arith.addf %add3A_24, %mul3A_31 : vector<1000x128xf32>
    %swap3A = arith.constant 0 : index
    %swap3A_33 = arith.constant 0 : index
    %swap3A_34 = vector.load %arg9[%swap3A, %swap3A_33] : memref<1000x128xf32, #tpu.memory_space<vmem>>, vector<1000x128xf32>
    tpu.vector_store %arg9[%swap3A, %swap3A_33], %add3A_32 {strides = array<i32>} : memref<1000x128xf32, #tpu.memory_space<vmem>>, vector<1000x128xf32>,
    %swap3A_35 = arith.constant 0 : index
    %swap3A_36 = arith.constant 0 : index
    %swap3A_37 = vector.load %arg7[%swap3A_35, %swap3A_36] : memref<1000x128xf32, #tpu.memory_space<vmem>>, vector<1000x128xf32>
    tpu.vector_store %arg7[%swap3A_35, %swap3A_36], %add3A_32 {strides = array<i32>} : memref<1000x128xf32, #tpu.memory_space<vmem>>, vector<1000x128xf32>,
    %mul3A_38 = vector.broadcast %get3A_1 : vector<1000x1xf32> to vector<1000x128xf32>
    %mul3A_39 = arith.mulf %mul3A_38, %add3A_32 : vector<1000x128xf32>
    %swap3A_40 = arith.constant 0 : index
    %swap3A_41 = arith.constant 0 : index
    %swap3A_42 = vector.load %arg8[%swap3A_40, %swap3A_41] : memref<1000x128xf32, #tpu.memory_space<vmem>>, vector<1000x128xf32>
    tpu.vector_store %arg8[%swap3A_40, %swap3A_41], %mul3A_39 {strides = array<i32>} : memref<1000x128xf32, #tpu.memory_space<vmem>>, vector<1000x128xf32>,
    return
  }
  func.func @transform_0(%arg0: i32) -> i32 {
    %c0_i32 = arith.constant 0 : i32
    %c0_i32_0 = arith.constant 0 : i32
    return %c0_i32 : i32
  }
  func.func @transform_1(%arg0: i32) -> (i32, i32, i32) {
    %c0_i32 = arith.constant 0 : i32
    %c0_i32_0 = arith.constant 0 : i32
    %c0_i32_1 = arith.constant 0 : i32
    return %c0_i32, %arg0, %c0_i32_0 : i32, i32, i32
  }
  func.func @transform_2(%arg0: i32) -> (i32, i32) {
    %c0_i32 = arith.constant 0 : i32
    %c0_i32_0 = arith.constant 0 : i32
    return %arg0, %c0_i32 : i32, i32
  }
  func.func @transform_3(%arg0: i32) -> (i32, i32) {
    %c0_i32 = arith.constant 0 : i32
    %c0_i32_0 = arith.constant 0 : i32
    return %arg0, %c0_i32 : i32, i32
  }
  func.func @transform_4(%arg0: i32) -> (i32, i32) {
    %c0_i32 = arith.constant 0 : i32
    %c0_i32_0 = arith.constant 0 : i32
    return %arg0, %c0_i32 : i32, i32
  }
  func.func @transform_6(%arg0: i32) -> (i32, i32) {
    %c0_i32 = arith.constant 0 : i32
    %c0_i32_0 = arith.constant 0 : i32
    return %arg0, %c0_i32 : i32, i32
  }
  func.func @transform_7(%arg0: i32) -> (i32, i32) {
    %c0_i32 = arith.constant 0 : i32
    %c0_i32_0 = arith.constant 0 : i32
    return %arg0, %c0_i32 : i32, i32
  }
  func.func @transform_8(%arg0: i32) -> (i32, i32) {
    %c1_i32 = arith.constant 1 : i32
    %c0_i32 = arith.constant 0 : i32
    return %arg0, %c1_i32 : i32, i32
  }
}

module attributes {stable_mosaic.version = 14 : i64} {
  func.func @_combine_body(%arg0: i32, %arg1: memref<4xf32, #tpu.memory_space<smem>>, %arg2: memref<2x1000x128xf32, #tpu.memory_space<vmem>>, %arg3: memref<1000x16xf32, #tpu.memory_space<vmem>>, %arg4: memref<1000x128xf32, #tpu.memory_space<vmem>>, %arg5: memref<1000x128xf32, #tpu.memory_space<vmem>>, %arg6: memref<10000x512xf32, #tpu.memory_space<any>>, %arg7: memref<1000x128xf32, #tpu.memory_space<vmem>>, %arg8: memref<1000x128xf32, #tpu.memory_space<vmem>>, %arg9: memref<1000x128xf32, #tpu.memory_space<vmem>>) attributes {dimension_semantics = [#tpu.dimension_semantics<arbitrary>], iteration_bounds = array<i64: 10>, scalar_prefetch = 0 : i64, scratch_operands = 0 : i64, tpu.core_type = #tpu.core_type<tc>, window_params = [{transform_indices = @transform_0, window_bounds = array<i64: 4>}, {transform_indices = @transform_1, window_bounds = array<i64: 2, 1000, 128>}, {transform_indices = @transform_2, window_bounds = array<i64: 1000, 16>}, {transform_indices = @transform_3, window_bounds = array<i64: 1000, 128>}, {transform_indices = @transform_4, window_bounds = array<i64: 1000, 128>}, {}, {transform_indices = @transform_6, window_bounds = array<i64: 1000, 128>}, {transform_indices = @transform_7, window_bounds = array<i64: 1000, 128>}, {transform_indices = @transform_8, window_bounds = array<i64: 1000, 128>}]} {
    %get3A = arith.constant 0 : index
    %get3A_0 = arith.constant 0 : index
    %get3A_1 = vector.load %arg3[%get3A, %get3A_0] : memref<1000x16xf32, #tpu.memory_space<vmem>>, vector<1000x1xf32>
    %get3A_2 = arith.constant 0 : index
    %get3A_3 = arith.constant 0 : index
    %get3A_4 = arith.constant 0 : index
    %get3A_5 = vector.load %arg2[%get3A_2, %get3A_3, %get3A_4] : memref<2x1000x128xf32, #tpu.memory_space<vmem>>, vector<1x1000x128xf32>
    %get3A_6 = vector.shape_cast %get3A_5 : vector<1x1000x128xf32> to vector<1000x128xf32>
    %get3A_7 = arith.constant 1 : index
    %get3A_8 = arith.constant 0 : index
    %get3A_9 = arith.constant 0 : index
    %get3A_10 = vector.load %arg2[%get3A_7, %get3A_8, %get3A_9] : memref<2x1000x128xf32, #tpu.memory_space<vmem>>, vector<1x1000x128xf32>
    %get3A_11 = vector.shape_cast %get3A_10 : vector<1x1000x128xf32> to vector<1000x128xf32>
    %add3A = arith.addf %get3A_6, %get3A_11 : vector<1000x128xf32>
    %mul3A = vector.broadcast %get3A_1 : vector<1000x1xf32> to vector<1000x128xf32>
    %mul3A_12 = arith.mulf %mul3A, %add3A : vector<1000x128xf32>
    %get3A_13 = arith.constant 0 : index
    %get3A_14 = memref.load %arg1[%get3A_13] : memref<4xf32, #tpu.memory_space<smem>>
    %mul3A_15 = vector.broadcast %get3A_14 : f32 to vector<1000x128xf32>
    %mul3A_16 = arith.mulf %mul3A_15, %mul3A_12 : vector<1000x128xf32>
    %get3A_17 = arith.constant 1 : index
    %get3A_18 = memref.load %arg1[%get3A_17] : memref<4xf32, #tpu.memory_space<smem>>
    %get3A_19 = arith.constant 0 : index
    %get3A_20 = arith.constant 0 : index
    %get3A_21 = vector.load %arg4[%get3A_19, %get3A_20] : memref<1000x128xf32, #tpu.memory_space<vmem>>, vector<1000x128xf32>
    %mul3A_22 = vector.broadcast %get3A_18 : f32 to vector<1000x128xf32>
    %mul3A_23 = arith.mulf %mul3A_22, %get3A_21 : vector<1000x128xf32>
    %add3A_24 = arith.addf %mul3A_16, %mul3A_23 : vector<1000x128xf32>
    %get3A_25 = arith.constant 2 : index
    %get3A_26 = memref.load %arg1[%get3A_25] : memref<4xf32, #tpu.memory_space<smem>>
    %get3A_27 = arith.constant 0 : index
    %get3A_28 = arith.constant 0 : index
    %get3A_29 = vector.load %arg5[%get3A_27, %get3A_28] : memref<1000x128xf32, #tpu.memory_space<vmem>>, vector<1000x128xf32>
    %mul3A_30 = vector.broadcast %get3A_26 : f32 to vector<1000x128xf32>
    %mul3A_31 = arith.mulf %mul3A_30, %get3A_29 : vector<1000x128xf32>
    %add3A_32 = arith.addf %add3A_24, %mul3A_31 : vector<1000x128xf32>
    %swap3A = arith.constant 0 : index
    %swap3A_33 = arith.constant 0 : index
    %swap3A_34 = vector.load %arg9[%swap3A, %swap3A_33] : memref<1000x128xf32, #tpu.memory_space<vmem>>, vector<1000x128xf32>
    tpu.vector_store %arg9[%swap3A, %swap3A_33], %add3A_32 {strides = array<i32>} : memref<1000x128xf32, #tpu.memory_space<vmem>>, vector<1000x128xf32>,
    %swap3A_35 = arith.constant 0 : index
    %swap3A_36 = arith.constant 0 : index
    %swap3A_37 = vector.load %arg7[%swap3A_35, %swap3A_36] : memref<1000x128xf32, #tpu.memory_space<vmem>>, vector<1000x128xf32>
    tpu.vector_store %arg7[%swap3A_35, %swap3A_36], %add3A_32 {strides = array<i32>} : memref<1000x128xf32, #tpu.memory_space<vmem>>, vector<1000x128xf32>,
    %mul3A_38 = vector.broadcast %get3A_1 : vector<1000x1xf32> to vector<1000x128xf32>
    %mul3A_39 = arith.mulf %mul3A_38, %add3A_32 : vector<1000x128xf32>
    %swap3A_40 = arith.constant 0 : index
    %swap3A_41 = arith.constant 0 : index
    %swap3A_42 = vector.load %arg8[%swap3A_40, %swap3A_41] : memref<1000x128xf32, #tpu.memory_space<vmem>>, vector<1000x128xf32>
    tpu.vector_store %arg8[%swap3A_40, %swap3A_41], %mul3A_39 {strides = array<i32>} : memref<1000x128xf32, #tpu.memory_space<vmem>>, vector<1000x128xf32>,
    return
  }
  func.func @transform_0(%arg0: i32) -> i32 {
    %c0_i32 = arith.constant 0 : i32
    %c0_i32_0 = arith.constant 0 : i32
    return %c0_i32 : i32
  }
  func.func @transform_1(%arg0: i32) -> (i32, i32, i32) {
    %c0_i32 = arith.constant 0 : i32
    %c0_i32_0 = arith.constant 0 : i32
    %c0_i32_1 = arith.constant 0 : i32
    return %c0_i32, %arg0, %c0_i32_0 : i32, i32, i32
  }
  func.func @transform_2(%arg0: i32) -> (i32, i32) {
    %c0_i32 = arith.constant 0 : i32
    %c0_i32_0 = arith.constant 0 : i32
    return %arg0, %c0_i32 : i32, i32
  }
  func.func @transform_3(%arg0: i32) -> (i32, i32) {
    %c0_i32 = arith.constant 0 : i32
    %c0_i32_0 = arith.constant 0 : i32
    return %arg0, %c0_i32 : i32, i32
  }
  func.func @transform_4(%arg0: i32) -> (i32, i32) {
    %c0_i32 = arith.constant 0 : i32
    %c0_i32_0 = arith.constant 0 : i32
    return %arg0, %c0_i32 : i32, i32
  }
  func.func @transform_6(%arg0: i32) -> (i32, i32) {
    %c0_i32 = arith.constant 0 : i32
    %c0_i32_0 = arith.constant 0 : i32
    return %arg0, %c0_i32 : i32, i32
  }
  func.func @transform_7(%arg0: i32) -> (i32, i32) {
    %c0_i32 = arith.constant 0 : i32
    %c0_i32_0 = arith.constant 0 : i32
    return %arg0, %c0_i32 : i32, i32
  }
  func.func @transform_8(%arg0: i32) -> (i32, i32) {
    %c2_i32 = arith.constant 2 : i32
    %c0_i32 = arith.constant 0 : i32
    return %arg0, %c2_i32 : i32, i32
  }
}

module attributes {stable_mosaic.version = 14 : i64} {
  func.func @_combine_body(%arg0: i32, %arg1: memref<4xf32, #tpu.memory_space<smem>>, %arg2: memref<2x1000x128xf32, #tpu.memory_space<vmem>>, %arg3: memref<1000x16xf32, #tpu.memory_space<vmem>>, %arg4: memref<1000x128xf32, #tpu.memory_space<vmem>>, %arg5: memref<1000x128xf32, #tpu.memory_space<vmem>>, %arg6: memref<10000x512xf32, #tpu.memory_space<any>>, %arg7: memref<1000x128xf32, #tpu.memory_space<vmem>>) attributes {dimension_semantics = [#tpu.dimension_semantics<arbitrary>], iteration_bounds = array<i64: 10>, scalar_prefetch = 0 : i64, scratch_operands = 0 : i64, tpu.core_type = #tpu.core_type<tc>, window_params = [{transform_indices = @transform_0, window_bounds = array<i64: 4>}, {transform_indices = @transform_1, window_bounds = array<i64: 2, 1000, 128>}, {transform_indices = @transform_2, window_bounds = array<i64: 1000, 16>}, {transform_indices = @transform_3, window_bounds = array<i64: 1000, 128>}, {transform_indices = @transform_4, window_bounds = array<i64: 1000, 128>}, {}, {transform_indices = @transform_6, window_bounds = array<i64: 1000, 128>}]} {
    %get3A = arith.constant 0 : index
    %get3A_0 = arith.constant 0 : index
    %get3A_1 = vector.load %arg3[%get3A, %get3A_0] : memref<1000x16xf32, #tpu.memory_space<vmem>>, vector<1000x1xf32>
    %get3A_2 = arith.constant 0 : index
    %get3A_3 = arith.constant 0 : index
    %get3A_4 = arith.constant 0 : index
    %get3A_5 = vector.load %arg2[%get3A_2, %get3A_3, %get3A_4] : memref<2x1000x128xf32, #tpu.memory_space<vmem>>, vector<1x1000x128xf32>
    %get3A_6 = vector.shape_cast %get3A_5 : vector<1x1000x128xf32> to vector<1000x128xf32>
    %get3A_7 = arith.constant 1 : index
    %get3A_8 = arith.constant 0 : index
    %get3A_9 = arith.constant 0 : index
    %get3A_10 = vector.load %arg2[%get3A_7, %get3A_8, %get3A_9] : memref<2x1000x128xf32, #tpu.memory_space<vmem>>, vector<1x1000x128xf32>
    %get3A_11 = vector.shape_cast %get3A_10 : vector<1x1000x128xf32> to vector<1000x128xf32>
    %add3A = arith.addf %get3A_6, %get3A_11 : vector<1000x128xf32>
    %mul3A = vector.broadcast %get3A_1 : vector<1000x1xf32> to vector<1000x128xf32>
    %mul3A_12 = arith.mulf %mul3A, %add3A : vector<1000x128xf32>
    %get3A_13 = arith.constant 0 : index
    %get3A_14 = memref.load %arg1[%get3A_13] : memref<4xf32, #tpu.memory_space<smem>>
    %mul3A_15 = vector.broadcast %get3A_14 : f32 to vector<1000x128xf32>
    %mul3A_16 = arith.mulf %mul3A_15, %mul3A_12 : vector<1000x128xf32>
    %get3A_17 = arith.constant 1 : index
    %get3A_18 = memref.load %arg1[%get3A_17] : memref<4xf32, #tpu.memory_space<smem>>
    %get3A_19 = arith.constant 0 : index
    %get3A_20 = arith.constant 0 : index
    %get3A_21 = vector.load %arg4[%get3A_19, %get3A_20] : memref<1000x128xf32, #tpu.memory_space<vmem>>, vector<1000x128xf32>
    %mul3A_22 = vector.broadcast %get3A_18 : f32 to vector<1000x128xf32>
    %mul3A_23 = arith.mulf %mul3A_22, %get3A_21 : vector<1000x128xf32>
    %add3A_24 = arith.addf %mul3A_16, %mul3A_23 : vector<1000x128xf32>
    %get3A_25 = arith.constant 2 : index
    %get3A_26 = memref.load %arg1[%get3A_25] : memref<4xf32, #tpu.memory_space<smem>>
    %get3A_27 = arith.constant 0 : index
    %get3A_28 = arith.constant 0 : index
    %get3A_29 = vector.load %arg5[%get3A_27, %get3A_28] : memref<1000x128xf32, #tpu.memory_space<vmem>>, vector<1000x128xf32>
    %mul3A_30 = vector.broadcast %get3A_26 : f32 to vector<1000x128xf32>
    %mul3A_31 = arith.mulf %mul3A_30, %get3A_29 : vector<1000x128xf32>
    %add3A_32 = arith.addf %add3A_24, %mul3A_31 : vector<1000x128xf32>
    %swap3A = arith.constant 0 : index
    %swap3A_33 = arith.constant 0 : index
    %swap3A_34 = vector.load %arg7[%swap3A, %swap3A_33] : memref<1000x128xf32, #tpu.memory_space<vmem>>, vector<1000x128xf32>
    tpu.vector_store %arg7[%swap3A, %swap3A_33], %add3A_32 {strides = array<i32>} : memref<1000x128xf32, #tpu.memory_space<vmem>>, vector<1000x128xf32>,
    return
  }
  func.func @transform_0(%arg0: i32) -> i32 {
    %c0_i32 = arith.constant 0 : i32
    %c0_i32_0 = arith.constant 0 : i32
    return %c0_i32 : i32
  }
  func.func @transform_1(%arg0: i32) -> (i32, i32, i32) {
    %c0_i32 = arith.constant 0 : i32
    %c0_i32_0 = arith.constant 0 : i32
    %c0_i32_1 = arith.constant 0 : i32
    return %c0_i32, %arg0, %c0_i32_0 : i32, i32, i32
  }
  func.func @transform_2(%arg0: i32) -> (i32, i32) {
    %c0_i32 = arith.constant 0 : i32
    %c0_i32_0 = arith.constant 0 : i32
    return %arg0, %c0_i32 : i32, i32
  }
  func.func @transform_3(%arg0: i32) -> (i32, i32) {
    %c0_i32 = arith.constant 0 : i32
    %c0_i32_0 = arith.constant 0 : i32
    return %arg0, %c0_i32 : i32, i32
  }
  func.func @transform_4(%arg0: i32) -> (i32, i32) {
    %c0_i32 = arith.constant 0 : i32
    %c0_i32_0 = arith.constant 0 : i32
    return %arg0, %c0_i32 : i32, i32
  }
  func.func @transform_6(%arg0: i32) -> (i32, i32) {
    %c3_i32 = arith.constant 3 : i32
    %c0_i32 = arith.constant 0 : i32
    return %arg0, %c3_i32 : i32, i32
  }
}

</mosaic_0001>

<sc_bundles>
// kernel: kernel.10.cloned.1.call-start
scs
__scs_entry_jumppad:
0x0: {  	(pc) =	sbr.rel $0x88, $3  }
0x1: {  	(tag) =	ssettag $0x0;
	lr =	simm.s32 $0x1  }
0x2: {  	[smem:$0x3F9E] =	sst lr;
	_ =	strace $0xD0000000  }
0x3: {  	_ = 	snop  }
0x4: {  	_ = 	snop  }
0x5: {  	_ = 	snop  }
0x6: {  	_ = 	snop  }
0x7: {  	_ = 	snop  }
__scs_overlays_trampoline_lowered:
0x8: {  	[smem:$0x3FAD] =	sst s0  }
0x9: {  	[smem:$0x3FAE] =	sst s1  }
0xa: {  	[smem:$0x3FAF] =	sst s2  }
0xb: {  	[smem:$0x3FB0] =	sst s3  }
0xc: {  	[smem:$0x3FB1] =	sst s4  }
0xd: {  	[smem:$0x3FB2] =	sst s5  }
0xe: {  	[smem:$0x3FB3] =	sst s6  }
0xf: {  	[smem:$0x3FB4] =	sst s7  }
0x10: {  	[smem:$0x3FB5] =	sst s8  }
0x11: {  	[smem:$0x3FB6] =	sst s9;
	s0 =	simm.s32 @!p0 $0x0  }
0x12: {  	s1 =	sld [smem:$0x3F9C];
	s0 =	simm.s32 @p0 $0x1  }
0x13: {  	[smem:$0x3FB7] =	sst s0;
	s0 =	simm.s32 @!p1 $0x0  }
0x14: {  	s2 =	sld [smem:$0x3F9B];
	s0 =	simm.s32 @p1 $0x1  }
0x15: {  	[smem:$0x3FB8] =	sst s0;
	s0 =	simm.s32 @!p2 $0x0  }
0x16: {  	s3 =	sld [smem:$0x3FDB];
	s0 =	simm.s32 @p2 $0x1  }
0x17: {  	s4 =	simm.s32 $0x1BF5;
	[smem:$0x3FBA] =	sst s0  }
0x18: {  	s0 =	sld [smem:$0x3F9D];
	_ =	swait.ge [sflag:s4], $0x0  }
0x19: {  	s7 =	sld [smem:$0x3F9E]  }
0x1a: {  	s8 =	sadd.s32 $0xFFFFE003, lr  }
0x1b: {  	s9 =	sadd.s32 $0xFFFFFEF7, lr;
	s5 =	simm.s32 $0xFFFFFFFF;
	p2 =	slt.u32 s8, $0xFFFFF086  }
0x1c: {  	p1 =	slt.u32 s9, $0xF7A;
	s5 =	simm.s32 @!p2 $0x0  }
0x1d: {  	s5 =	simm.s32 @p1 $0x1;
	p0 =	seq.s32 s7, s2  }
0x1e: {  	s7 =	smul.u32 @!p0 $0xF7A, s2;
	p2 =	seq.s32 @!p0 s5, $0x0  }
0x1f: {  	s9 =	smul.u32 $0xF7A, s1;
	s8 =	simm.s32 @!p0 $0x1BF5;
	p2 =	por !p2, p0  }
0x20: {  	[sflag:s8] =	ssyncset.s32 @!p0 $0xFFFFF086;
	s6 =	sadd.s32 @!p0 s3, s7;
	s7 =	simm.s32 @!p0 $0x108  }
0x21: {  	s3 =	sadd.s32 s3, s9;
	s6 =	sadd.s32 @!p0 $0x88, s6;
	s7 =	simm.s32 @p2 $0x1082  }
0x22: {  	[simem:s7], [sflag:s8] =	dma.local @!p0 [hbm:s6], $0xF7A  }
0x23: {  	s9 =	sor.u32 $0xD0000000, s2;
	s6 =	simm.s32 $0x108;
	_ =	swait.ge @!p0 [sflag:s8], $0x0  }
0x24: {  	s3 =	sadd.s32 $0x88, s3;
	s6 =	simm.s32 @!p1 $0x1082;
	[sflag:s4] =	ssyncset.s32 $0xFFFFF086  }
0x25: {  	[simem:s6], [sflag:s4] =	dma.local [hbm:s3], $0xF7A  }
0x26: {  	[smem:$0x3F9E] =	sst s1;
	(tag) =	ssettag s2;
	_ =	strace s9  }
0x27: {  	s1 =	sld [smem:$0x3FAE]  }
0x28: {  	s2 =	sld [smem:$0x3FAF]  }
0x29: {  	s4 =	sld [smem:$0x3FB1]  }
0x2a: {  	p0 =	seq.s32 s5, $0x0;
	s5 =	sld [smem:$0x3FB2]  }
0x2b: {  	s6 =	sld [smem:$0x3FB3]  }
0x2c: {  	s7 =	sld [smem:$0x3FB4]  }
0x2d: {  	s3 =	simm.s32 $0x108;
	s8 =	sld [smem:$0x3FB5]  }
0x2e: {  	s3 =	simm.s32 @!p0 $0x1082;
	s9 =	sld [smem:$0x3FB6]  }
0x2f: {  	lr =	sadd.s32 s0, s3;
	s0 =	sld [smem:$0x3FAD]  }
0x30: {  	s3 =	sld [smem:$0x3FB0]  }
0x31: {  	[smem:$0x3FB9] =	sst s10  }
0x32: {  	s10 =	sld [smem:$0x3FB7];
	_ =	sdelay $0x3  }
0x33: {  	p0 =	seq.s32 s10, $0x1;
	s10 =	sld [smem:$0x3FB9];
	_ =	sdelay $0x3  }
0x34: {  	[smem:$0x3FB9] =	sst s10  }
0x35: {  	s10 =	sld [smem:$0x3FB8];
	_ =	sdelay $0x3  }
0x36: {  	p1 =	seq.s32 s10, $0x1;
	s10 =	sld [smem:$0x3FB9];
	_ =	sdelay $0x3  }
0x37: {  	[smem:$0x3FB9] =	sst s10  }
0x38: {  	s10 =	sld [smem:$0x3FBA]  }
0x39: {  	_ = 	snop;
	(pc) =	sbr.ind lr, $3  }
0x3a: {  	_ = 	snop  }
0x3b: {  	_ = 	snop  }
0x3c: {  	p2 =	seq.s32 s10, $0x1;
	s10 =	sld [smem:$0x3FB9]  }
0x3d: {  	_ =	shalt  }
0x3e: {  	_ =	shalt  }
0x3f: {  	_ =	shalt  }
0x40: {  	_ =	shalt  }
0x41: {  	_ =	shalt  }
0x42: {  	_ =	shalt  }
0x43: {  	_ =	shalt  }
0x44: {  	_ =	shalt  }
0x45: {  	_ =	shalt  }
0x46: {  	_ =	shalt  }
0x47: {  	_ =	shalt  }
0x48: {  	_ =	shalt  }
0x49: {  	_ =	shalt  }
0x4a: {  	_ =	shalt  }
0x4b: {  	_ =	shalt  }
0x4c: {  	_ =	shalt  }
0x4d: {  	_ =	shalt  }
0x4e: {  	_ =	shalt  }
0x4f: {  	_ =	shalt  }
0x50: {  	_ =	shalt  }
0x51: {  	_ =	shalt  }
0x52: {  	_ =	shalt  }
0x53: {  	_ =	shalt  }
0x54: {  	_ =	shalt  }
0x55: {  	_ =	shalt  }
0x56: {  	_ =	shalt  }
0x57: {  	_ =	shalt  }
0x58: {  	_ =	shalt  }
0x59: {  	_ =	shalt  }
0x5a: {  	_ =	shalt  }
0x5b: {  	_ =	shalt  }
0x5c: {  	_ =	shalt  }
0x5d: {  	_ =	shalt  }
0x5e: {  	_ =	shalt  }
0x5f: {  	_ =	shalt  }
0x60: {  	_ =	shalt  }
0x61: {  	_ =	shalt  }
0x62: {  	_ =	shalt  }
0x63: {  	_ =	shalt  }
0x64: {  	_ =	shalt  }
0x65: {  	_ =	shalt  }
0x66: {  	_ =	shalt  }
0x67: {  	_ =	shalt  }
0x68: {  	_ =	shalt  }
0x69: {  	_ =	shalt  }
0x6a: {  	_ =	shalt  }
0x6b: {  	_ =	shalt  }
0x6c: {  	_ =	shalt  }
0x6d: {  	_ =	shalt  }
0x6e: {  	_ =	shalt  }
0x6f: {  	_ =	shalt  }
0x70: {  	_ =	shalt  }
0x71: {  	_ =	shalt  }
0x72: {  	_ =	shalt  }
0x73: {  	_ =	shalt  }
0x74: {  	_ =	shalt  }
0x75: {  	_ =	shalt  }
0x76: {  	_ =	shalt  }
0x77: {  	_ =	shalt  }
0x78: {  	_ =	shalt  }
0x79: {  	_ =	shalt  }
0x7a: {  	_ =	shalt  }
0x7b: {  	_ =	shalt  }
0x7c: {  	_ =	shalt  }
0x7d: {  	_ =	shalt  }
0x7e: {  	_ =	shalt  }
0x7f: {  	_ =	shalt  }
0x80: {  	_ =	shalt  }
0x81: {  	_ =	shalt  }
0x82: {  	_ =	shalt  }
0x83: {  	_ =	shalt  }
0x84: {  	_ =	shalt  }
0x85: {  	_ =	shalt  }
0x86: {  	_ =	shalt  }
0x87: {  	_ =	shalt  }
.Lfunc_end0:
.L_simem_size_0:
called_computation_lowered:
.L_overlay_start_0:
0x88: {  	s2 =	sld [smem:$0x3FD9]  }
0x89: {  	s3 =	sld [smem:$0x3FFE];
	_ =	sdelay $0x1  }
0x8a: {  	s1 =	srdreg.scid  }
0x8b: {  	s0 =	sand.u32 $0x1, s1  }
0x8c: {  	s16 =	sshll.u32 s0, $0xA;
	s2 =	sadd.s32 s3, s2  }
0x8d: {  	s2 =	sadd.s32 s2, s16  }
0x8e: {  	[smem:$0x3FC5] =	sst s2  }
0x8f: {  	_ = 	snop  }
0x90: {  	(tm) =	ssettm $0x1  }
0x91: {  	s17 =	sld [smem:$0x3FFB];
	_ =	sdelay $0x3  }
0x92: {  	_ =	strace s17  }
0x93: {  	s2 =	sld [smem:$0x3FFC];
	_ =	sdelay $0x3  }
0x94: {  	_ =	strace s2  }
0x95: {  	s2 =	sld [smem:$0x3FFD];
	_ =	sdelay $0x3  }
0x96: {  	_ =	strace s2  }
0x97: {  	_ =	strace $0x8FFFFFFF  }
0x98: {  	s18 =	sld [smem:$0x3FDB];
	_ =	sdelay $0x1  }
0x99: {  	s19 =	simm.s32 $_scs_section_size  }
0x9a: {  	s4 =	simm.s32 $_size__tile_overlayer_lowered;
	s5 =	simm.s32 $_tile_overlayer_lowered  }
0x9b: {  	s22 =	simm.s32 $0x1BFF;
	s21 =	sshll.u32 s5, $0x1;
	s2 =	sadd.s32 s19, s18  }
0x9c: {  	s6 =	simm.s32 $0x0;
	s20 =	sshll.u32 s4, $0x1;
	s4 =	sadd.s32 s21, s2  }
0x9d: {  	[timem:s6], [sflag:s22] =	dma.local [hbm:s4], s20  }
0x9e: {  	_ =	swait.ge [sflag:s22], s20  }
0x9f: {  	s3 =	ssub.s32 $0x0, s20;
	[sflag:s22] =	ssyncset.done $0x0  }
0xa0: {  	[sflag:s22] =	ssyncadd.s32 s3;
	_ =	sdelay $0x1  }
0xa1: {  	s23 =	simm.s32 $0x1B8B  }
0xa2: {  	_ =	swait.ge [sflag:s23], $0x1  }
0xa3: {  	[sflag:s23] =	ssyncset.done $0x0  }
0xa4: {  	s25 =	simm.s32 $0x1B8E;
	s24 =	sld [smem:$0x3FFE];
	[sflag:s23] =	ssyncadd.s32 $0xFFFFFFFF  }
0xa5: {  	s26 =	simm.s32 $execute0_lowered;
	[smem:$0x3FD2] =	sst s25  }
0xa6: {  	s4 =	sshll.u32 s26, $0x1;
	_ =	strace $0x80000046;
	[dreg:$0x1] =	wrdreg $0xFFFFFFFF  }
0xa7: {  	s28 =	simm.s32 $_size_execute0_lowered;
	s2 =	sadd.s32 s2, s4;
	[dreg:$0x0] =	wrdreg $0x0  }
0xa8: {  	s4 =	sshll.u32 s28, $0x1;
	[dreg:$0x2] =	wrdreg s2  }
0xa9: {  	[dreg:$0x3] =	wrdreg s4  }
0xaa: {  	[dreg:$0x4] =	wrdreg $0xC0  }
0xab: {  	_ =	task [dreg:s6], $0x5FFFF  }
0xac: {  	[dreg:$0x1] =	wrdreg $0xFFFFFFFF  }
0xad: {  	[dreg:$0x0] =	wrdreg $0x60  }
0xae: {  	[dreg:$0x2] =	wrdreg s24  }
0xaf: {  	[dreg:$0x3] =	wrdreg $0x2C100  }
0xb0: {  	[dreg:$0x4] =	wrdreg $0x9  }
0xb1: {  	_ =	task.clear_ibuf [dreg:s6], $0x5FFFF;
	_ =	strace $0x90000046  }
0xb2: {  	s29 =	simm.s32 $0x9;
	_ =	strace $0x80000048  }
0xb3: {  	_ =	swait.ge [sflag:s29], $0x1  }
0xb4: {  	[sflag:s29] =	ssyncadd.s32 $0xFFFFFFFF  }
0xb5: {  	_ =	strace $0x90000048  }
0xb6: {  	_ =	sfence  }
0xb7: {  	s30 =	sld [smem:$0x0];
	_ =	sdelay $0x2  }
0xb8: {  	s31 =	sshll.u32 s1, $0xD;
	s1 =	sshrl.u32 s1, $0x2  }
0xb9: {  	s3 =	sand.u32 $0x4000, s31;
	s1 =	sadd.s32 s1, s30  }
0xba: {  	s0 =	sor.u32 s3, s0;
	s1 =	sshll.u32 s1, $0x11  }
0xbb: {  	s0 =	sor.u32 s1, s0  }
0xbc: {  	s0 =	sadd.s32 $0x8F2B, s0  }
0xbd: {  	[sflag:s0] =	ssyncadd.remote.s32 $0x1  }
0xbe: {  	_ =	sfence.sel $0xFFFF  }
0xbf: {  	[dreg:$0x0] =	wrdreg $0xFFFFFFFF;
	(pc) =	sbr.abs _section_cstart, $3  }
0xc0: {  	[dreg:$0x1] =	wrdreg $0xFFFFFFFF  }
0xc1: {  	_ =	task.clear_ibuf [dreg:s6], $0x2FFFF;
	_ =	strace $0x9FFFFFFF  }
0xc2: {  	(tm) =	ssettm $0x7FFFFFFF  }
0xc3: {  	_ =	shalt  }
tec
execute0_lowered:
.L_overlay_start_1:
0x0: {  	(tag) =	ssettag $0x1  }
0x1: {  	s0 =	rddreg [dreg:$0x0]  }
0x2: {  	s1 =	rddreg [dreg:$0x1];
	s2 =	srdreg.scid;
	s3 =	simm.s32 $0x0  }
0x3: {  	s6 =	stileid.u32;
	s9 =	simm.s32 $0x0;
	s2 =	sand.u32 $0x1, s2  }
0x4: {  	[smem:$0x7FF] =	sst s3;
	s7 =	smul.u32 $0x2710, s6;
	s4 =	sshll.u32 s2, $0x4  }
0x5: {  	s5 =	smul.u32 $0x27100, s2;
	_ =	strace $0x80000047;
	s2 =	ssub.s32 $0x2, s2  }
0x6: {  	s4 =	sor.u32 s6, s4;
	s6 =	smul.u32 $0x9C40, s6;
	s8 =	sshrl.u32 s2, $0x1  }
0x7: {  	s11 =	sadd.s32 s7, s1;
	s4 =	smul.u32 $0x4E2, s4;
	s5 =	sadd.s32 s7, s5  }
0x8: {  	s2 =	ssub.s32 s2, s8;
	s7 =	simm.s32 $0x1;
	s8 =	simm.s32 $0x50  }
0x9: {  	s5 =	sshrl.u32 s5, $0x3;
	s10 =	sshrl.u32 s6, $0x2;
	s2 =	smax.u32 s2, $0x1  }
0xa: {  	s4 =	sadd.s32 s4, s0;
	s0 =	sadd.s32 s5, s0;
	s6 =	sadd.s32 s10, s1  }
0xb: {  	[dreg:$0x5] =	wrdreg s2;
	s5 =	simm.s32 $0x2;
	s4 =	sadd.s32 $0xC000, s4  }
0xc: {  	s0 =	sadd.s32 $0x15E00, s0;
	s23 =	sadd.s32 $0x190, s6;
	s24 =	sadd.s32 $0x320, s6  }
0xd: {  	s25 =	sadd.s32 $0x4B0, s6;
	s26 =	sadd.s32 $0x640, s6;
	s12 =	sadd.s32 $0x7D0, s6  }
0xe: {  	s13 =	sadd.s32 $0x960, s6;
	s14 =	sadd.s32 $0xAF0, s6;
	s15 =	sadd.s32 $0xC80, s6  }
0xf: {  	s16 =	sadd.s32 $0xE10, s6;
	s17 =	sadd.s32 $0xFA0, s6;
	[dreg:$0x3] =	wrdreg s4  }
0x10: {  	s18 =	sadd.s32 $0x1130, s6;
	s19 =	sadd.s32 $0x12C0, s6;
	[dreg:$0x4] =	wrdreg s0  }
0x11: {  	s20 =	sadd.s32 $0x1450, s6;
	s21 =	sadd.s32 $0x15E0, s6;
	[dreg:$0x6] =	wrdreg s23  }
0x12: {  	s22 =	sadd.s32 $0x1770, s6;
	s28 =	sadd.s32 $0x1DB0, s6;
	[dreg:$0x7] =	wrdreg s24  }
0x13: {  	s29 =	sadd.s32 $0x1F40, s6;
	s30 =	sadd.s32 $0x20D0, s6;
	[dreg:$0x8] =	wrdreg s25  }
0x14: {  	s31 =	sadd.s32 $0x2260, s6;
	s2 =	sadd.s32 $0x2580, s6;
	[dreg:$0x9] =	wrdreg s26  }
0x15: {  	s23 =	sadd.s32 $0x1900, s6;
	s24 =	sadd.s32 $0x1A90, s6;
	s25 =	sshrl.u32 s11, $0x3  }
0x16: {  	v0 =	vimm.f32 $0.0e+00;
	v1 =	vimm.f32 $1.000000000e+00;
	s26 =	sadd.s32 $0x1C20, s6;
	s0 =	sadd.s32 $0x23F0, s6;
	s4 =	simm.s32 $0x500  }
.LBB2_1:
0x17: {  	s10 =	rddreg [dreg:$0x3]  }
0x18: {  	[tilespmem:s4], [sflag:$0x2] =	stream.linear.gather [hbm4b:s10+s3], $0x2710, $0x38;
	[tilespmem:$0x5320] =	vst v63  }
0x19: {  	_ =	swait.ge [sflag:s5], $0x2710  }
0x1a: {  	[sflag:s5] =	ssyncset.done $0x0  }
0x1b: {  	s11 =	simm.s32 $0x0;
	s10 =	simm.s32 $0x40;
	[sflag:s5] =	ssyncadd.s32 $0xFFFFD8F0  }
.LBB2_2:
0x1c: {  	p0 =	sne.s32 s10, $0x13C0;
	[tilespmem:s11+$0x0] =	vst v0;
	s11 =	smov.u32 s10;
	s10 =	sadd.s32 $0x40, s10  }
.Ltmp0:
0x1d: {  	(pc) =	sbr.rel @p0 .LBB2_2-.Ltmp0, $2  }
0x1e: {  	_ =	sdelay $0x2  }
0x1f: {  	s11 =	sshra.s32 s11, $0x2  }
0x20: {  	[tilespmem:s11+$0x0] =	vst v0;
	s10 =	simm.s32 $0x0  }
0x21: {  	[spmem:s6] =	stream.linear.scatter [tilespmem:s10], [sflag:$0x1], $0x190, $0x38;
	[tilespmem:$0x5320] =	vst v63  }
0x22: {  	s11 =	rddreg [dreg:$0x6]  }
0x23: {  	[spmem:s11] =	stream.linear.scatter [tilespmem:s10], [sflag:$0x1], $0x190, $0x38;
	[tilespmem:$0x5320] =	vst v63  }
0x24: {  	s11 =	rddreg [dreg:$0x7]  }
0x25: {  	[spmem:s11] =	stream.linear.scatter [tilespmem:s10], [sflag:$0x1], $0x190, $0x38;
	[tilespmem:$0x5320] =	vst v63  }
0x26: {  	s11 =	rddreg [dreg:$0x8]  }
0x27: {  	[spmem:s11] =	stream.linear.scatter [tilespmem:s10], [sflag:$0x1], $0x190, $0x38;
	[tilespmem:$0x5320] =	vst v63  }
0x28: {  	s11 =	rddreg [dreg:$0x9]  }
0x29: {  	[spmem:s11] =	stream.linear.scatter [tilespmem:s10], [sflag:$0x1], $0x190, $0x38;
	[tilespmem:$0x5320] =	vst v63  }
0x2a: {  	_ = 	snop  }
0x2b: {  	[spmem:s12] =	stream.linear.scatter [tilespmem:s10], [sflag:$0x1], $0x190, $0x38;
	[tilespmem:$0x5320] =	vst v63  }
0x2c: {  	_ = 	snop  }
0x2d: {  	[spmem:s13] =	stream.linear.scatter [tilespmem:s10], [sflag:$0x1], $0x190, $0x38;
	[tilespmem:$0x5320] =	vst v63  }
0x2e: {  	_ = 	snop  }
0x2f: {  	[spmem:s14] =	stream.linear.scatter [tilespmem:s10], [sflag:$0x1], $0x190, $0x38;
	[tilespmem:$0x5320] =	vst v63  }
0x30: {  	_ = 	snop  }
0x31: {  	[spmem:s15] =	stream.linear.scatter [tilespmem:s10], [sflag:$0x1], $0x190, $0x38;
	[tilespmem:$0x5320] =	vst v63  }
0x32: {  	_ = 	snop  }
0x33: {  	[spmem:s16] =	stream.linear.scatter [tilespmem:s10], [sflag:$0x1], $0x190, $0x38;
	[tilespmem:$0x5320] =	vst v63  }
0x34: {  	_ = 	snop  }
0x35: {  	[spmem:s17] =	stream.linear.scatter [tilespmem:s10], [sflag:$0x1], $0x190, $0x38;
	[tilespmem:$0x5320] =	vst v63  }
0x36: {  	_ = 	snop  }
0x37: {  	[spmem:s18] =	stream.linear.scatter [tilespmem:s10], [sflag:$0x1], $0x190, $0x38;
	[tilespmem:$0x5320] =	vst v63  }
0x38: {  	_ = 	snop  }
0x39: {  	[spmem:s19] =	stream.linear.scatter [tilespmem:s10], [sflag:$0x1], $0x190, $0x38;
	[tilespmem:$0x5320] =	vst v63  }
0x3a: {  	_ = 	snop  }
0x3b: {  	[spmem:s20] =	stream.linear.scatter [tilespmem:s10], [sflag:$0x1], $0x190, $0x38;
	[tilespmem:$0x5320] =	vst v63  }
0x3c: {  	_ = 	snop  }
0x3d: {  	[spmem:s21] =	stream.linear.scatter [tilespmem:s10], [sflag:$0x1], $0x190, $0x38;
	[tilespmem:$0x5320] =	vst v63  }
0x3e: {  	_ = 	snop  }
0x3f: {  	[spmem:s22] =	stream.linear.scatter [tilespmem:s10], [sflag:$0x1], $0x190, $0x38;
	[tilespmem:$0x5320] =	vst v63  }
0x40: {  	_ = 	snop  }
0x41: {  	[spmem:s23] =	stream.linear.scatter [tilespmem:s10], [sflag:$0x1], $0x190, $0x38;
	[tilespmem:$0x5320] =	vst v63  }
0x42: {  	_ = 	snop  }
0x43: {  	[spmem:s24] =	stream.linear.scatter [tilespmem:s10], [sflag:$0x1], $0x190, $0x38;
	[tilespmem:$0x5320] =	vst v63  }
0x44: {  	_ = 	snop  }
0x45: {  	[spmem:s26] =	stream.linear.scatter [tilespmem:s10], [sflag:$0x1], $0x190, $0x38;
	[tilespmem:$0x5320] =	vst v63  }
0x46: {  	_ = 	snop  }
0x47: {  	[spmem:s28] =	stream.linear.scatter [tilespmem:s10], [sflag:$0x1], $0x190, $0x38;
	[tilespmem:$0x5320] =	vst v63  }
0x48: {  	_ = 	snop  }
0x49: {  	[spmem:s29] =	stream.linear.scatter [tilespmem:s10], [sflag:$0x1], $0x190, $0x38;
	[tilespmem:$0x5320] =	vst v63  }
0x4a: {  	_ = 	snop  }
0x4b: {  	[spmem:s30] =	stream.linear.scatter [tilespmem:s10], [sflag:$0x1], $0x190, $0x38;
	[tilespmem:$0x5320] =	vst v63  }
0x4c: {  	_ = 	snop  }
0x4d: {  	[spmem:s31] =	stream.linear.scatter [tilespmem:s10], [sflag:$0x1], $0x190, $0x38;
	[tilespmem:$0x5320] =	vst v63  }
0x4e: {  	_ = 	snop  }
0x4f: {  	[spmem:s0] =	stream.linear.scatter [tilespmem:s10], [sflag:$0x1], $0x190, $0x38;
	[tilespmem:$0x5320] =	vst v63  }
0x50: {  	_ = 	snop  }
0x51: {  	[spmem:s2] =	stream.linear.scatter [tilespmem:s10], [sflag:$0x1], $0x190, $0x38;
	[tilespmem:$0x5320] =	vst v63  }
0x52: {  	_ =	swait.ge [sflag:s7], $0x190  }
0x53: {  	[sflag:s7] =	ssyncset.done $0x0  }
0x54: {  	[sflag:s7] =	ssyncadd.s32 $0xFFFFFE70  }
0x55: {  	_ =	swait.ge [sflag:s7], $0x190  }
0x56: {  	[sflag:s7] =	ssyncset.done $0x0  }
0x57: {  	[sflag:s7] =	ssyncadd.s32 $0xFFFFFE70  }
0x58: {  	_ =	swait.ge [sflag:s7], $0x190  }
0x59: {  	[sflag:s7] =	ssyncset.done $0x0  }
0x5a: {  	[sflag:s7] =	ssyncadd.s32 $0xFFFFFE70  }
0x5b: {  	_ =	swait.ge [sflag:s7], $0x190  }
0x5c: {  	[sflag:s7] =	ssyncset.done $0x0  }
0x5d: {  	[sflag:s7] =	ssyncadd.s32 $0xFFFFFE70  }
0x5e: {  	_ =	swait.ge [sflag:s7], $0x190  }
0x5f: {  	[sflag:s7] =	ssyncset.done $0x0  }
0x60: {  	[sflag:s7] =	ssyncadd.s32 $0xFFFFFE70  }
0x61: {  	_ =	swait.ge [sflag:s7], $0x190  }
0x62: {  	[sflag:s7] =	ssyncset.done $0x0  }
0x63: {  	[sflag:s7] =	ssyncadd.s32 $0xFFFFFE70  }
0x64: {  	_ =	swait.ge [sflag:s7], $0x190  }
0x65: {  	[sflag:s7] =	ssyncset.done $0x0  }
0x66: {  	[sflag:s7] =	ssyncadd.s32 $0xFFFFFE70  }
0x67: {  	_ =	swait.ge [sflag:s7], $0x190  }
0x68: {  	[sflag:s7] =	ssyncset.done $0x0  }
0x69: {  	[sflag:s7] =	ssyncadd.s32 $0xFFFFFE70  }
0x6a: {  	_ =	swait.ge [sflag:s7], $0x190  }
0x6b: {  	[sflag:s7] =	ssyncset.done $0x0  }
0x6c: {  	[sflag:s7] =	ssyncadd.s32 $0xFFFFFE70  }
0x6d: {  	_ =	swait.ge [sflag:s7], $0x190  }
0x6e: {  	[sflag:s7] =	ssyncset.done $0x0  }
0x6f: {  	[sflag:s7] =	ssyncadd.s32 $0xFFFFFE70  }
0x70: {  	_ =	swait.ge [sflag:s7], $0x190  }
0x71: {  	[sflag:s7] =	ssyncset.done $0x0  }
0x72: {  	[sflag:s7] =	ssyncadd.s32 $0xFFFFFE70  }
0x73: {  	_ =	swait.ge [sflag:s7], $0x190  }
0x74: {  	[sflag:s7] =	ssyncset.done $0x0  }
0x75: {  	[sflag:s7] =	ssyncadd.s32 $0xFFFFFE70  }
0x76: {  	_ =	swait.ge [sflag:s7], $0x190  }
0x77: {  	[sflag:s7] =	ssyncset.done $0x0  }
0x78: {  	[sflag:s7] =	ssyncadd.s32 $0xFFFFFE70  }
0x79: {  	_ =	swait.ge [sflag:s7], $0x190  }
0x7a: {  	[sflag:s7] =	ssyncset.done $0x0  }
0x7b: {  	[sflag:s7] =	ssyncadd.s32 $0xFFFFFE70  }
0x7c: {  	_ =	swait.ge [sflag:s7], $0x190  }
0x7d: {  	[sflag:s7] =	ssyncset.done $0x0  }
0x7e: {  	[sflag:s7] =	ssyncadd.s32 $0xFFFFFE70  }
0x7f: {  	_ =	swait.ge [sflag:s7], $0x190  }
0x80: {  	[sflag:s7] =	ssyncset.done $0x0  }
0x81: {  	[sflag:s7] =	ssyncadd.s32 $0xFFFFFE70  }
0x82: {  	_ =	swait.ge [sflag:s7], $0x190  }
0x83: {  	[sflag:s7] =	ssyncset.done $0x0  }
0x84: {  	[sflag:s7] =	ssyncadd.s32 $0xFFFFFE70  }
0x85: {  	_ =	swait.ge [sflag:s7], $0x190  }
0x86: {  	[sflag:s7] =	ssyncset.done $0x0  }
0x87: {  	[sflag:s7] =	ssyncadd.s32 $0xFFFFFE70  }
0x88: {  	_ =	swait.ge [sflag:s7], $0x190  }
0x89: {  	[sflag:s7] =	ssyncset.done $0x0  }
0x8a: {  	[sflag:s7] =	ssyncadd.s32 $0xFFFFFE70  }
0x8b: {  	_ =	swait.ge [sflag:s7], $0x190  }
0x8c: {  	[sflag:s7] =	ssyncset.done $0x0  }
0x8d: {  	[sflag:s7] =	ssyncadd.s32 $0xFFFFFE70  }
0x8e: {  	_ =	swait.ge [sflag:s7], $0x190  }
0x8f: {  	[sflag:s7] =	ssyncset.done $0x0  }
0x90: {  	[sflag:s7] =	ssyncadd.s32 $0xFFFFFE70  }
0x91: {  	_ =	swait.ge [sflag:s7], $0x190  }
0x92: {  	[sflag:s7] =	ssyncset.done $0x0  }
0x93: {  	[sflag:s7] =	ssyncadd.s32 $0xFFFFFE70  }
0x94: {  	_ =	swait.ge [sflag:s7], $0x190  }
0x95: {  	[sflag:s7] =	ssyncset.done $0x0  }
0x96: {  	[sflag:s7] =	ssyncadd.s32 $0xFFFFFE70  }
0x97: {  	_ =	swait.ge [sflag:s7], $0x190  }
0x98: {  	[sflag:s7] =	ssyncset.done $0x0  }
0x99: {  	[sflag:s7] =	ssyncadd.s32 $0xFFFFFE70  }
0x9a: {  	_ =	swait.ge [sflag:s7], $0x190  }
0x9b: {  	[sflag:s7] =	ssyncset.done $0x0  }
0x9c: {  	s11 =	simm.s32 $0x0;
	s10 =	simm.s32 $0x40;
	[sflag:s7] =	ssyncadd.s32 $0xFFFFFE70  }
.LBB2_4:
0x9d: {  	p0 =	sne.s32 s10, $0x13C0;
	[tilespmem:s11+$0x0] =	vst v1;
	s11 =	smov.u32 s10;
	s10 =	sadd.s32 $0x40, s10  }
.Ltmp1:
0x9e: {  	(pc) =	sbr.rel @p0 .LBB2_4-.Ltmp1, $2  }
0x9f: {  	_ =	sdelay $0x2  }
0xa0: {  	s11 =	sshra.s32 s11, $0x2  }
0xa1: {  	[tilespmem:s11+$0x0] =	vst v1  }
0xa2: {  	[bflag:$0x0] =	sbarrier.arrive $0xFFFF  }
0xa3: {  	[spmem:s1] =	stream.indirect.scatter.add.f32 [tilespmem:s3], [sflag:$0x1], $0x10, s4, s8, $0xb8;
	[tilespmem:$0x5320] =	vst v63  }
0xa4: {  	s10 =	simm.s32 $0x550  }
0xa5: {  	[spmem:s1] =	stream.indirect.scatter.add.f32 [tilespmem:s3], [sflag:$0x1], $0x10, s10, s8, $0xb8;
	[tilespmem:$0x5320] =	vst v63  }
0xa6: {  	s11 =	simm.s32 $0x5A0  }
0xa7: {  	[spmem:s1] =	stream.indirect.scatter.add.f32 [tilespmem:s3], [sflag:$0x1], $0x10, s11, s8, $0xb8;
	[tilespmem:$0x5320] =	vst v63  }
0xa8: {  	s10 =	simm.s32 $0x3C0;
	_ =	swait.ge [sflag:s7], $0x500  }
.LBB2_6:
0xa9: {  	s11 =	sshra.s32 s10, $0x2;
	[sflag:s7] =	ssyncset.done $0x0;
	p0 =	sne.s32 s10, $0x9B00  }
.Ltmp2:
0xaa: {  	s11 =	sadd.s32 $0x500, s11;
	[sflag:s7] =	ssyncadd.s32 $0xFFFFFB00;
	(pc) =	sbr.rel @p0 .LBB2_6-.Ltmp2, $3  }
0xab: {  	[spmem:s1] =	stream.indirect.scatter.add.f32 [tilespmem:s3], [sflag:$0x1], $0x10, s11, s8, $0xb8;
	[tilespmem:$0x5320] =	vst v63  }
0xac: {  	s10 =	sadd.s32 $0x140, s10;
	_ =	sdelay $0x1  }
0xad: {  	_ =	swait.ge [sflag:s7], $0x500  }
0xae: {  	[sflag:s7] =	ssyncset.done $0x0  }
0xaf: {  	[sflag:s7] =	ssyncadd.s32 $0xFFFFFB00  }
0xb0: {  	_ =	swait.ge [sflag:s7], $0x500  }
0xb1: {  	[sflag:s7] =	ssyncset.done $0x0  }
0xb2: {  	[sflag:s7] =	ssyncadd.s32 $0xFFFFFB00  }
0xb3: {  	_ =	swait.ge [sflag:s7], $0x500  }
0xb4: {  	[sflag:s7] =	ssyncset.done $0x0  }
0xb5: {  	s10 =	stileid.u32;
	[sflag:s7] =	ssyncadd.s32 $0xFFFFFB00  }
0xb6: {  	s10 =	sshll.u32 s10, $0x6;
	[bflag:$0x0] =	sbarrier.arrive $0xFFFF  }
0xb7: {  	s10 =	sor.u32 $0x1C02, s10;
	s11 =	rddreg [dreg:$0x4]  }
0xb8: {  	[hbm:s11], [sflag:s10] =	dma.local [spmem:s25], $0x4E2  }
0xb9: {  	_ =	swait.ge [sflag:s5], $0x4E2  }
0xba: {  	s9 =	sadd.s32 $0x1, s9;
	s11 =	rddreg [dreg:$0x5]  }
0xbb: {  	p0 =	sne.s32 s9, s11  }
.Ltmp3:
0xbc: {  	_ = 	snop;
	(pc) =	sbr.rel @p0 .LBB2_1-.Ltmp3, $3  }
0xbd: {  	_ =	sdelay $0x1  }
0xbe: {  	[sflag:s5] =	ssyncset.done $0x0  }
0xbf: {  	[sflag:s5] =	ssyncadd.s32 $0xFFFFFB1E  }
0xc0: {  	_ =	sfence.sel $0x180000  }
0xc1: {  	[bflag:$0x0] =	sbarrier.arrive $0xFFFF  }
0xc2: {  	_ =	strace $0x90000047  }
0xc3: {  	s0 =	stileid.u32;
	[bflag:$0x2] =	sbarrier.arrive $0xFFFF  }
0xc4: {  	p0 =	sne.s32 s0, $0x0;
	s0 =	rddreg [dreg:$0x2]  }
0xc5: {  	s0 =	sadd.s32 @!p0 $0x100000, s0  }
0xc6: {  	[sflag:s0] =	ssyncadd.tile.s32 @!p0 $0x1;
	_ =	shalt  }
.Lfunc_end2:
_tile_overlayer_lowered:
.L_overlay_start_2:
0xc7: {  	(tag) =	ssettag $0x2  }
0xc8: {  	s0 =	rddreg [dreg:$0x0];
	s2 =	stileid.u32  }
0xc9: {  	s1 =	rddreg [dreg:$0x1];
	p0 =	sne.s32 s2, $0x0  }
0xca: {  	s3 =	rddreg [dreg:$0x2];
	[bflag:$0x3] =	sbarrier.arrive $0xFFFF;
	s2 =	simm.s32 @!p0 $0x1C02  }
0xcb: {  	[timem:s3], [sflag:s2] =	dma.local @!p0 [hbm:s0], s1  }
0xcc: {  	s0 =	simm.s32 @!p0 $0x2  }
0xcd: {  	_ =	swait.ge @!p0 [sflag:s0], s1  }
0xce: {  	s1 =	ssub.s32 @!p0 $0x0, s1;
	[sflag:s0] =	ssyncset.done @!p0 $0x0  }
0xcf: {  	[sflag:s0] =	ssyncadd.s32 @!p0 s1  }
0xd0: {  	[bflag:$0x3] =	sbarrier.arrive $0xFFFF  }
0xd1: {  	_ =	shalt  }

// kernel: kernel.13.cloned.1.call-start
scs
__scs_entry_jumppad:
0x0: {  	(pc) =	sbr.rel $0x88, $3  }
0x1: {  	(tag) =	ssettag $0x0;
	lr =	simm.s32 $0x1  }
0x2: {  	[smem:$0x3F9E] =	sst lr;
	_ =	strace $0xD0000000  }
0x3: {  	_ = 	snop  }
0x4: {  	_ = 	snop  }
0x5: {  	_ = 	snop  }
0x6: {  	_ = 	snop  }
0x7: {  	_ = 	snop  }
__scs_overlays_trampoline_lowered:
0x8: {  	[smem:$0x3FAD] =	sst s0  }
0x9: {  	[smem:$0x3FAE] =	sst s1  }
0xa: {  	[smem:$0x3FAF] =	sst s2  }
0xb: {  	[smem:$0x3FB0] =	sst s3  }
0xc: {  	[smem:$0x3FB1] =	sst s4  }
0xd: {  	[smem:$0x3FB2] =	sst s5  }
0xe: {  	[smem:$0x3FB3] =	sst s6  }
0xf: {  	[smem:$0x3FB4] =	sst s7  }
0x10: {  	[smem:$0x3FB5] =	sst s8  }
0x11: {  	[smem:$0x3FB6] =	sst s9;
	s0 =	simm.s32 @!p0 $0x0  }
0x12: {  	s1 =	sld [smem:$0x3F9C];
	s0 =	simm.s32 @p0 $0x1  }
0x13: {  	[smem:$0x3FB7] =	sst s0;
	s0 =	simm.s32 @!p1 $0x0  }
0x14: {  	s2 =	sld [smem:$0x3F9B];
	s0 =	simm.s32 @p1 $0x1  }
0x15: {  	[smem:$0x3FB8] =	sst s0;
	s0 =	simm.s32 @!p2 $0x0  }
0x16: {  	s3 =	sld [smem:$0x3FDB];
	s0 =	simm.s32 @p2 $0x1  }
0x17: {  	s4 =	simm.s32 $0x1BF5;
	[smem:$0x3FBA] =	sst s0  }
0x18: {  	s0 =	sld [smem:$0x3F9D];
	_ =	swait.ge [sflag:s4], $0x0  }
0x19: {  	s7 =	sld [smem:$0x3F9E]  }
0x1a: {  	s8 =	sadd.s32 $0xFFFFE003, lr  }
0x1b: {  	s9 =	sadd.s32 $0xFFFFFEF7, lr;
	s5 =	simm.s32 $0xFFFFFFFF;
	p2 =	slt.u32 s8, $0xFFFFF086  }
0x1c: {  	p1 =	slt.u32 s9, $0xF7A;
	s5 =	simm.s32 @!p2 $0x0  }
0x1d: {  	s5 =	simm.s32 @p1 $0x1;
	p0 =	seq.s32 s7, s2  }
0x1e: {  	s7 =	smul.u32 @!p0 $0xF7A, s2;
	p2 =	seq.s32 @!p0 s5, $0x0  }
0x1f: {  	s9 =	smul.u32 $0xF7A, s1;
	s8 =	simm.s32 @!p0 $0x1BF5;
	p2 =	por !p2, p0  }
0x20: {  	[sflag:s8] =	ssyncset.s32 @!p0 $0xFFFFF086;
	s6 =	sadd.s32 @!p0 s3, s7;
	s7 =	simm.s32 @!p0 $0x108  }
0x21: {  	s3 =	sadd.s32 s3, s9;
	s6 =	sadd.s32 @!p0 $0x88, s6;
	s7 =	simm.s32 @p2 $0x1082  }
0x22: {  	[simem:s7], [sflag:s8] =	dma.local @!p0 [hbm:s6], $0xF7A  }
0x23: {  	s9 =	sor.u32 $0xD0000000, s2;
	s6 =	simm.s32 $0x108;
	_ =	swait.ge @!p0 [sflag:s8], $0x0  }
0x24: {  	s3 =	sadd.s32 $0x88, s3;
	s6 =	simm.s32 @!p1 $0x1082;
	[sflag:s4] =	ssyncset.s32 $0xFFFFF086  }
0x25: {  	[simem:s6], [sflag:s4] =	dma.local [hbm:s3], $0xF7A  }
0x26: {  	[smem:$0x3F9E] =	sst s1;
	(tag) =	ssettag s2;
	_ =	strace s9  }
0x27: {  	s1 =	sld [smem:$0x3FAE]  }
0x28: {  	s2 =	sld [smem:$0x3FAF]  }
0x29: {  	s4 =	sld [smem:$0x3FB1]  }
0x2a: {  	p0 =	seq.s32 s5, $0x0;
	s5 =	sld [smem:$0x3FB2]  }
0x2b: {  	s6 =	sld [smem:$0x3FB3]  }
0x2c: {  	s7 =	sld [smem:$0x3FB4]  }
0x2d: {  	s3 =	simm.s32 $0x108;
	s8 =	sld [smem:$0x3FB5]  }
0x2e: {  	s3 =	simm.s32 @!p0 $0x1082;
	s9 =	sld [smem:$0x3FB6]  }
0x2f: {  	lr =	sadd.s32 s0, s3;
	s0 =	sld [smem:$0x3FAD]  }
0x30: {  	s3 =	sld [smem:$0x3FB0]  }
0x31: {  	[smem:$0x3FB9] =	sst s10  }
0x32: {  	s10 =	sld [smem:$0x3FB7];
	_ =	sdelay $0x3  }
0x33: {  	p0 =	seq.s32 s10, $0x1;
	s10 =	sld [smem:$0x3FB9];
	_ =	sdelay $0x3  }
0x34: {  	[smem:$0x3FB9] =	sst s10  }
0x35: {  	s10 =	sld [smem:$0x3FB8];
	_ =	sdelay $0x3  }
0x36: {  	p1 =	seq.s32 s10, $0x1;
	s10 =	sld [smem:$0x3FB9];
	_ =	sdelay $0x3  }
0x37: {  	[smem:$0x3FB9] =	sst s10  }
0x38: {  	s10 =	sld [smem:$0x3FBA]  }
0x39: {  	_ = 	snop;
	(pc) =	sbr.ind lr, $3  }
0x3a: {  	_ = 	snop  }
0x3b: {  	_ = 	snop  }
0x3c: {  	p2 =	seq.s32 s10, $0x1;
	s10 =	sld [smem:$0x3FB9]  }
0x3d: {  	_ =	shalt  }
0x3e: {  	_ =	shalt  }
0x3f: {  	_ =	shalt  }
0x40: {  	_ =	shalt  }
0x41: {  	_ =	shalt  }
0x42: {  	_ =	shalt  }
0x43: {  	_ =	shalt  }
0x44: {  	_ =	shalt  }
0x45: {  	_ =	shalt  }
0x46: {  	_ =	shalt  }
0x47: {  	_ =	shalt  }
0x48: {  	_ =	shalt  }
0x49: {  	_ =	shalt  }
0x4a: {  	_ =	shalt  }
0x4b: {  	_ =	shalt  }
0x4c: {  	_ =	shalt  }
0x4d: {  	_ =	shalt  }
0x4e: {  	_ =	shalt  }
0x4f: {  	_ =	shalt  }
0x50: {  	_ =	shalt  }
0x51: {  	_ =	shalt  }
0x52: {  	_ =	shalt  }
0x53: {  	_ =	shalt  }
0x54: {  	_ =	shalt  }
0x55: {  	_ =	shalt  }
0x56: {  	_ =	shalt  }
0x57: {  	_ =	shalt  }
0x58: {  	_ =	shalt  }
0x59: {  	_ =	shalt  }
0x5a: {  	_ =	shalt  }
0x5b: {  	_ =	shalt  }
0x5c: {  	_ =	shalt  }
0x5d: {  	_ =	shalt  }
0x5e: {  	_ =	shalt  }
0x5f: {  	_ =	shalt  }
0x60: {  	_ =	shalt  }
0x61: {  	_ =	shalt  }
0x62: {  	_ =	shalt  }
0x63: {  	_ =	shalt  }
0x64: {  	_ =	shalt  }
0x65: {  	_ =	shalt  }
0x66: {  	_ =	shalt  }
0x67: {  	_ =	shalt  }
0x68: {  	_ =	shalt  }
0x69: {  	_ =	shalt  }
0x6a: {  	_ =	shalt  }
0x6b: {  	_ =	shalt  }
0x6c: {  	_ =	shalt  }
0x6d: {  	_ =	shalt  }
0x6e: {  	_ =	shalt  }
0x6f: {  	_ =	shalt  }
0x70: {  	_ =	shalt  }
0x71: {  	_ =	shalt  }
0x72: {  	_ =	shalt  }
0x73: {  	_ =	shalt  }
0x74: {  	_ =	shalt  }
0x75: {  	_ =	shalt  }
0x76: {  	_ =	shalt  }
0x77: {  	_ =	shalt  }
0x78: {  	_ =	shalt  }
0x79: {  	_ =	shalt  }
0x7a: {  	_ =	shalt  }
0x7b: {  	_ =	shalt  }
0x7c: {  	_ =	shalt  }
0x7d: {  	_ =	shalt  }
0x7e: {  	_ =	shalt  }
0x7f: {  	_ =	shalt  }
0x80: {  	_ =	shalt  }
0x81: {  	_ =	shalt  }
0x82: {  	_ =	shalt  }
0x83: {  	_ =	shalt  }
0x84: {  	_ =	shalt  }
0x85: {  	_ =	shalt  }
0x86: {  	_ =	shalt  }
0x87: {  	_ =	shalt  }
.Lfunc_end0:
.L_simem_size_0:
called_computation.1_lowered:
.L_overlay_start_0:
0x88: {  	s2 =	sld [smem:$0x3FD9]  }
0x89: {  	s3 =	sld [smem:$0x3FFE];
	_ =	sdelay $0x1  }
0x8a: {  	s1 =	srdreg.scid  }
0x8b: {  	s0 =	sand.u32 $0x1, s1  }
0x8c: {  	s17 =	sshll.u32 s0, $0xA;
	s2 =	sadd.s32 s3, s2  }
0x8d: {  	s2 =	sadd.s32 s2, s17  }
0x8e: {  	[smem:$0x3FC5] =	sst s2  }
0x8f: {  	_ = 	snop  }
0x90: {  	s2 =	sld [smem:$0x3FD0];
	(tm) =	ssettm $0x1  }
0x91: {  	s18 =	sld [smem:$0x3FFB];
	_ =	sdelay $0x3  }
0x92: {  	_ =	strace s18  }
0x93: {  	s3 =	sld [smem:$0x3FFC];
	_ =	sdelay $0x3  }
0x94: {  	_ =	strace s3  }
0x95: {  	s3 =	sld [smem:$0x3FFD];
	_ =	sdelay $0x3  }
0x96: {  	_ =	strace s3  }
0x97: {  	_ =	strace $0x8FFFFFFF  }
0x98: {  	s19 =	sld [smem:$0x3FDB];
	_ =	sdelay $0x1  }
0x99: {  	s4 =	simm.s32 $_scs_section_size  }
0x9a: {  	s5 =	simm.s32 $_size__tile_overlayer_lowered;
	s6 =	simm.s32 $_tile_overlayer_lowered  }
0x9b: {  	s22 =	simm.s32 $0x1BFF;
	s21 =	sshll.u32 s6, $0x1;
	s3 =	sadd.s32 s4, s19  }
0x9c: {  	s7 =	simm.s32 $0x0;
	s20 =	sshll.u32 s5, $0x1;
	s5 =	sadd.s32 s21, s3  }
0x9d: {  	[timem:s7], [sflag:s22] =	dma.local [hbm:s5], s20  }
0x9e: {  	_ =	swait.ge [sflag:s22], s20  }
0x9f: {  	s4 =	ssub.s32 $0x0, s20;
	[sflag:s22] =	ssyncset.done $0x0  }
0xa0: {  	[sflag:s22] =	ssyncadd.s32 s4;
	_ =	sdelay $0x1  }
0xa1: {  	s23 =	simm.s32 $0x1B8B  }
0xa2: {  	_ =	swait.ge [sflag:s23], $0x1  }
0xa3: {  	[sflag:s23] =	ssyncset.done $0x0  }
0xa4: {  	s25 =	simm.s32 $0x1B8E;
	s24 =	sld [smem:$0x3FFE];
	[sflag:s23] =	ssyncadd.s32 $0xFFFFFFFF  }
0xa5: {  	s26 =	simm.s32 $execute0_lowered;
	[smem:$0x3FD2] =	sst s25  }
0xa6: {  	s5 =	sshll.u32 s26, $0x1;
	_ =	strace $0x80000049;
	[dreg:$0x1] =	wrdreg $0xFFFFFFFF  }
0xa7: {  	s28 =	simm.s32 $_size_execute0_lowered;
	s3 =	sadd.s32 s3, s5;
	[dreg:$0x0] =	wrdreg $0x0  }
0xa8: {  	s5 =	sshll.u32 s28, $0x1;
	[dreg:$0x2] =	wrdreg s3  }
0xa9: {  	[dreg:$0x3] =	wrdreg s5  }
0xaa: {  	[dreg:$0x4] =	wrdreg $0xC0  }
0xab: {  	_ =	task [dreg:s7], $0x5FFFF  }
0xac: {  	[dreg:$0x1] =	wrdreg $0xFFFFFFFF  }
0xad: {  	[dreg:$0x0] =	wrdreg $0x60  }
0xae: {  	[dreg:$0x2] =	wrdreg s24  }
0xaf: {  	[dreg:$0x3] =	wrdreg s2  }
0xb0: {  	[dreg:$0x4] =	wrdreg $0xC6200  }
0xb1: {  	[dreg:$0x5] =	wrdreg $0x9  }
0xb2: {  	_ =	task.clear_ibuf [dreg:s7], $0x6FFFF;
	_ =	strace $0x90000049  }
0xb3: {  	s29 =	simm.s32 $0x9;
	_ =	strace $0x8000004B  }
0xb4: {  	_ =	swait.ge [sflag:s29], $0x1  }
0xb5: {  	[sflag:s29] =	ssyncadd.s32 $0xFFFFFFFF  }
0xb6: {  	_ =	strace $0x9000004B  }
0xb7: {  	_ =	sfence  }
0xb8: {  	s30 =	sld [smem:$0x0];
	_ =	sdelay $0x2  }
0xb9: {  	s31 =	sshll.u32 s1, $0xD;
	s1 =	sshrl.u32 s1, $0x2  }
0xba: {  	s3 =	sand.u32 $0x4000, s31;
	s1 =	sadd.s32 s1, s30  }
0xbb: {  	s0 =	sor.u32 s3, s0;
	s1 =	sshll.u32 s1, $0x11  }
0xbc: {  	s0 =	sor.u32 s1, s0  }
0xbd: {  	s0 =	sadd.s32 $0x8F2B, s0  }
0xbe: {  	[sflag:s0] =	ssyncadd.remote.s32 $0x1  }
0xbf: {  	_ =	sfence.sel $0xFFFF  }
0xc0: {  	[dreg:$0x0] =	wrdreg $0xFFFFFFFF;
	(pc) =	sbr.abs _section_cstart, $3  }
0xc1: {  	[dreg:$0x1] =	wrdreg $0xFFFFFFFF  }
0xc2: {  	_ =	task.clear_ibuf [dreg:s7], $0x2FFFF;
	_ =	strace $0x9FFFFFFF  }
0xc3: {  	(tm) =	ssettm $0x7FFFFFFF  }
tec
execute0_lowered:
.L_overlay_start_1:
0x0: {  	(tag) =	ssettag $0x1  }
0x1: {  	s0 =	srdreg.scid;
	s1 =	rddreg [dreg:$0x0]  }
0x2: {  	s3 =	rddreg [dreg:$0x1];
	s9 =	stileid.u32  }
0x3: {  	s2 =	rddreg [dreg:$0x2];
	s6 =	simm.s32 $0x0;
	s0 =	sand.u32 $0x1, s0  }
0x4: {  	[smem:$0x7FF] =	sst s6;
	s7 =	smul.u32 $0x13880, s9;
	s4 =	sshll.u32 s0, $0x4  }
0x5: {  	s26 =	smul.u32 $0x138800, s0;
	s0 =	ssub.s32 $0x2, s0;
	s4 =	sor.u32 s9, s4  }
0x6: {  	_ =	strace $0x8000004A;
	s8 =	sshrl.u32 s0, $0x1;
	s5 =	smul.u32 $0x4E2, s4  }
0x7: {  	s9 =	smul.u32 $0x4E200, s9;
	s4 =	sadd.s32 $0xB2200, s1;
	s0 =	ssub.s32 s0, s8  }
0x8: {  	s8 =	sadd.s32 s7, s26;
	s0 =	smax.u32 s0, $0x1;
	s1 =	sadd.s32 s5, s1  }
0x9: {  	s11 =	sshrl.u32 s9, $0x2;
	[dreg:$0x7] =	wrdreg s0;
	s10 =	sadd.s32 $0x2200, s1  }
0xa: {  	s5 =	sshrl.u32 s8, $0x3;
	s1 =	sadd.s32 $0xC000, s1;
	[dreg:$0x4] =	wrdreg s10  }
0xb: {  	s8 =	sadd.s32 s11, s2;
	s12 =	sadd.s32 s3, s5;
	[dreg:$0x5] =	wrdreg s1  }
0xc: {  	s14 =	sadd.s32 $0xC80, s8;
	[dreg:$0x6] =	wrdreg s12  }
0xd: {  	s15 =	sadd.s32 $0x1900, s8;
	[dreg:$0x8] =	wrdreg s14  }
0xe: {  	s6 =	simm.s32 $0x4E20;
	s16 =	sadd.s32 $0x2580, s8;
	[dreg:$0x9] =	wrdreg s15  }
0xf: {  	s13 =	sadd.s32 s7, s2;
	s17 =	sadd.s32 $0x3200, s8;
	[dreg:$0xa] =	wrdreg s16  }
0x10: {  	s7 =	simm.s32 $0x7;
	s18 =	sadd.s32 $0x3E80, s8;
	[dreg:$0xb] =	wrdreg s17  }
0x11: {  	s9 =	simm.s32 $0x50;
	s19 =	sadd.s32 $0x4B00, s8;
	[dreg:$0xc] =	wrdreg s18  }
0x12: {  	s11 =	simm.s32 $0x9E20;
	s20 =	sadd.s32 $0x5780, s8;
	[dreg:$0xd] =	wrdreg s19  }
0x13: {  	s21 =	sadd.s32 $0x6400, s8;
	s22 =	sadd.s32 $0x7080, s8;
	[dreg:$0xe] =	wrdreg s20  }
0x14: {  	s23 =	sadd.s32 $0x7D00, s8;
	s24 =	sadd.s32 $0x8980, s8;
	[dreg:$0xf] =	wrdreg s21  }
0x15: {  	s25 =	sadd.s32 $0x9600, s8;
	s26 =	sadd.s32 $0xA280, s8;
	[dreg:$0x10] =	wrdreg s22  }
0x16: {  	s28 =	sadd.s32 $0xD480, s8;
	s29 =	sadd.s32 $0xE100, s8;
	[dreg:$0x11] =	wrdreg s23  }
0x17: {  	s30 =	sadd.s32 $0xED80, s8;
	s31 =	sadd.s32 $0xFA00, s8;
	[dreg:$0x12] =	wrdreg s24  }
0x18: {  	s0 =	sadd.s32 $0x11300, s8;
	s3 =	sadd.s32 $0x11F80, s8;
	[dreg:$0x13] =	wrdreg s25  }
0x19: {  	s5 =	sadd.s32 $0x12C00, s8;
	[dreg:$0x14] =	wrdreg s26;
	s23 =	sadd.s32 $0xAF00, s8  }
0x1a: {  	s24 =	sadd.s32 $0xBB80, s8;
	s25 =	sshrl.u32 s13, $0x3;
	s26 =	sadd.s32 $0xC800, s8  }
0x1b: {  	s1 =	sadd.s32 $0x10680, s8;
	s10 =	simm.s32 $0x7620;
	s12 =	simm.s32 $0x4  }
0x1c: {  	s13 =	simm.s32 $0x1;
	s14 =	simm.s32 $0x2;
	s15 =	simm.s32 $0x5  }
0x1d: {  	v0 =	vimm.f32 $0.0e+00;
	s16 =	simm.s32 $0x3;
	s17 =	simm.s32 $0x6;
	s18 =	simm.s32 $0x0  }
.LBB2_1:
0x1e: {  	s20 =	simm.s32 $0x0  }
0x1f: {  	s19 =	sand.u32 $0x3E00, s20  }
0x20: {  	s20 =	sand.u32 $0x70, s20;
	s21 =	sshrl.u32 s19, $0x2  }
0x21: {  	s19 =	simm.s32 $0x40;
	s21 =	sor.u32 s20, s21;
	s20 =	simm.s32 $0x0  }
.LBB2_2:
0x22: {  	p0 =	sne.s32 s19, $0x31C0  }
0x23: {  	[tilespmem:s21+$0x4E20] =	vst v0;
	s20 =	sadd.s32 $0x10, s20;
	s21 =	smov.u32 s19;
	s19 =	sadd.s32 $0x40, s19  }
.Ltmp0:
0x24: {  	(pc) =	sbr.rel @p0 .LBB2_2-.Ltmp0, $4  }
0x25: {  	_ = 	snop  }
0x26: {  	s21 =	sand.u32 $0x3E00, s21  }
0x27: {  	s22 =	sand.u32 $0x70, s20;
	s21 =	sshrl.u32 s21, $0x2  }
0x28: {  	s21 =	sor.u32 s22, s21  }
0x29: {  	[tilespmem:s21+$0x4E20] =	vst v0  }
0x2a: {  	[spmem:s8] =	stream.linear.scatter [tilespmem:s6], [sflag:$0x4], $0xC80, $0x38;
	[tilespmem:$0x1FEA0] =	vst v63  }
0x2b: {  	s19 =	rddreg [dreg:$0x8]  }
0x2c: {  	[spmem:s19] =	stream.linear.scatter [tilespmem:s6], [sflag:$0x4], $0xC80, $0x38;
	[tilespmem:$0x1FEA0] =	vst v63  }
0x2d: {  	s21 =	rddreg [dreg:$0x9]  }
0x2e: {  	[spmem:s21] =	stream.linear.scatter [tilespmem:s6], [sflag:$0x4], $0xC80, $0x38;
	[tilespmem:$0x1FEA0] =	vst v63  }
0x2f: {  	s22 =	rddreg [dreg:$0xa]  }
0x30: {  	[spmem:s22] =	stream.linear.scatter [tilespmem:s6], [sflag:$0x4], $0xC80, $0x38;
	[tilespmem:$0x1FEA0] =	vst v63  }
0x31: {  	s20 =	rddreg [dreg:$0xb]  }
0x32: {  	[spmem:s20] =	stream.linear.scatter [tilespmem:s6], [sflag:$0x4], $0xC80, $0x38;
	[tilespmem:$0x1FEA0] =	vst v63  }
0x33: {  	s21 =	rddreg [dreg:$0xc]  }
0x34: {  	[spmem:s21] =	stream.linear.scatter [tilespmem:s6], [sflag:$0x4], $0xC80, $0x38;
	[tilespmem:$0x1FEA0] =	vst v63  }
0x35: {  	s22 =	rddreg [dreg:$0xd]  }
0x36: {  	[spmem:s22] =	stream.linear.scatter [tilespmem:s6], [sflag:$0x4], $0xC80, $0x38;
	[tilespmem:$0x1FEA0] =	vst v63  }
0x37: {  	s20 =	rddreg [dreg:$0xe]  }
0x38: {  	[spmem:s20] =	stream.linear.scatter [tilespmem:s6], [sflag:$0x4], $0xC80, $0x38;
	[tilespmem:$0x1FEA0] =	vst v63  }
0x39: {  	s21 =	rddreg [dreg:$0xf]  }
0x3a: {  	[spmem:s21] =	stream.linear.scatter [tilespmem:s6], [sflag:$0x4], $0xC80, $0x38;
	[tilespmem:$0x1FEA0] =	vst v63  }
0x3b: {  	s22 =	rddreg [dreg:$0x10]  }
0x3c: {  	[spmem:s22] =	stream.linear.scatter [tilespmem:s6], [sflag:$0x4], $0xC80, $0x38;
	[tilespmem:$0x1FEA0] =	vst v63  }
0x3d: {  	s20 =	rddreg [dreg:$0x11]  }
0x3e: {  	[spmem:s20] =	stream.linear.scatter [tilespmem:s6], [sflag:$0x4], $0xC80, $0x38;
	[tilespmem:$0x1FEA0] =	vst v63  }
0x3f: {  	s21 =	rddreg [dreg:$0x12]  }
0x40: {  	[spmem:s21] =	stream.linear.scatter [tilespmem:s6], [sflag:$0x4], $0xC80, $0x38;
	[tilespmem:$0x1FEA0] =	vst v63  }
0x41: {  	s22 =	rddreg [dreg:$0x13]  }
0x42: {  	[spmem:s22] =	stream.linear.scatter [tilespmem:s6], [sflag:$0x4], $0xC80, $0x38;
	[tilespmem:$0x1FEA0] =	vst v63  }
0x43: {  	s20 =	rddreg [dreg:$0x14]  }
0x44: {  	[spmem:s20] =	stream.linear.scatter [tilespmem:s6], [sflag:$0x4], $0xC80, $0x38;
	[tilespmem:$0x1FEA0] =	vst v63  }
0x45: {  	_ = 	snop  }
0x46: {  	[spmem:s23] =	stream.linear.scatter [tilespmem:s6], [sflag:$0x4], $0xC80, $0x38;
	[tilespmem:$0x1FEA0] =	vst v63  }
0x47: {  	_ = 	snop  }
0x48: {  	[spmem:s24] =	stream.linear.scatter [tilespmem:s6], [sflag:$0x4], $0xC80, $0x38;
	[tilespmem:$0x1FEA0] =	vst v63  }
0x49: {  	_ = 	snop  }
0x4a: {  	[spmem:s26] =	stream.linear.scatter [tilespmem:s6], [sflag:$0x4], $0xC80, $0x38;
	[tilespmem:$0x1FEA0] =	vst v63  }
0x4b: {  	_ = 	snop  }
0x4c: {  	[spmem:s28] =	stream.linear.scatter [tilespmem:s6], [sflag:$0x4], $0xC80, $0x38;
	[tilespmem:$0x1FEA0] =	vst v63  }
0x4d: {  	_ = 	snop  }
0x4e: {  	[spmem:s29] =	stream.linear.scatter [tilespmem:s6], [sflag:$0x4], $0xC80, $0x38;
	[tilespmem:$0x1FEA0] =	vst v63  }
0x4f: {  	_ = 	snop  }
0x50: {  	[spmem:s30] =	stream.linear.scatter [tilespmem:s6], [sflag:$0x4], $0xC80, $0x38;
	[tilespmem:$0x1FEA0] =	vst v63  }
0x51: {  	_ = 	snop  }
0x52: {  	[spmem:s31] =	stream.linear.scatter [tilespmem:s6], [sflag:$0x4], $0xC80, $0x38;
	[tilespmem:$0x1FEA0] =	vst v63  }
0x53: {  	_ = 	snop  }
0x54: {  	[spmem:s1] =	stream.linear.scatter [tilespmem:s6], [sflag:$0x4], $0xC80, $0x38;
	[tilespmem:$0x1FEA0] =	vst v63  }
0x55: {  	_ = 	snop  }
0x56: {  	[spmem:s0] =	stream.linear.scatter [tilespmem:s6], [sflag:$0x4], $0xC80, $0x38;
	[tilespmem:$0x1FEA0] =	vst v63  }
0x57: {  	_ = 	snop  }
0x58: {  	[spmem:s3] =	stream.linear.scatter [tilespmem:s6], [sflag:$0x4], $0xC80, $0x38;
	[tilespmem:$0x1FEA0] =	vst v63  }
0x59: {  	_ = 	snop  }
0x5a: {  	[spmem:s5] =	stream.linear.scatter [tilespmem:s6], [sflag:$0x4], $0xC80, $0x38;
	[tilespmem:$0x1FEA0] =	vst v63  }
0x5b: {  	s19 =	simm.s32 $0x0;
	s20 =	rddreg [dreg:$0x4]  }
0x5c: {  	[tilespmem:s19], [sflag:$0x7] =	stream.linear.gather [hbm4b:s20+s19], $0x2710, $0x38;
	[tilespmem:$0x1FEA0] =	vst v63  }
0x5d: {  	_ =	swait.ge [sflag:s7], $0x2710  }
0x5e: {  	[sflag:s7] =	ssyncset.done $0x0  }
0x5f: {  	s22 =	simm.s32 $0x2710;
	s21 =	rddreg [dreg:$0x5];
	[sflag:s7] =	ssyncadd.s32 $0xFFFFD8F0  }
0x60: {  	[tilespmem:s22], [sflag:$0x7] =	stream.linear.gather [hbm4b:s21+s19], $0x2710, $0x38;
	[tilespmem:$0x1FEA0] =	vst v63  }
0x61: {  	_ =	swait.ge [sflag:s7], $0x2710  }
0x62: {  	[sflag:s7] =	ssyncset.done $0x0  }
0x63: {  	[sflag:s7] =	ssyncadd.s32 $0xFFFFD8F0  }
0x64: {  	[tilespmem:s10], [sflag:$0x2] =	stream.indirect.gather [hbm4b:s4+s9], $0x80, s9, s9, $0xb8;
	[tilespmem:$0x1FEA0] =	vst v63  }
0x65: {  	s22 =	simm.s32 $0xA0  }
0x66: {  	[tilespmem:s11], [sflag:$0x3] =	stream.indirect.gather [hbm4b:s4+s9], $0x80, s22, s9, $0xb8;
	[tilespmem:$0x1FEA0] =	vst v63  }
0x67: {  	_ =	swait.ge [sflag:s12], $0xC80  }
0x68: {  	[sflag:s12] =	ssyncset.done $0x0  }
0x69: {  	[sflag:s12] =	ssyncadd.s32 $0xFFFFF380  }
0x6a: {  	_ =	swait.ge [sflag:s12], $0xC80  }
0x6b: {  	[sflag:s12] =	ssyncset.done $0x0  }
0x6c: {  	[sflag:s12] =	ssyncadd.s32 $0xFFFFF380  }
0x6d: {  	_ =	swait.ge [sflag:s12], $0xC80  }
0x6e: {  	[sflag:s12] =	ssyncset.done $0x0  }
0x6f: {  	[sflag:s12] =	ssyncadd.s32 $0xFFFFF380  }
0x70: {  	_ =	swait.ge [sflag:s12], $0xC80  }
0x71: {  	[sflag:s12] =	ssyncset.done $0x0  }
0x72: {  	[sflag:s12] =	ssyncadd.s32 $0xFFFFF380  }
0x73: {  	_ =	swait.ge [sflag:s12], $0xC80  }
0x74: {  	[sflag:s12] =	ssyncset.done $0x0  }
0x75: {  	[sflag:s12] =	ssyncadd.s32 $0xFFFFF380  }
0x76: {  	_ =	swait.ge [sflag:s12], $0xC80  }
0x77: {  	[sflag:s12] =	ssyncset.done $0x0  }
0x78: {  	[sflag:s12] =	ssyncadd.s32 $0xFFFFF380  }
0x79: {  	_ =	swait.ge [sflag:s12], $0xC80  }
0x7a: {  	[sflag:s12] =	ssyncset.done $0x0  }
0x7b: {  	[sflag:s12] =	ssyncadd.s32 $0xFFFFF380  }
0x7c: {  	_ =	swait.ge [sflag:s12], $0xC80  }
0x7d: {  	[sflag:s12] =	ssyncset.done $0x0  }
0x7e: {  	[sflag:s12] =	ssyncadd.s32 $0xFFFFF380  }
0x7f: {  	_ =	swait.ge [sflag:s12], $0xC80  }
0x80: {  	[sflag:s12] =	ssyncset.done $0x0  }
0x81: {  	[sflag:s12] =	ssyncadd.s32 $0xFFFFF380  }
0x82: {  	_ =	swait.ge [sflag:s12], $0xC80  }
0x83: {  	[sflag:s12] =	ssyncset.done $0x0  }
0x84: {  	[sflag:s12] =	ssyncadd.s32 $0xFFFFF380  }
0x85: {  	_ =	swait.ge [sflag:s12], $0xC80  }
0x86: {  	[sflag:s12] =	ssyncset.done $0x0  }
0x87: {  	[sflag:s12] =	ssyncadd.s32 $0xFFFFF380  }
0x88: {  	_ =	swait.ge [sflag:s12], $0xC80  }
0x89: {  	[sflag:s12] =	ssyncset.done $0x0  }
0x8a: {  	[sflag:s12] =	ssyncadd.s32 $0xFFFFF380  }
0x8b: {  	_ =	swait.ge [sflag:s12], $0xC80  }
0x8c: {  	[sflag:s12] =	ssyncset.done $0x0  }
0x8d: {  	[sflag:s12] =	ssyncadd.s32 $0xFFFFF380  }
0x8e: {  	_ =	swait.ge [sflag:s12], $0xC80  }
0x8f: {  	[sflag:s12] =	ssyncset.done $0x0  }
0x90: {  	[sflag:s12] =	ssyncadd.s32 $0xFFFFF380  }
0x91: {  	_ =	swait.ge [sflag:s12], $0xC80  }
0x92: {  	[sflag:s12] =	ssyncset.done $0x0  }
0x93: {  	[sflag:s12] =	ssyncadd.s32 $0xFFFFF380  }
0x94: {  	_ =	swait.ge [sflag:s12], $0xC80  }
0x95: {  	[sflag:s12] =	ssyncset.done $0x0  }
0x96: {  	[sflag:s12] =	ssyncadd.s32 $0xFFFFF380  }
0x97: {  	_ =	swait.ge [sflag:s12], $0xC80  }
0x98: {  	[sflag:s12] =	ssyncset.done $0x0  }
0x99: {  	[sflag:s12] =	ssyncadd.s32 $0xFFFFF380  }
0x9a: {  	_ =	swait.ge [sflag:s12], $0xC80  }
0x9b: {  	[sflag:s12] =	ssyncset.done $0x0  }
0x9c: {  	[sflag:s12] =	ssyncadd.s32 $0xFFFFF380  }
0x9d: {  	_ =	swait.ge [sflag:s12], $0xC80  }
0x9e: {  	[sflag:s12] =	ssyncset.done $0x0  }
0x9f: {  	[sflag:s12] =	ssyncadd.s32 $0xFFFFF380  }
0xa0: {  	_ =	swait.ge [sflag:s12], $0xC80  }
0xa1: {  	[sflag:s12] =	ssyncset.done $0x0  }
0xa2: {  	[sflag:s12] =	ssyncadd.s32 $0xFFFFF380  }
0xa3: {  	_ =	swait.ge [sflag:s12], $0xC80  }
0xa4: {  	[sflag:s12] =	ssyncset.done $0x0  }
0xa5: {  	[sflag:s12] =	ssyncadd.s32 $0xFFFFF380  }
0xa6: {  	_ =	swait.ge [sflag:s12], $0xC80  }
0xa7: {  	[sflag:s12] =	ssyncset.done $0x0  }
0xa8: {  	[sflag:s12] =	ssyncadd.s32 $0xFFFFF380  }
0xa9: {  	_ =	swait.ge [sflag:s12], $0xC80  }
0xaa: {  	[sflag:s12] =	ssyncset.done $0x0  }
0xab: {  	[sflag:s12] =	ssyncadd.s32 $0xFFFFF380  }
0xac: {  	_ =	swait.ge [sflag:s12], $0xC80  }
0xad: {  	[sflag:s12] =	ssyncset.done $0x0  }
0xae: {  	[sflag:s12] =	ssyncadd.s32 $0xFFFFF380  }
0xaf: {  	_ =	swait.ge [sflag:s12], $0xC80  }
0xb0: {  	[sflag:s12] =	ssyncset.done $0x0  }
0xb1: {  	[sflag:s12] =	ssyncadd.s32 $0xFFFFF380  }
0xb2: {  	[tilespmem:s6], [sflag:$0x1] =	stream.indirect.gather [hbm4b:s4+s9], $0x80, s19, s9, $0xb8;
	[tilespmem:$0x1FEA0] =	vst v63  }
0xb3: {  	[bflag:$0x0] =	sbarrier.arrive $0xFFFF  }
0xb4: {  	_ =	swait.ge [sflag:s13], $0x2800  }
0xb5: {  	[sflag:s13] =	ssyncset.done $0x0  }
0xb6: {  	s21 =	simm.s32 $0x2710;
	[sflag:s13] =	ssyncadd.s32 $0xFFFFD800  }
0xb7: {  	[spmem:s2] =	stream.indirect.scatter.add.f32 [tilespmem:s6], [sflag:$0x4], $0x80, s21, s9, $0xb8;
	[tilespmem:$0x1FEA0] =	vst v63  }
0xb8: {  	_ =	swait.ge [sflag:s12], $0x2800  }
0xb9: {  	[sflag:s12] =	ssyncset.done $0x0  }
0xba: {  	s22 =	simm.s32 $0xF0;
	[sflag:s12] =	ssyncadd.s32 $0xFFFFD800  }
0xbb: {  	[tilespmem:s6], [sflag:$0x1] =	stream.indirect.gather [hbm4b:s4+s9], $0x80, s22, s9, $0xb8;
	[tilespmem:$0x1FEA0] =	vst v63  }
0xbc: {  	_ =	swait.ge [sflag:s14], $0x2800  }
0xbd: {  	[sflag:s14] =	ssyncset.done $0x0  }
0xbe: {  	s20 =	simm.s32 $0x2760;
	[sflag:s14] =	ssyncadd.s32 $0xFFFFD800  }
0xbf: {  	[spmem:s2] =	stream.indirect.scatter.add.f32 [tilespmem:s10], [sflag:$0x5], $0x80, s20, s9, $0xb8;
	[tilespmem:$0x1FEA0] =	vst v63  }
0xc0: {  	_ =	swait.ge [sflag:s15], $0x2800  }
0xc1: {  	[sflag:s15] =	ssyncset.done $0x0  }
0xc2: {  	s21 =	simm.s32 $0x140;
	[sflag:s15] =	ssyncadd.s32 $0xFFFFD800  }
0xc3: {  	[tilespmem:s10], [sflag:$0x2] =	stream.indirect.gather [hbm4b:s4+s9], $0x80, s21, s9, $0xb8;
	[tilespmem:$0x1FEA0] =	vst v63  }
0xc4: {  	_ =	swait.ge [sflag:s16], $0x2800  }
0xc5: {  	[sflag:s16] =	ssyncset.done $0x0  }
0xc6: {  	s22 =	simm.s32 $0x27B0;
	[sflag:s16] =	ssyncadd.s32 $0xFFFFD800  }
0xc7: {  	[spmem:s2] =	stream.indirect.scatter.add.f32 [tilespmem:s11], [sflag:$0x6], $0x80, s22, s9, $0xb8;
	[tilespmem:$0x1FEA0] =	vst v63  }
0xc8: {  	_ =	swait.ge [sflag:s17], $0x2800  }
0xc9: {  	[sflag:s17] =	ssyncset.done $0x0  }
0xca: {  	s19 =	simm.s32 $0x3C0;
	s20 =	simm.s32 $0x190;
	[sflag:s17] =	ssyncadd.s32 $0xFFFFD800  }
.LBB2_4:
0xcb: {  	[tilespmem:s11], [sflag:$0x3] =	stream.indirect.gather [hbm4b:s4+s9], $0x80, s20, s9, $0xb8;
	[tilespmem:$0x1FEA0] =	vst v63  }
0xcc: {  	s20 =	smov.u32 s19  }
0xcd: {  	p0 =	sne.s32 s19, $0x9240;
	s19 =	sadd.s32 $0x3C0, s19;
	_ =	swait.ge [sflag:s13], $0x2800  }
0xce: {  	s20 =	sshra.s32 s20, $0x2;
	[sflag:s13] =	ssyncset.done $0x0  }
0xcf: {  	s21 =	sadd.s32 $0x2710, s20;
	[sflag:s13] =	ssyncadd.s32 $0xFFFFD800  }
0xd0: {  	[spmem:s2] =	stream.indirect.scatter.add.f32 [tilespmem:s6], [sflag:$0x4], $0x80, s21, s9, $0xb8;
	[tilespmem:$0x1FEA0] =	vst v63  }
0xd1: {  	_ =	swait.ge [sflag:s12], $0x2800  }
0xd2: {  	[sflag:s12] =	ssyncset.done $0x0  }
0xd3: {  	s21 =	sadd.s32 $0xF0, s20;
	[sflag:s12] =	ssyncadd.s32 $0xFFFFD800  }
0xd4: {  	[tilespmem:s6], [sflag:$0x1] =	stream.indirect.gather [hbm4b:s4+s9], $0x80, s21, s9, $0xb8;
	[tilespmem:$0x1FEA0] =	vst v63  }
0xd5: {  	_ =	swait.ge [sflag:s14], $0x2800  }
0xd6: {  	[sflag:s14] =	ssyncset.done $0x0  }
0xd7: {  	s21 =	sadd.s32 $0x2760, s20;
	[sflag:s14] =	ssyncadd.s32 $0xFFFFD800  }
0xd8: {  	[spmem:s2] =	stream.indirect.scatter.add.f32 [tilespmem:s10], [sflag:$0x5], $0x80, s21, s9, $0xb8;
	[tilespmem:$0x1FEA0] =	vst v63  }
0xd9: {  	_ =	swait.ge [sflag:s15], $0x2800  }
0xda: {  	[sflag:s15] =	ssyncset.done $0x0  }
0xdb: {  	s21 =	sadd.s32 $0x140, s20;
	[sflag:s15] =	ssyncadd.s32 $0xFFFFD800  }
0xdc: {  	[tilespmem:s10], [sflag:$0x2] =	stream.indirect.gather [hbm4b:s4+s9], $0x80, s21, s9, $0xb8;
	[tilespmem:$0x1FEA0] =	vst v63  }
0xdd: {  	_ =	swait.ge [sflag:s16], $0x2800  }
0xde: {  	[sflag:s16] =	ssyncset.done $0x0  }
.Ltmp1:
0xdf: {  	s21 =	sadd.s32 $0x27B0, s20;
	[sflag:s16] =	ssyncadd.s32 $0xFFFFD800;
	(pc) =	sbr.rel @p0 .LBB2_4-.Ltmp1, $4  }
0xe0: {  	[spmem:s2] =	stream.indirect.scatter.add.f32 [tilespmem:s11], [sflag:$0x6], $0x80, s21, s9, $0xb8;
	[tilespmem:$0x1FEA0] =	vst v63  }
0xe1: {  	_ =	swait.ge [sflag:s17], $0x2800  }
0xe2: {  	[sflag:s17] =	ssyncset.done $0x0  }
0xe3: {  	s20 =	sadd.s32 $0x190, s20;
	[sflag:s17] =	ssyncadd.s32 $0xFFFFD800  }
0xe4: {  	[tilespmem:s11], [sflag:$0x3] =	stream.indirect.gather [hbm4b:s4+s9], $0x80, s20, s9, $0xb8;
	[tilespmem:$0x1FEA0] =	vst v63  }
0xe5: {  	_ =	swait.ge [sflag:s13], $0x2800  }
0xe6: {  	[sflag:s13] =	ssyncset.done $0x0  }
0xe7: {  	s19 =	simm.s32 $0x4C90;
	[sflag:s13] =	ssyncadd.s32 $0xFFFFD800  }
0xe8: {  	[spmem:s2] =	stream.indirect.scatter.add.f32 [tilespmem:s6], [sflag:$0x4], $0x80, s19, s9, $0xb8;
	[tilespmem:$0x1FEA0] =	vst v63  }
0xe9: {  	_ =	swait.ge [sflag:s12], $0x2800  }
0xea: {  	[sflag:s12] =	ssyncset.done $0x0  }
0xeb: {  	s20 =	simm.s32 $0x2670;
	[sflag:s12] =	ssyncadd.s32 $0xFFFFD800  }
0xec: {  	[tilespmem:s6], [sflag:$0x1] =	stream.indirect.gather [hbm4b:s4+s9], $0x80, s20, s9, $0xb8;
	[tilespmem:$0x1FEA0] =	vst v63  }
0xed: {  	_ =	swait.ge [sflag:s14], $0x2800  }
0xee: {  	[sflag:s14] =	ssyncset.done $0x0  }
0xef: {  	s21 =	simm.s32 $0x4CE0;
	[sflag:s14] =	ssyncadd.s32 $0xFFFFD800  }
0xf0: {  	[spmem:s2] =	stream.indirect.scatter.add.f32 [tilespmem:s10], [sflag:$0x5], $0x80, s21, s9, $0xb8;
	[tilespmem:$0x1FEA0] =	vst v63  }
0xf1: {  	_ =	swait.ge [sflag:s15], $0x2800  }
0xf2: {  	[sflag:s15] =	ssyncset.done $0x0  }
0xf3: {  	s22 =	simm.s32 $0x26C0;
	[sflag:s15] =	ssyncadd.s32 $0xFFFFD800  }
0xf4: {  	[tilespmem:s10], [sflag:$0x2] =	stream.indirect.gather [hbm4b:s4+s9], $0x80, s22, s9, $0xb8;
	[tilespmem:$0x1FEA0] =	vst v63  }
0xf5: {  	_ =	swait.ge [sflag:s16], $0x2800  }
0xf6: {  	[sflag:s16] =	ssyncset.done $0x0  }
0xf7: {  	s20 =	simm.s32 $0x4D30;
	[sflag:s16] =	ssyncadd.s32 $0xFFFFD800  }
0xf8: {  	[spmem:s2] =	stream.indirect.scatter.add.f32 [tilespmem:s11], [sflag:$0x6], $0x80, s20, s9, $0xb8;
	[tilespmem:$0x1FEA0] =	vst v63  }
0xf9: {  	_ =	swait.ge [sflag:s17], $0x2800  }
0xfa: {  	[sflag:s17] =	ssyncset.done $0x0  }
0xfb: {  	[sflag:s17] =	ssyncadd.s32 $0xFFFFD800  }
0xfc: {  	_ =	swait.ge [sflag:s13], $0x2800  }
0xfd: {  	[sflag:s13] =	ssyncset.done $0x0  }
0xfe: {  	s21 =	simm.s32 $0x4D80;
	[sflag:s13] =	ssyncadd.s32 $0xFFFFD800  }
0xff: {  	[spmem:s2] =	stream.indirect.scatter.add.f32 [tilespmem:s6], [sflag:$0x7], $0x80, s21, s9, $0xb8;
	[tilespmem:$0x1FEA0] =	vst v63  }
0x100: {  	_ =	swait.ge [sflag:s7], $0x2800  }
0x101: {  	[sflag:s7] =	ssyncset.done $0x0  }
0x102: {  	[sflag:s7] =	ssyncadd.s32 $0xFFFFD800  }
0x103: {  	_ =	swait.ge [sflag:s14], $0x2800  }
0x104: {  	[sflag:s14] =	ssyncset.done $0x0  }
0x105: {  	s22 =	simm.s32 $0x4DD0;
	[sflag:s14] =	ssyncadd.s32 $0xFFFFD800  }
0x106: {  	[spmem:s2] =	stream.indirect.scatter.add.f32 [tilespmem:s10], [sflag:$0x7], $0x80, s22, s9, $0xb8;
	[tilespmem:$0x1FEA0] =	vst v63  }
0x107: {  	_ =	swait.ge [sflag:s7], $0x2800  }
0x108: {  	[sflag:s7] =	ssyncset.done $0x0  }
0x109: {  	s20 =	stileid.u32;
	[sflag:s7] =	ssyncadd.s32 $0xFFFFD800  }
0x10a: {  	s19 =	sshll.u32 s20, $0x6;
	[bflag:$0x0] =	sbarrier.arrive $0xFFFF  }
0x10b: {  	s19 =	sor.u32 $0x1C07, s19;
	s21 =	rddreg [dreg:$0x6]  }
0x10c: {  	[hbm:s21], [sflag:s19] =	dma.local [spmem:s25], $0x2710  }
0x10d: {  	_ =	swait.ge [sflag:s7], $0x2710  }
0x10e: {  	s18 =	sadd.s32 $0x1, s18;
	s22 =	rddreg [dreg:$0x7]  }
0x10f: {  	p0 =	sne.s32 s18, s22  }
.Ltmp2:
0x110: {  	_ = 	snop;
	(pc) =	sbr.rel @p0 .LBB2_1-.Ltmp2, $3  }
0x111: {  	_ =	sdelay $0x1  }
0x112: {  	[sflag:s7] =	ssyncset.done $0x0  }
0x113: {  	[sflag:s7] =	ssyncadd.s32 $0xFFFFD8F0  }
0x114: {  	_ =	sfence.sel $0x180000  }
0x115: {  	[bflag:$0x0] =	sbarrier.arrive $0xFFFF  }
0x116: {  	_ =	strace $0x9000004A  }
0x117: {  	s0 =	stileid.u32;
	[bflag:$0x2] =	sbarrier.arrive $0xFFFF  }
0x118: {  	p0 =	sne.s32 s0, $0x0;
	s0 =	rddreg [dreg:$0x3]  }
0x119: {  	s0 =	sadd.s32 @!p0 $0x100000, s0  }
0x11a: {  	[sflag:s0] =	ssyncadd.tile.s32 @!p0 $0x1;
	_ =	shalt  }
.Lfunc_end2:
_tile_overlayer_lowered:
.L_overlay_start_2:
0x11b: {  	(tag) =	ssettag $0x2  }
0x11c: {  	s0 =	rddreg [dreg:$0x0];
	s2 =	stileid.u32  }
0x11d: {  	s1 =	rddreg [dreg:$0x1];
	p0 =	sne.s32 s2, $0x0  }
0x11e: {  	s3 =	rddreg [dreg:$0x2];
	[bflag:$0x3] =	sbarrier.arrive $0xFFFF;
	s2 =	simm.s32 @!p0 $0x1C07  }
0x11f: {  	[timem:s3], [sflag:s2] =	dma.local @!p0 [hbm:s0], s1  }
0x120: {  	s0 =	simm.s32 @!p0 $0x7  }
0x121: {  	_ =	swait.ge @!p0 [sflag:s0], s1  }
0x122: {  	s1 =	ssub.s32 @!p0 $0x0, s1;
	[sflag:s0] =	ssyncset.done @!p0 $0x0  }
0x123: {  	[sflag:s0] =	ssyncadd.s32 @!p0 s1  }
0x124: {  	[bflag:$0x3] =	sbarrier.arrive $0xFFFF  }
0x125: {  	_ =	shalt  }

// kernel: kernel.16.cloned.1.call-start
scs
__scs_entry_jumppad:
0x0: {  	(pc) =	sbr.rel $0x88, $3  }
0x1: {  	(tag) =	ssettag $0x0;
	lr =	simm.s32 $0x1  }
0x2: {  	[smem:$0x3F9E] =	sst lr;
	_ =	strace $0xD0000000  }
0x3: {  	_ = 	snop  }
0x4: {  	_ = 	snop  }
0x5: {  	_ = 	snop  }
0x6: {  	_ = 	snop  }
0x7: {  	_ = 	snop  }
__scs_overlays_trampoline_lowered:
0x8: {  	[smem:$0x3FAD] =	sst s0  }
0x9: {  	[smem:$0x3FAE] =	sst s1  }
0xa: {  	[smem:$0x3FAF] =	sst s2  }
0xb: {  	[smem:$0x3FB0] =	sst s3  }
0xc: {  	[smem:$0x3FB1] =	sst s4  }
0xd: {  	[smem:$0x3FB2] =	sst s5  }
0xe: {  	[smem:$0x3FB3] =	sst s6  }
0xf: {  	[smem:$0x3FB4] =	sst s7  }
0x10: {  	[smem:$0x3FB5] =	sst s8  }
0x11: {  	[smem:$0x3FB6] =	sst s9;
	s0 =	simm.s32 @!p0 $0x0  }
0x12: {  	s1 =	sld [smem:$0x3F9C];
	s0 =	simm.s32 @p0 $0x1  }
0x13: {  	[smem:$0x3FB7] =	sst s0;
	s0 =	simm.s32 @!p1 $0x0  }
0x14: {  	s2 =	sld [smem:$0x3F9B];
	s0 =	simm.s32 @p1 $0x1  }
0x15: {  	[smem:$0x3FB8] =	sst s0;
	s0 =	simm.s32 @!p2 $0x0  }
0x16: {  	s3 =	sld [smem:$0x3FDB];
	s0 =	simm.s32 @p2 $0x1  }
0x17: {  	s4 =	simm.s32 $0x1BF5;
	[smem:$0x3FBA] =	sst s0  }
0x18: {  	s0 =	sld [smem:$0x3F9D];
	_ =	swait.ge [sflag:s4], $0x0  }
0x19: {  	s7 =	sld [smem:$0x3F9E]  }
0x1a: {  	s8 =	sadd.s32 $0xFFFFE003, lr  }
0x1b: {  	s9 =	sadd.s32 $0xFFFFFEF7, lr;
	s5 =	simm.s32 $0xFFFFFFFF;
	p2 =	slt.u32 s8, $0xFFFFF086  }
0x1c: {  	p1 =	slt.u32 s9, $0xF7A;
	s5 =	simm.s32 @!p2 $0x0  }
0x1d: {  	s5 =	simm.s32 @p1 $0x1;
	p0 =	seq.s32 s7, s2  }
0x1e: {  	s7 =	smul.u32 @!p0 $0xF7A, s2;
	p2 =	seq.s32 @!p0 s5, $0x0  }
0x1f: {  	s9 =	smul.u32 $0xF7A, s1;
	s8 =	simm.s32 @!p0 $0x1BF5;
	p2 =	por !p2, p0  }
0x20: {  	[sflag:s8] =	ssyncset.s32 @!p0 $0xFFFFF086;
	s6 =	sadd.s32 @!p0 s3, s7;
	s7 =	simm.s32 @!p0 $0x108  }
0x21: {  	s3 =	sadd.s32 s3, s9;
	s6 =	sadd.s32 @!p0 $0x88, s6;
	s7 =	simm.s32 @p2 $0x1082  }
0x22: {  	[simem:s7], [sflag:s8] =	dma.local @!p0 [hbm:s6], $0xF7A  }
0x23: {  	s9 =	sor.u32 $0xD0000000, s2;
	s6 =	simm.s32 $0x108;
	_ =	swait.ge @!p0 [sflag:s8], $0x0  }
0x24: {  	s3 =	sadd.s32 $0x88, s3;
	s6 =	simm.s32 @!p1 $0x1082;
	[sflag:s4] =	ssyncset.s32 $0xFFFFF086  }
0x25: {  	[simem:s6], [sflag:s4] =	dma.local [hbm:s3], $0xF7A  }
0x26: {  	[smem:$0x3F9E] =	sst s1;
	(tag) =	ssettag s2;
	_ =	strace s9  }
0x27: {  	s1 =	sld [smem:$0x3FAE]  }
0x28: {  	s2 =	sld [smem:$0x3FAF]  }
0x29: {  	s4 =	sld [smem:$0x3FB1]  }
0x2a: {  	p0 =	seq.s32 s5, $0x0;
	s5 =	sld [smem:$0x3FB2]  }
0x2b: {  	s6 =	sld [smem:$0x3FB3]  }
0x2c: {  	s7 =	sld [smem:$0x3FB4]  }
0x2d: {  	s3 =	simm.s32 $0x108;
	s8 =	sld [smem:$0x3FB5]  }
0x2e: {  	s3 =	simm.s32 @!p0 $0x1082;
	s9 =	sld [smem:$0x3FB6]  }
0x2f: {  	lr =	sadd.s32 s0, s3;
	s0 =	sld [smem:$0x3FAD]  }
0x30: {  	s3 =	sld [smem:$0x3FB0]  }
0x31: {  	[smem:$0x3FB9] =	sst s10  }
0x32: {  	s10 =	sld [smem:$0x3FB7];
	_ =	sdelay $0x3  }
0x33: {  	p0 =	seq.s32 s10, $0x1;
	s10 =	sld [smem:$0x3FB9];
	_ =	sdelay $0x3  }
0x34: {  	[smem:$0x3FB9] =	sst s10  }
0x35: {  	s10 =	sld [smem:$0x3FB8];
	_ =	sdelay $0x3  }
0x36: {  	p1 =	seq.s32 s10, $0x1;
	s10 =	sld [smem:$0x3FB9];
	_ =	sdelay $0x3  }
0x37: {  	[smem:$0x3FB9] =	sst s10  }
0x38: {  	s10 =	sld [smem:$0x3FBA]  }
0x39: {  	_ = 	snop;
	(pc) =	sbr.ind lr, $3  }
0x3a: {  	_ = 	snop  }
0x3b: {  	_ = 	snop  }
0x3c: {  	p2 =	seq.s32 s10, $0x1;
	s10 =	sld [smem:$0x3FB9]  }
0x3d: {  	_ =	shalt  }
0x3e: {  	_ =	shalt  }
0x3f: {  	_ =	shalt  }
0x40: {  	_ =	shalt  }
0x41: {  	_ =	shalt  }
0x42: {  	_ =	shalt  }
0x43: {  	_ =	shalt  }
0x44: {  	_ =	shalt  }
0x45: {  	_ =	shalt  }
0x46: {  	_ =	shalt  }
0x47: {  	_ =	shalt  }
0x48: {  	_ =	shalt  }
0x49: {  	_ =	shalt  }
0x4a: {  	_ =	shalt  }
0x4b: {  	_ =	shalt  }
0x4c: {  	_ =	shalt  }
0x4d: {  	_ =	shalt  }
0x4e: {  	_ =	shalt  }
0x4f: {  	_ =	shalt  }
0x50: {  	_ =	shalt  }
0x51: {  	_ =	shalt  }
0x52: {  	_ =	shalt  }
0x53: {  	_ =	shalt  }
0x54: {  	_ =	shalt  }
0x55: {  	_ =	shalt  }
0x56: {  	_ =	shalt  }
0x57: {  	_ =	shalt  }
0x58: {  	_ =	shalt  }
0x59: {  	_ =	shalt  }
0x5a: {  	_ =	shalt  }
0x5b: {  	_ =	shalt  }
0x5c: {  	_ =	shalt  }
0x5d: {  	_ =	shalt  }
0x5e: {  	_ =	shalt  }
0x5f: {  	_ =	shalt  }
0x60: {  	_ =	shalt  }
0x61: {  	_ =	shalt  }
0x62: {  	_ =	shalt  }
0x63: {  	_ =	shalt  }
0x64: {  	_ =	shalt  }
0x65: {  	_ =	shalt  }
0x66: {  	_ =	shalt  }
0x67: {  	_ =	shalt  }
0x68: {  	_ =	shalt  }
0x69: {  	_ =	shalt  }
0x6a: {  	_ =	shalt  }
0x6b: {  	_ =	shalt  }
0x6c: {  	_ =	shalt  }
0x6d: {  	_ =	shalt  }
0x6e: {  	_ =	shalt  }
0x6f: {  	_ =	shalt  }
0x70: {  	_ =	shalt  }
0x71: {  	_ =	shalt  }
0x72: {  	_ =	shalt  }
0x73: {  	_ =	shalt  }
0x74: {  	_ =	shalt  }
0x75: {  	_ =	shalt  }
0x76: {  	_ =	shalt  }
0x77: {  	_ =	shalt  }
0x78: {  	_ =	shalt  }
0x79: {  	_ =	shalt  }
0x7a: {  	_ =	shalt  }
0x7b: {  	_ =	shalt  }
0x7c: {  	_ =	shalt  }
0x7d: {  	_ =	shalt  }
0x7e: {  	_ =	shalt  }
0x7f: {  	_ =	shalt  }
0x80: {  	_ =	shalt  }
0x81: {  	_ =	shalt  }
0x82: {  	_ =	shalt  }
0x83: {  	_ =	shalt  }
0x84: {  	_ =	shalt  }
0x85: {  	_ =	shalt  }
0x86: {  	_ =	shalt  }
0x87: {  	_ =	shalt  }
.Lfunc_end0:
.L_simem_size_0:
called_computation.2_lowered:
.L_overlay_start_0:
0x88: {  	s2 =	sld [smem:$0x3FD9]  }
0x89: {  	s3 =	sld [smem:$0x3FFE];
	_ =	sdelay $0x1  }
0x8a: {  	s1 =	srdreg.scid  }
0x8b: {  	s0 =	sand.u32 $0x1, s1  }
0x8c: {  	s17 =	sshll.u32 s0, $0xA;
	s2 =	sadd.s32 s3, s2  }
0x8d: {  	s2 =	sadd.s32 s2, s17  }
0x8e: {  	[smem:$0x3FC5] =	sst s2  }
0x8f: {  	_ = 	snop  }
0x90: {  	s2 =	sld [smem:$0x3FD0];
	(tm) =	ssettm $0x1  }
0x91: {  	s18 =	sld [smem:$0x3FFB];
	_ =	sdelay $0x3  }
0x92: {  	_ =	strace s18  }
0x93: {  	s3 =	sld [smem:$0x3FFC];
	_ =	sdelay $0x3  }
0x94: {  	_ =	strace s3  }
0x95: {  	s3 =	sld [smem:$0x3FFD];
	_ =	sdelay $0x3  }
0x96: {  	_ =	strace s3  }
0x97: {  	_ =	strace $0x8FFFFFFF  }
0x98: {  	s19 =	sld [smem:$0x3FDB];
	_ =	sdelay $0x1  }
0x99: {  	s4 =	simm.s32 $_scs_section_size  }
0x9a: {  	s5 =	simm.s32 $_size__tile_overlayer_lowered;
	s6 =	simm.s32 $_tile_overlayer_lowered  }
0x9b: {  	s22 =	simm.s32 $0x1BFF;
	s21 =	sshll.u32 s6, $0x1;
	s3 =	sadd.s32 s4, s19  }
0x9c: {  	s7 =	simm.s32 $0x0;
	s20 =	sshll.u32 s5, $0x1;
	s5 =	sadd.s32 s21, s3  }
0x9d: {  	[timem:s7], [sflag:s22] =	dma.local [hbm:s5], s20  }
0x9e: {  	_ =	swait.ge [sflag:s22], s20  }
0x9f: {  	s4 =	ssub.s32 $0x0, s20;
	[sflag:s22] =	ssyncset.done $0x0  }
0xa0: {  	[sflag:s22] =	ssyncadd.s32 s4;
	_ =	sdelay $0x1  }
0xa1: {  	s23 =	simm.s32 $0x1B8B  }
0xa2: {  	_ =	swait.ge [sflag:s23], $0x1  }
0xa3: {  	[sflag:s23] =	ssyncset.done $0x0  }
0xa4: {  	s25 =	simm.s32 $0x1B8E;
	s24 =	sld [smem:$0x3FFE];
	[sflag:s23] =	ssyncadd.s32 $0xFFFFFFFF  }
0xa5: {  	s26 =	simm.s32 $execute0_lowered;
	[smem:$0x3FD2] =	sst s25  }
0xa6: {  	s5 =	sshll.u32 s26, $0x1;
	_ =	strace $0x8000004C;
	[dreg:$0x1] =	wrdreg $0xFFFFFFFF  }
0xa7: {  	s28 =	simm.s32 $_size_execute0_lowered;
	s3 =	sadd.s32 s3, s5;
	[dreg:$0x0] =	wrdreg $0x0  }
0xa8: {  	s5 =	sshll.u32 s28, $0x1;
	[dreg:$0x2] =	wrdreg s3  }
0xa9: {  	[dreg:$0x3] =	wrdreg s5  }
0xaa: {  	[dreg:$0x4] =	wrdreg $0xC0  }
0xab: {  	_ =	task [dreg:s7], $0x5FFFF  }
0xac: {  	[dreg:$0x1] =	wrdreg $0xFFFFFFFF  }
0xad: {  	[dreg:$0x0] =	wrdreg $0x60  }
0xae: {  	[dreg:$0x2] =	wrdreg s24  }
0xaf: {  	[dreg:$0x3] =	wrdreg s2  }
0xb0: {  	[dreg:$0x4] =	wrdreg $0xC6200  }
0xb1: {  	[dreg:$0x5] =	wrdreg $0x9  }
0xb2: {  	_ =	task.clear_ibuf [dreg:s7], $0x6FFFF;
	_ =	strace $0x9000004C  }
0xb3: {  	s29 =	simm.s32 $0x9;
	_ =	strace $0x8000004E  }
0xb4: {  	_ =	swait.ge [sflag:s29], $0x1  }
0xb5: {  	[sflag:s29] =	ssyncadd.s32 $0xFFFFFFFF  }
0xb6: {  	_ =	strace $0x9000004E  }
0xb7: {  	_ =	sfence  }
0xb8: {  	s30 =	sld [smem:$0x0];
	_ =	sdelay $0x2  }
0xb9: {  	s31 =	sshll.u32 s1, $0xD;
	s1 =	sshrl.u32 s1, $0x2  }
0xba: {  	s3 =	sand.u32 $0x4000, s31;
	s1 =	sadd.s32 s1, s30  }
0xbb: {  	s0 =	sor.u32 s3, s0;
	s1 =	sshll.u32 s1, $0x11  }
0xbc: {  	s0 =	sor.u32 s1, s0  }
0xbd: {  	s0 =	sadd.s32 $0x8F2B, s0  }
0xbe: {  	[sflag:s0] =	ssyncadd.remote.s32 $0x1  }
0xbf: {  	_ =	sfence.sel $0xFFFF  }
0xc0: {  	[dreg:$0x0] =	wrdreg $0xFFFFFFFF;
	(pc) =	sbr.abs _section_cstart, $3  }
0xc1: {  	[dreg:$0x1] =	wrdreg $0xFFFFFFFF  }
0xc2: {  	_ =	task.clear_ibuf [dreg:s7], $0x2FFFF;
	_ =	strace $0x9FFFFFFF  }
0xc3: {  	(tm) =	ssettm $0x7FFFFFFF  }
tec
execute0_lowered:
.L_overlay_start_1:
0x0: {  	(tag) =	ssettag $0x1  }
0x1: {  	s0 =	srdreg.scid;
	s1 =	rddreg [dreg:$0x0]  }
0x2: {  	s3 =	rddreg [dreg:$0x1];
	s9 =	stileid.u32  }
0x3: {  	s2 =	rddreg [dreg:$0x2];
	s6 =	simm.s32 $0x0;
	s0 =	sand.u32 $0x1, s0  }
0x4: {  	[smem:$0x7FF] =	sst s6;
	s7 =	smul.u32 $0x13880, s9;
	s4 =	sshll.u32 s0, $0x4  }
0x5: {  	s26 =	smul.u32 $0x138800, s0;
	s0 =	ssub.s32 $0x2, s0;
	s4 =	sor.u32 s9, s4  }
0x6: {  	_ =	strace $0x8000004D;
	s8 =	sshrl.u32 s0, $0x1;
	s5 =	smul.u32 $0x4E2, s4  }
0x7: {  	s9 =	smul.u32 $0x4E200, s9;
	s4 =	sadd.s32 $0xB2200, s1;
	s0 =	ssub.s32 s0, s8  }
0x8: {  	s8 =	sadd.s32 s7, s26;
	s0 =	smax.u32 s0, $0x1;
	s1 =	sadd.s32 s5, s1  }
0x9: {  	s11 =	sshrl.u32 s9, $0x2;
	[dreg:$0x7] =	wrdreg s0;
	s10 =	sadd.s32 $0x2200, s1  }
0xa: {  	s5 =	sshrl.u32 s8, $0x3;
	s1 =	sadd.s32 $0xC000, s1;
	[dreg:$0x4] =	wrdreg s10  }
0xb: {  	s8 =	sadd.s32 s11, s2;
	s12 =	sadd.s32 s3, s5;
	[dreg:$0x5] =	wrdreg s1  }
0xc: {  	s14 =	sadd.s32 $0xC80, s8;
	[dreg:$0x6] =	wrdreg s12  }
0xd: {  	s15 =	sadd.s32 $0x1900, s8;
	[dreg:$0x8] =	wrdreg s14  }
0xe: {  	s6 =	simm.s32 $0x4E20;
	s16 =	sadd.s32 $0x2580, s8;
	[dreg:$0x9] =	wrdreg s15  }
0xf: {  	s13 =	sadd.s32 s7, s2;
	s17 =	sadd.s32 $0x3200, s8;
	[dreg:$0xa] =	wrdreg s16  }
0x10: {  	s7 =	simm.s32 $0x7;
	s18 =	sadd.s32 $0x3E80, s8;
	[dreg:$0xb] =	wrdreg s17  }
0x11: {  	s9 =	simm.s32 $0x50;
	s19 =	sadd.s32 $0x4B00, s8;
	[dreg:$0xc] =	wrdreg s18  }
0x12: {  	s11 =	simm.s32 $0x9E20;
	s20 =	sadd.s32 $0x5780, s8;
	[dreg:$0xd] =	wrdreg s19  }
0x13: {  	s21 =	sadd.s32 $0x6400, s8;
	s22 =	sadd.s32 $0x7080, s8;
	[dreg:$0xe] =	wrdreg s20  }
0x14: {  	s23 =	sadd.s32 $0x7D00, s8;
	s24 =	sadd.s32 $0x8980, s8;
	[dreg:$0xf] =	wrdreg s21  }
0x15: {  	s25 =	sadd.s32 $0x9600, s8;
	s26 =	sadd.s32 $0xA280, s8;
	[dreg:$0x10] =	wrdreg s22  }
0x16: {  	s28 =	sadd.s32 $0xD480, s8;
	s29 =	sadd.s32 $0xE100, s8;
	[dreg:$0x11] =	wrdreg s23  }
0x17: {  	s30 =	sadd.s32 $0xED80, s8;
	s31 =	sadd.s32 $0xFA00, s8;
	[dreg:$0x12] =	wrdreg s24  }
0x18: {  	s0 =	sadd.s32 $0x11300, s8;
	s3 =	sadd.s32 $0x11F80, s8;
	[dreg:$0x13] =	wrdreg s25  }
0x19: {  	s5 =	sadd.s32 $0x12C00, s8;
	[dreg:$0x14] =	wrdreg s26;
	s23 =	sadd.s32 $0xAF00, s8  }
0x1a: {  	s24 =	sadd.s32 $0xBB80, s8;
	s25 =	sshrl.u32 s13, $0x3;
	s26 =	sadd.s32 $0xC800, s8  }
0x1b: {  	s1 =	sadd.s32 $0x10680, s8;
	s10 =	simm.s32 $0x7620;
	s12 =	simm.s32 $0x4  }
0x1c: {  	s13 =	simm.s32 $0x1;
	s14 =	simm.s32 $0x2;
	s15 =	simm.s32 $0x5  }
0x1d: {  	v0 =	vimm.f32 $0.0e+00;
	s16 =	simm.s32 $0x3;
	s17 =	simm.s32 $0x6;
	s18 =	simm.s32 $0x0  }
.LBB2_1:
0x1e: {  	s20 =	simm.s32 $0x0  }
0x1f: {  	s19 =	sand.u32 $0x3E00, s20  }
0x20: {  	s20 =	sand.u32 $0x70, s20;
	s21 =	sshrl.u32 s19, $0x2  }
0x21: {  	s19 =	simm.s32 $0x40;
	s21 =	sor.u32 s20, s21;
	s20 =	simm.s32 $0x0  }
.LBB2_2:
0x22: {  	p0 =	sne.s32 s19, $0x31C0  }
0x23: {  	[tilespmem:s21+$0x4E20] =	vst v0;
	s20 =	sadd.s32 $0x10, s20;
	s21 =	smov.u32 s19;
	s19 =	sadd.s32 $0x40, s19  }
.Ltmp0:
0x24: {  	(pc) =	sbr.rel @p0 .LBB2_2-.Ltmp0, $4  }
0x25: {  	_ = 	snop  }
0x26: {  	s21 =	sand.u32 $0x3E00, s21  }
0x27: {  	s22 =	sand.u32 $0x70, s20;
	s21 =	sshrl.u32 s21, $0x2  }
0x28: {  	s21 =	sor.u32 s22, s21  }
0x29: {  	[tilespmem:s21+$0x4E20] =	vst v0  }
0x2a: {  	[spmem:s8] =	stream.linear.scatter [tilespmem:s6], [sflag:$0x4], $0xC80, $0x38;
	[tilespmem:$0x1FEA0] =	vst v63  }
0x2b: {  	s19 =	rddreg [dreg:$0x8]  }
0x2c: {  	[spmem:s19] =	stream.linear.scatter [tilespmem:s6], [sflag:$0x4], $0xC80, $0x38;
	[tilespmem:$0x1FEA0] =	vst v63  }
0x2d: {  	s21 =	rddreg [dreg:$0x9]  }
0x2e: {  	[spmem:s21] =	stream.linear.scatter [tilespmem:s6], [sflag:$0x4], $0xC80, $0x38;
	[tilespmem:$0x1FEA0] =	vst v63  }
0x2f: {  	s22 =	rddreg [dreg:$0xa]  }
0x30: {  	[spmem:s22] =	stream.linear.scatter [tilespmem:s6], [sflag:$0x4], $0xC80, $0x38;
	[tilespmem:$0x1FEA0] =	vst v63  }
0x31: {  	s20 =	rddreg [dreg:$0xb]  }
0x32: {  	[spmem:s20] =	stream.linear.scatter [tilespmem:s6], [sflag:$0x4], $0xC80, $0x38;
	[tilespmem:$0x1FEA0] =	vst v63  }
0x33: {  	s21 =	rddreg [dreg:$0xc]  }
0x34: {  	[spmem:s21] =	stream.linear.scatter [tilespmem:s6], [sflag:$0x4], $0xC80, $0x38;
	[tilespmem:$0x1FEA0] =	vst v63  }
0x35: {  	s22 =	rddreg [dreg:$0xd]  }
0x36: {  	[spmem:s22] =	stream.linear.scatter [tilespmem:s6], [sflag:$0x4], $0xC80, $0x38;
	[tilespmem:$0x1FEA0] =	vst v63  }
0x37: {  	s20 =	rddreg [dreg:$0xe]  }
0x38: {  	[spmem:s20] =	stream.linear.scatter [tilespmem:s6], [sflag:$0x4], $0xC80, $0x38;
	[tilespmem:$0x1FEA0] =	vst v63  }
0x39: {  	s21 =	rddreg [dreg:$0xf]  }
0x3a: {  	[spmem:s21] =	stream.linear.scatter [tilespmem:s6], [sflag:$0x4], $0xC80, $0x38;
	[tilespmem:$0x1FEA0] =	vst v63  }
0x3b: {  	s22 =	rddreg [dreg:$0x10]  }
0x3c: {  	[spmem:s22] =	stream.linear.scatter [tilespmem:s6], [sflag:$0x4], $0xC80, $0x38;
	[tilespmem:$0x1FEA0] =	vst v63  }
0x3d: {  	s20 =	rddreg [dreg:$0x11]  }
0x3e: {  	[spmem:s20] =	stream.linear.scatter [tilespmem:s6], [sflag:$0x4], $0xC80, $0x38;
	[tilespmem:$0x1FEA0] =	vst v63  }
0x3f: {  	s21 =	rddreg [dreg:$0x12]  }
0x40: {  	[spmem:s21] =	stream.linear.scatter [tilespmem:s6], [sflag:$0x4], $0xC80, $0x38;
	[tilespmem:$0x1FEA0] =	vst v63  }
0x41: {  	s22 =	rddreg [dreg:$0x13]  }
0x42: {  	[spmem:s22] =	stream.linear.scatter [tilespmem:s6], [sflag:$0x4], $0xC80, $0x38;
	[tilespmem:$0x1FEA0] =	vst v63  }
0x43: {  	s20 =	rddreg [dreg:$0x14]  }
0x44: {  	[spmem:s20] =	stream.linear.scatter [tilespmem:s6], [sflag:$0x4], $0xC80, $0x38;
	[tilespmem:$0x1FEA0] =	vst v63  }
0x45: {  	_ = 	snop  }
0x46: {  	[spmem:s23] =	stream.linear.scatter [tilespmem:s6], [sflag:$0x4], $0xC80, $0x38;
	[tilespmem:$0x1FEA0] =	vst v63  }
0x47: {  	_ = 	snop  }
0x48: {  	[spmem:s24] =	stream.linear.scatter [tilespmem:s6], [sflag:$0x4], $0xC80, $0x38;
	[tilespmem:$0x1FEA0] =	vst v63  }
0x49: {  	_ = 	snop  }
0x4a: {  	[spmem:s26] =	stream.linear.scatter [tilespmem:s6], [sflag:$0x4], $0xC80, $0x38;
	[tilespmem:$0x1FEA0] =	vst v63  }
0x4b: {  	_ = 	snop  }
0x4c: {  	[spmem:s28] =	stream.linear.scatter [tilespmem:s6], [sflag:$0x4], $0xC80, $0x38;
	[tilespmem:$0x1FEA0] =	vst v63  }
0x4d: {  	_ = 	snop  }
0x4e: {  	[spmem:s29] =	stream.linear.scatter [tilespmem:s6], [sflag:$0x4], $0xC80, $0x38;
	[tilespmem:$0x1FEA0] =	vst v63  }
0x4f: {  	_ = 	snop  }
0x50: {  	[spmem:s30] =	stream.linear.scatter [tilespmem:s6], [sflag:$0x4], $0xC80, $0x38;
	[tilespmem:$0x1FEA0] =	vst v63  }
0x51: {  	_ = 	snop  }
0x52: {  	[spmem:s31] =	stream.linear.scatter [tilespmem:s6], [sflag:$0x4], $0xC80, $0x38;
	[tilespmem:$0x1FEA0] =	vst v63  }
0x53: {  	_ = 	snop  }
0x54: {  	[spmem:s1] =	stream.linear.scatter [tilespmem:s6], [sflag:$0x4], $0xC80, $0x38;
	[tilespmem:$0x1FEA0] =	vst v63  }
0x55: {  	_ = 	snop  }
0x56: {  	[spmem:s0] =	stream.linear.scatter [tilespmem:s6], [sflag:$0x4], $0xC80, $0x38;
	[tilespmem:$0x1FEA0] =	vst v63  }
0x57: {  	_ = 	snop  }
0x58: {  	[spmem:s3] =	stream.linear.scatter [tilespmem:s6], [sflag:$0x4], $0xC80, $0x38;
	[tilespmem:$0x1FEA0] =	vst v63  }
0x59: {  	_ = 	snop  }
0x5a: {  	[spmem:s5] =	stream.linear.scatter [tilespmem:s6], [sflag:$0x4], $0xC80, $0x38;
	[tilespmem:$0x1FEA0] =	vst v63  }
0x5b: {  	s19 =	simm.s32 $0x0;
	s20 =	rddreg [dreg:$0x4]  }
0x5c: {  	[tilespmem:s19], [sflag:$0x7] =	stream.linear.gather [hbm4b:s20+s19], $0x2710, $0x38;
	[tilespmem:$0x1FEA0] =	vst v63  }
0x5d: {  	_ =	swait.ge [sflag:s7], $0x2710  }
0x5e: {  	[sflag:s7] =	ssyncset.done $0x0  }
0x5f: {  	s22 =	simm.s32 $0x2710;
	s21 =	rddreg [dreg:$0x5];
	[sflag:s7] =	ssyncadd.s32 $0xFFFFD8F0  }
0x60: {  	[tilespmem:s22], [sflag:$0x7] =	stream.linear.gather [hbm4b:s21+s19], $0x2710, $0x38;
	[tilespmem:$0x1FEA0] =	vst v63  }
0x61: {  	_ =	swait.ge [sflag:s7], $0x2710  }
0x62: {  	[sflag:s7] =	ssyncset.done $0x0  }
0x63: {  	[sflag:s7] =	ssyncadd.s32 $0xFFFFD8F0  }
0x64: {  	[tilespmem:s10], [sflag:$0x2] =	stream.indirect.gather [hbm4b:s4+s9], $0x80, s9, s9, $0xb8;
	[tilespmem:$0x1FEA0] =	vst v63  }
0x65: {  	s22 =	simm.s32 $0xA0  }
0x66: {  	[tilespmem:s11], [sflag:$0x3] =	stream.indirect.gather [hbm4b:s4+s9], $0x80, s22, s9, $0xb8;
	[tilespmem:$0x1FEA0] =	vst v63  }
0x67: {  	_ =	swait.ge [sflag:s12], $0xC80  }
0x68: {  	[sflag:s12] =	ssyncset.done $0x0  }
0x69: {  	[sflag:s12] =	ssyncadd.s32 $0xFFFFF380  }
0x6a: {  	_ =	swait.ge [sflag:s12], $0xC80  }
0x6b: {  	[sflag:s12] =	ssyncset.done $0x0  }
0x6c: {  	[sflag:s12] =	ssyncadd.s32 $0xFFFFF380  }
0x6d: {  	_ =	swait.ge [sflag:s12], $0xC80  }
0x6e: {  	[sflag:s12] =	ssyncset.done $0x0  }
0x6f: {  	[sflag:s12] =	ssyncadd.s32 $0xFFFFF380  }
0x70: {  	_ =	swait.ge [sflag:s12], $0xC80  }
0x71: {  	[sflag:s12] =	ssyncset.done $0x0  }
0x72: {  	[sflag:s12] =	ssyncadd.s32 $0xFFFFF380  }
0x73: {  	_ =	swait.ge [sflag:s12], $0xC80  }
0x74: {  	[sflag:s12] =	ssyncset.done $0x0  }
0x75: {  	[sflag:s12] =	ssyncadd.s32 $0xFFFFF380  }
0x76: {  	_ =	swait.ge [sflag:s12], $0xC80  }
0x77: {  	[sflag:s12] =	ssyncset.done $0x0  }
0x78: {  	[sflag:s12] =	ssyncadd.s32 $0xFFFFF380  }
0x79: {  	_ =	swait.ge [sflag:s12], $0xC80  }
0x7a: {  	[sflag:s12] =	ssyncset.done $0x0  }
0x7b: {  	[sflag:s12] =	ssyncadd.s32 $0xFFFFF380  }
0x7c: {  	_ =	swait.ge [sflag:s12], $0xC80  }
0x7d: {  	[sflag:s12] =	ssyncset.done $0x0  }
0x7e: {  	[sflag:s12] =	ssyncadd.s32 $0xFFFFF380  }
0x7f: {  	_ =	swait.ge [sflag:s12], $0xC80  }
0x80: {  	[sflag:s12] =	ssyncset.done $0x0  }
0x81: {  	[sflag:s12] =	ssyncadd.s32 $0xFFFFF380  }
0x82: {  	_ =	swait.ge [sflag:s12], $0xC80  }
0x83: {  	[sflag:s12] =	ssyncset.done $0x0  }
0x84: {  	[sflag:s12] =	ssyncadd.s32 $0xFFFFF380  }
0x85: {  	_ =	swait.ge [sflag:s12], $0xC80  }
0x86: {  	[sflag:s12] =	ssyncset.done $0x0  }
0x87: {  	[sflag:s12] =	ssyncadd.s32 $0xFFFFF380  }
0x88: {  	_ =	swait.ge [sflag:s12], $0xC80  }
0x89: {  	[sflag:s12] =	ssyncset.done $0x0  }
0x8a: {  	[sflag:s12] =	ssyncadd.s32 $0xFFFFF380  }
0x8b: {  	_ =	swait.ge [sflag:s12], $0xC80  }
0x8c: {  	[sflag:s12] =	ssyncset.done $0x0  }
0x8d: {  	[sflag:s12] =	ssyncadd.s32 $0xFFFFF380  }
0x8e: {  	_ =	swait.ge [sflag:s12], $0xC80  }
0x8f: {  	[sflag:s12] =	ssyncset.done $0x0  }
0x90: {  	[sflag:s12] =	ssyncadd.s32 $0xFFFFF380  }
0x91: {  	_ =	swait.ge [sflag:s12], $0xC80  }
0x92: {  	[sflag:s12] =	ssyncset.done $0x0  }
0x93: {  	[sflag:s12] =	ssyncadd.s32 $0xFFFFF380  }
0x94: {  	_ =	swait.ge [sflag:s12], $0xC80  }
0x95: {  	[sflag:s12] =	ssyncset.done $0x0  }
0x96: {  	[sflag:s12] =	ssyncadd.s32 $0xFFFFF380  }
0x97: {  	_ =	swait.ge [sflag:s12], $0xC80  }
0x98: {  	[sflag:s12] =	ssyncset.done $0x0  }
0x99: {  	[sflag:s12] =	ssyncadd.s32 $0xFFFFF380  }
0x9a: {  	_ =	swait.ge [sflag:s12], $0xC80  }
0x9b: {  	[sflag:s12] =	ssyncset.done $0x0  }
0x9c: {  	[sflag:s12] =	ssyncadd.s32 $0xFFFFF380  }
0x9d: {  	_ =	swait.ge [sflag:s12], $0xC80  }
0x9e: {  	[sflag:s12] =	ssyncset.done $0x0  }
0x9f: {  	[sflag:s12] =	ssyncadd.s32 $0xFFFFF380  }
0xa0: {  	_ =	swait.ge [sflag:s12], $0xC80  }
0xa1: {  	[sflag:s12] =	ssyncset.done $0x0  }
0xa2: {  	[sflag:s12] =	ssyncadd.s32 $0xFFFFF380  }
0xa3: {  	_ =	swait.ge [sflag:s12], $0xC80  }
0xa4: {  	[sflag:s12] =	ssyncset.done $0x0  }
0xa5: {  	[sflag:s12] =	ssyncadd.s32 $0xFFFFF380  }
0xa6: {  	_ =	swait.ge [sflag:s12], $0xC80  }
0xa7: {  	[sflag:s12] =	ssyncset.done $0x0  }
0xa8: {  	[sflag:s12] =	ssyncadd.s32 $0xFFFFF380  }
0xa9: {  	_ =	swait.ge [sflag:s12], $0xC80  }
0xaa: {  	[sflag:s12] =	ssyncset.done $0x0  }
0xab: {  	[sflag:s12] =	ssyncadd.s32 $0xFFFFF380  }
0xac: {  	_ =	swait.ge [sflag:s12], $0xC80  }
0xad: {  	[sflag:s12] =	ssyncset.done $0x0  }
0xae: {  	[sflag:s12] =	ssyncadd.s32 $0xFFFFF380  }
0xaf: {  	_ =	swait.ge [sflag:s12], $0xC80  }
0xb0: {  	[sflag:s12] =	ssyncset.done $0x0  }
0xb1: {  	[sflag:s12] =	ssyncadd.s32 $0xFFFFF380  }
0xb2: {  	[tilespmem:s6], [sflag:$0x1] =	stream.indirect.gather [hbm4b:s4+s9], $0x80, s19, s9, $0xb8;
	[tilespmem:$0x1FEA0] =	vst v63  }
0xb3: {  	[bflag:$0x0] =	sbarrier.arrive $0xFFFF  }
0xb4: {  	_ =	swait.ge [sflag:s13], $0x2800  }
0xb5: {  	[sflag:s13] =	ssyncset.done $0x0  }
0xb6: {  	s21 =	simm.s32 $0x2710;
	[sflag:s13] =	ssyncadd.s32 $0xFFFFD800  }
0xb7: {  	[spmem:s2] =	stream.indirect.scatter.add.f32 [tilespmem:s6], [sflag:$0x4], $0x80, s21, s9, $0xb8;
	[tilespmem:$0x1FEA0] =	vst v63  }
0xb8: {  	_ =	swait.ge [sflag:s12], $0x2800  }
0xb9: {  	[sflag:s12] =	ssyncset.done $0x0  }
0xba: {  	s22 =	simm.s32 $0xF0;
	[sflag:s12] =	ssyncadd.s32 $0xFFFFD800  }
0xbb: {  	[tilespmem:s6], [sflag:$0x1] =	stream.indirect.gather [hbm4b:s4+s9], $0x80, s22, s9, $0xb8;
	[tilespmem:$0x1FEA0] =	vst v63  }
0xbc: {  	_ =	swait.ge [sflag:s14], $0x2800  }
0xbd: {  	[sflag:s14] =	ssyncset.done $0x0  }
0xbe: {  	s20 =	simm.s32 $0x2760;
	[sflag:s14] =	ssyncadd.s32 $0xFFFFD800  }
0xbf: {  	[spmem:s2] =	stream.indirect.scatter.add.f32 [tilespmem:s10], [sflag:$0x5], $0x80, s20, s9, $0xb8;
	[tilespmem:$0x1FEA0] =	vst v63  }
0xc0: {  	_ =	swait.ge [sflag:s15], $0x2800  }
0xc1: {  	[sflag:s15] =	ssyncset.done $0x0  }
0xc2: {  	s21 =	simm.s32 $0x140;
	[sflag:s15] =	ssyncadd.s32 $0xFFFFD800  }
0xc3: {  	[tilespmem:s10], [sflag:$0x2] =	stream.indirect.gather [hbm4b:s4+s9], $0x80, s21, s9, $0xb8;
	[tilespmem:$0x1FEA0] =	vst v63  }
0xc4: {  	_ =	swait.ge [sflag:s16], $0x2800  }
0xc5: {  	[sflag:s16] =	ssyncset.done $0x0  }
0xc6: {  	s22 =	simm.s32 $0x27B0;
	[sflag:s16] =	ssyncadd.s32 $0xFFFFD800  }
0xc7: {  	[spmem:s2] =	stream.indirect.scatter.add.f32 [tilespmem:s11], [sflag:$0x6], $0x80, s22, s9, $0xb8;
	[tilespmem:$0x1FEA0] =	vst v63  }
0xc8: {  	_ =	swait.ge [sflag:s17], $0x2800  }
0xc9: {  	[sflag:s17] =	ssyncset.done $0x0  }
0xca: {  	s19 =	simm.s32 $0x3C0;
	s20 =	simm.s32 $0x190;
	[sflag:s17] =	ssyncadd.s32 $0xFFFFD800  }
.LBB2_4:
0xcb: {  	[tilespmem:s11], [sflag:$0x3] =	stream.indirect.gather [hbm4b:s4+s9], $0x80, s20, s9, $0xb8;
	[tilespmem:$0x1FEA0] =	vst v63  }
0xcc: {  	s20 =	smov.u32 s19  }
0xcd: {  	p0 =	sne.s32 s19, $0x9240;
	s19 =	sadd.s32 $0x3C0, s19;
	_ =	swait.ge [sflag:s13], $0x2800  }
0xce: {  	s20 =	sshra.s32 s20, $0x2;
	[sflag:s13] =	ssyncset.done $0x0  }
0xcf: {  	s21 =	sadd.s32 $0x2710, s20;
	[sflag:s13] =	ssyncadd.s32 $0xFFFFD800  }
0xd0: {  	[spmem:s2] =	stream.indirect.scatter.add.f32 [tilespmem:s6], [sflag:$0x4], $0x80, s21, s9, $0xb8;
	[tilespmem:$0x1FEA0] =	vst v63  }
0xd1: {  	_ =	swait.ge [sflag:s12], $0x2800  }
0xd2: {  	[sflag:s12] =	ssyncset.done $0x0  }
0xd3: {  	s21 =	sadd.s32 $0xF0, s20;
	[sflag:s12] =	ssyncadd.s32 $0xFFFFD800  }
0xd4: {  	[tilespmem:s6], [sflag:$0x1] =	stream.indirect.gather [hbm4b:s4+s9], $0x80, s21, s9, $0xb8;
	[tilespmem:$0x1FEA0] =	vst v63  }
0xd5: {  	_ =	swait.ge [sflag:s14], $0x2800  }
0xd6: {  	[sflag:s14] =	ssyncset.done $0x0  }
0xd7: {  	s21 =	sadd.s32 $0x2760, s20;
	[sflag:s14] =	ssyncadd.s32 $0xFFFFD800  }
0xd8: {  	[spmem:s2] =	stream.indirect.scatter.add.f32 [tilespmem:s10], [sflag:$0x5], $0x80, s21, s9, $0xb8;
	[tilespmem:$0x1FEA0] =	vst v63  }
0xd9: {  	_ =	swait.ge [sflag:s15], $0x2800  }
0xda: {  	[sflag:s15] =	ssyncset.done $0x0  }
0xdb: {  	s21 =	sadd.s32 $0x140, s20;
	[sflag:s15] =	ssyncadd.s32 $0xFFFFD800  }
0xdc: {  	[tilespmem:s10], [sflag:$0x2] =	stream.indirect.gather [hbm4b:s4+s9], $0x80, s21, s9, $0xb8;
	[tilespmem:$0x1FEA0] =	vst v63  }
0xdd: {  	_ =	swait.ge [sflag:s16], $0x2800  }
0xde: {  	[sflag:s16] =	ssyncset.done $0x0  }
.Ltmp1:
0xdf: {  	s21 =	sadd.s32 $0x27B0, s20;
	[sflag:s16] =	ssyncadd.s32 $0xFFFFD800;
	(pc) =	sbr.rel @p0 .LBB2_4-.Ltmp1, $4  }
0xe0: {  	[spmem:s2] =	stream.indirect.scatter.add.f32 [tilespmem:s11], [sflag:$0x6], $0x80, s21, s9, $0xb8;
	[tilespmem:$0x1FEA0] =	vst v63  }
0xe1: {  	_ =	swait.ge [sflag:s17], $0x2800  }
0xe2: {  	[sflag:s17] =	ssyncset.done $0x0  }
0xe3: {  	s20 =	sadd.s32 $0x190, s20;
	[sflag:s17] =	ssyncadd.s32 $0xFFFFD800  }
0xe4: {  	[tilespmem:s11], [sflag:$0x3] =	stream.indirect.gather [hbm4b:s4+s9], $0x80, s20, s9, $0xb8;
	[tilespmem:$0x1FEA0] =	vst v63  }
0xe5: {  	_ =	swait.ge [sflag:s13], $0x2800  }
0xe6: {  	[sflag:s13] =	ssyncset.done $0x0  }
0xe7: {  	s19 =	simm.s32 $0x4C90;
	[sflag:s13] =	ssyncadd.s32 $0xFFFFD800  }
0xe8: {  	[spmem:s2] =	stream.indirect.scatter.add.f32 [tilespmem:s6], [sflag:$0x4], $0x80, s19, s9, $0xb8;
	[tilespmem:$0x1FEA0] =	vst v63  }
0xe9: {  	_ =	swait.ge [sflag:s12], $0x2800  }
0xea: {  	[sflag:s12] =	ssyncset.done $0x0  }
0xeb: {  	s20 =	simm.s32 $0x2670;
	[sflag:s12] =	ssyncadd.s32 $0xFFFFD800  }
0xec: {  	[tilespmem:s6], [sflag:$0x1] =	stream.indirect.gather [hbm4b:s4+s9], $0x80, s20, s9, $0xb8;
	[tilespmem:$0x1FEA0] =	vst v63  }
0xed: {  	_ =	swait.ge [sflag:s14], $0x2800  }
0xee: {  	[sflag:s14] =	ssyncset.done $0x0  }
0xef: {  	s21 =	simm.s32 $0x4CE0;
	[sflag:s14] =	ssyncadd.s32 $0xFFFFD800  }
0xf0: {  	[spmem:s2] =	stream.indirect.scatter.add.f32 [tilespmem:s10], [sflag:$0x5], $0x80, s21, s9, $0xb8;
	[tilespmem:$0x1FEA0] =	vst v63  }
0xf1: {  	_ =	swait.ge [sflag:s15], $0x2800  }
0xf2: {  	[sflag:s15] =	ssyncset.done $0x0  }
0xf3: {  	s22 =	simm.s32 $0x26C0;
	[sflag:s15] =	ssyncadd.s32 $0xFFFFD800  }
0xf4: {  	[tilespmem:s10], [sflag:$0x2] =	stream.indirect.gather [hbm4b:s4+s9], $0x80, s22, s9, $0xb8;
	[tilespmem:$0x1FEA0] =	vst v63  }
0xf5: {  	_ =	swait.ge [sflag:s16], $0x2800  }
0xf6: {  	[sflag:s16] =	ssyncset.done $0x0  }
0xf7: {  	s20 =	simm.s32 $0x4D30;
	[sflag:s16] =	ssyncadd.s32 $0xFFFFD800  }
0xf8: {  	[spmem:s2] =	stream.indirect.scatter.add.f32 [tilespmem:s11], [sflag:$0x6], $0x80, s20, s9, $0xb8;
	[tilespmem:$0x1FEA0] =	vst v63  }
0xf9: {  	_ =	swait.ge [sflag:s17], $0x2800  }
0xfa: {  	[sflag:s17] =	ssyncset.done $0x0  }
0xfb: {  	[sflag:s17] =	ssyncadd.s32 $0xFFFFD800  }
0xfc: {  	_ =	swait.ge [sflag:s13], $0x2800  }
0xfd: {  	[sflag:s13] =	ssyncset.done $0x0  }
0xfe: {  	s21 =	simm.s32 $0x4D80;
	[sflag:s13] =	ssyncadd.s32 $0xFFFFD800  }
0xff: {  	[spmem:s2] =	stream.indirect.scatter.add.f32 [tilespmem:s6], [sflag:$0x7], $0x80, s21, s9, $0xb8;
	[tilespmem:$0x1FEA0] =	vst v63  }
0x100: {  	_ =	swait.ge [sflag:s7], $0x2800  }
0x101: {  	[sflag:s7] =	ssyncset.done $0x0  }
0x102: {  	[sflag:s7] =	ssyncadd.s32 $0xFFFFD800  }
0x103: {  	_ =	swait.ge [sflag:s14], $0x2800  }
0x104: {  	[sflag:s14] =	ssyncset.done $0x0  }
0x105: {  	s22 =	simm.s32 $0x4DD0;
	[sflag:s14] =	ssyncadd.s32 $0xFFFFD800  }
0x106: {  	[spmem:s2] =	stream.indirect.scatter.add.f32 [tilespmem:s10], [sflag:$0x7], $0x80, s22, s9, $0xb8;
	[tilespmem:$0x1FEA0] =	vst v63  }
0x107: {  	_ =	swait.ge [sflag:s7], $0x2800  }
0x108: {  	[sflag:s7] =	ssyncset.done $0x0  }
0x109: {  	s20 =	stileid.u32;
	[sflag:s7] =	ssyncadd.s32 $0xFFFFD800  }
0x10a: {  	s19 =	sshll.u32 s20, $0x6;
	[bflag:$0x0] =	sbarrier.arrive $0xFFFF  }
0x10b: {  	s19 =	sor.u32 $0x1C07, s19;
	s21 =	rddreg [dreg:$0x6]  }
0x10c: {  	[hbm:s21], [sflag:s19] =	dma.local [spmem:s25], $0x2710  }
0x10d: {  	_ =	swait.ge [sflag:s7], $0x2710  }
0x10e: {  	s18 =	sadd.s32 $0x1, s18;
	s22 =	rddreg [dreg:$0x7]  }
0x10f: {  	p0 =	sne.s32 s18, s22  }
.Ltmp2:
0x110: {  	_ = 	snop;
	(pc) =	sbr.rel @p0 .LBB2_1-.Ltmp2, $3  }
0x111: {  	_ =	sdelay $0x1  }
0x112: {  	[sflag:s7] =	ssyncset.done $0x0  }
0x113: {  	[sflag:s7] =	ssyncadd.s32 $0xFFFFD8F0  }
0x114: {  	_ =	sfence.sel $0x180000  }
0x115: {  	[bflag:$0x0] =	sbarrier.arrive $0xFFFF  }
0x116: {  	_ =	strace $0x9000004D  }
0x117: {  	s0 =	stileid.u32;
	[bflag:$0x2] =	sbarrier.arrive $0xFFFF  }
0x118: {  	p0 =	sne.s32 s0, $0x0;
	s0 =	rddreg [dreg:$0x3]  }
0x119: {  	s0 =	sadd.s32 @!p0 $0x100000, s0  }
0x11a: {  	[sflag:s0] =	ssyncadd.tile.s32 @!p0 $0x1;
	_ =	shalt  }
.Lfunc_end2:
_tile_overlayer_lowered:
.L_overlay_start_2:
0x11b: {  	(tag) =	ssettag $0x2  }
0x11c: {  	s0 =	rddreg [dreg:$0x0];
	s2 =	stileid.u32  }
0x11d: {  	s1 =	rddreg [dreg:$0x1];
	p0 =	sne.s32 s2, $0x0  }
0x11e: {  	s3 =	rddreg [dreg:$0x2];
	[bflag:$0x3] =	sbarrier.arrive $0xFFFF;
	s2 =	simm.s32 @!p0 $0x1C07  }
0x11f: {  	[timem:s3], [sflag:s2] =	dma.local @!p0 [hbm:s0], s1  }
0x120: {  	s0 =	simm.s32 @!p0 $0x7  }
0x121: {  	_ =	swait.ge @!p0 [sflag:s0], s1  }
0x122: {  	s1 =	ssub.s32 @!p0 $0x0, s1;
	[sflag:s0] =	ssyncset.done @!p0 $0x0  }
0x123: {  	[sflag:s0] =	ssyncadd.s32 @!p0 s1  }
0x124: {  	[bflag:$0x3] =	sbarrier.arrive $0xFFFF  }
0x125: {  	_ =	shalt  }

// kernel: kernel.19.cloned.1.call-start
scs
__scs_entry_jumppad:
0x0: {  	(pc) =	sbr.rel $0x88, $3  }
0x1: {  	(tag) =	ssettag $0x0;
	lr =	simm.s32 $0x1  }
0x2: {  	[smem:$0x3F9E] =	sst lr;
	_ =	strace $0xD0000000  }
0x3: {  	_ = 	snop  }
0x4: {  	_ = 	snop  }
0x5: {  	_ = 	snop  }
0x6: {  	_ = 	snop  }
0x7: {  	_ = 	snop  }
__scs_overlays_trampoline_lowered:
0x8: {  	[smem:$0x3FAD] =	sst s0  }
0x9: {  	[smem:$0x3FAE] =	sst s1  }
0xa: {  	[smem:$0x3FAF] =	sst s2  }
0xb: {  	[smem:$0x3FB0] =	sst s3  }
0xc: {  	[smem:$0x3FB1] =	sst s4  }
0xd: {  	[smem:$0x3FB2] =	sst s5  }
0xe: {  	[smem:$0x3FB3] =	sst s6  }
0xf: {  	[smem:$0x3FB4] =	sst s7  }
0x10: {  	[smem:$0x3FB5] =	sst s8  }
0x11: {  	[smem:$0x3FB6] =	sst s9;
	s0 =	simm.s32 @!p0 $0x0  }
0x12: {  	s1 =	sld [smem:$0x3F9C];
	s0 =	simm.s32 @p0 $0x1  }
0x13: {  	[smem:$0x3FB7] =	sst s0;
	s0 =	simm.s32 @!p1 $0x0  }
0x14: {  	s2 =	sld [smem:$0x3F9B];
	s0 =	simm.s32 @p1 $0x1  }
0x15: {  	[smem:$0x3FB8] =	sst s0;
	s0 =	simm.s32 @!p2 $0x0  }
0x16: {  	s3 =	sld [smem:$0x3FDB];
	s0 =	simm.s32 @p2 $0x1  }
0x17: {  	s4 =	simm.s32 $0x1BF5;
	[smem:$0x3FBA] =	sst s0  }
0x18: {  	s0 =	sld [smem:$0x3F9D];
	_ =	swait.ge [sflag:s4], $0x0  }
0x19: {  	s7 =	sld [smem:$0x3F9E]  }
0x1a: {  	s8 =	sadd.s32 $0xFFFFE003, lr  }
0x1b: {  	s9 =	sadd.s32 $0xFFFFFEF7, lr;
	s5 =	simm.s32 $0xFFFFFFFF;
	p2 =	slt.u32 s8, $0xFFFFF086  }
0x1c: {  	p1 =	slt.u32 s9, $0xF7A;
	s5 =	simm.s32 @!p2 $0x0  }
0x1d: {  	s5 =	simm.s32 @p1 $0x1;
	p0 =	seq.s32 s7, s2  }
0x1e: {  	s7 =	smul.u32 @!p0 $0xF7A, s2;
	p2 =	seq.s32 @!p0 s5, $0x0  }
0x1f: {  	s9 =	smul.u32 $0xF7A, s1;
	s8 =	simm.s32 @!p0 $0x1BF5;
	p2 =	por !p2, p0  }
0x20: {  	[sflag:s8] =	ssyncset.s32 @!p0 $0xFFFFF086;
	s6 =	sadd.s32 @!p0 s3, s7;
	s7 =	simm.s32 @!p0 $0x108  }
0x21: {  	s3 =	sadd.s32 s3, s9;
	s6 =	sadd.s32 @!p0 $0x88, s6;
	s7 =	simm.s32 @p2 $0x1082  }
0x22: {  	[simem:s7], [sflag:s8] =	dma.local @!p0 [hbm:s6], $0xF7A  }
0x23: {  	s9 =	sor.u32 $0xD0000000, s2;
	s6 =	simm.s32 $0x108;
	_ =	swait.ge @!p0 [sflag:s8], $0x0  }
0x24: {  	s3 =	sadd.s32 $0x88, s3;
	s6 =	simm.s32 @!p1 $0x1082;
	[sflag:s4] =	ssyncset.s32 $0xFFFFF086  }
0x25: {  	[simem:s6], [sflag:s4] =	dma.local [hbm:s3], $0xF7A  }
0x26: {  	[smem:$0x3F9E] =	sst s1;
	(tag) =	ssettag s2;
	_ =	strace s9  }
0x27: {  	s1 =	sld [smem:$0x3FAE]  }
0x28: {  	s2 =	sld [smem:$0x3FAF]  }
0x29: {  	s4 =	sld [smem:$0x3FB1]  }
0x2a: {  	p0 =	seq.s32 s5, $0x0;
	s5 =	sld [smem:$0x3FB2]  }
0x2b: {  	s6 =	sld [smem:$0x3FB3]  }
0x2c: {  	s7 =	sld [smem:$0x3FB4]  }
0x2d: {  	s3 =	simm.s32 $0x108;
	s8 =	sld [smem:$0x3FB5]  }
0x2e: {  	s3 =	simm.s32 @!p0 $0x1082;
	s9 =	sld [smem:$0x3FB6]  }
0x2f: {  	lr =	sadd.s32 s0, s3;
	s0 =	sld [smem:$0x3FAD]  }
0x30: {  	s3 =	sld [smem:$0x3FB0]  }
0x31: {  	[smem:$0x3FB9] =	sst s10  }
0x32: {  	s10 =	sld [smem:$0x3FB7];
	_ =	sdelay $0x3  }
0x33: {  	p0 =	seq.s32 s10, $0x1;
	s10 =	sld [smem:$0x3FB9];
	_ =	sdelay $0x3  }
0x34: {  	[smem:$0x3FB9] =	sst s10  }
0x35: {  	s10 =	sld [smem:$0x3FB8];
	_ =	sdelay $0x3  }
0x36: {  	p1 =	seq.s32 s10, $0x1;
	s10 =	sld [smem:$0x3FB9];
	_ =	sdelay $0x3  }
0x37: {  	[smem:$0x3FB9] =	sst s10  }
0x38: {  	s10 =	sld [smem:$0x3FBA]  }
0x39: {  	_ = 	snop;
	(pc) =	sbr.ind lr, $3  }
0x3a: {  	_ = 	snop  }
0x3b: {  	_ = 	snop  }
0x3c: {  	p2 =	seq.s32 s10, $0x1;
	s10 =	sld [smem:$0x3FB9]  }
0x3d: {  	_ =	shalt  }
0x3e: {  	_ =	shalt  }
0x3f: {  	_ =	shalt  }
0x40: {  	_ =	shalt  }
0x41: {  	_ =	shalt  }
0x42: {  	_ =	shalt  }
0x43: {  	_ =	shalt  }
0x44: {  	_ =	shalt  }
0x45: {  	_ =	shalt  }
0x46: {  	_ =	shalt  }
0x47: {  	_ =	shalt  }
0x48: {  	_ =	shalt  }
0x49: {  	_ =	shalt  }
0x4a: {  	_ =	shalt  }
0x4b: {  	_ =	shalt  }
0x4c: {  	_ =	shalt  }
0x4d: {  	_ =	shalt  }
0x4e: {  	_ =	shalt  }
0x4f: {  	_ =	shalt  }
0x50: {  	_ =	shalt  }
0x51: {  	_ =	shalt  }
0x52: {  	_ =	shalt  }
0x53: {  	_ =	shalt  }
0x54: {  	_ =	shalt  }
0x55: {  	_ =	shalt  }
0x56: {  	_ =	shalt  }
0x57: {  	_ =	shalt  }
0x58: {  	_ =	shalt  }
0x59: {  	_ =	shalt  }
0x5a: {  	_ =	shalt  }
0x5b: {  	_ =	shalt  }
0x5c: {  	_ =	shalt  }
0x5d: {  	_ =	shalt  }
0x5e: {  	_ =	shalt  }
0x5f: {  	_ =	shalt  }
0x60: {  	_ =	shalt  }
0x61: {  	_ =	shalt  }
0x62: {  	_ =	shalt  }
0x63: {  	_ =	shalt  }
0x64: {  	_ =	shalt  }
0x65: {  	_ =	shalt  }
0x66: {  	_ =	shalt  }
0x67: {  	_ =	shalt  }
0x68: {  	_ =	shalt  }
0x69: {  	_ =	shalt  }
0x6a: {  	_ =	shalt  }
0x6b: {  	_ =	shalt  }
0x6c: {  	_ =	shalt  }
0x6d: {  	_ =	shalt  }
0x6e: {  	_ =	shalt  }
0x6f: {  	_ =	shalt  }
0x70: {  	_ =	shalt  }
0x71: {  	_ =	shalt  }
0x72: {  	_ =	shalt  }
0x73: {  	_ =	shalt  }
0x74: {  	_ =	shalt  }
0x75: {  	_ =	shalt  }
0x76: {  	_ =	shalt  }
0x77: {  	_ =	shalt  }
0x78: {  	_ =	shalt  }
0x79: {  	_ =	shalt  }
0x7a: {  	_ =	shalt  }
0x7b: {  	_ =	shalt  }
0x7c: {  	_ =	shalt  }
0x7d: {  	_ =	shalt  }
0x7e: {  	_ =	shalt  }
0x7f: {  	_ =	shalt  }
0x80: {  	_ =	shalt  }
0x81: {  	_ =	shalt  }
0x82: {  	_ =	shalt  }
0x83: {  	_ =	shalt  }
0x84: {  	_ =	shalt  }
0x85: {  	_ =	shalt  }
0x86: {  	_ =	shalt  }
0x87: {  	_ =	shalt  }
.Lfunc_end0:
.L_simem_size_0:
called_computation.3_lowered:
.L_overlay_start_0:
0x88: {  	s2 =	sld [smem:$0x3FD9]  }
0x89: {  	s3 =	sld [smem:$0x3FFE];
	_ =	sdelay $0x1  }
0x8a: {  	s1 =	srdreg.scid  }
0x8b: {  	s0 =	sand.u32 $0x1, s1  }
0x8c: {  	s17 =	sshll.u32 s0, $0xA;
	s2 =	sadd.s32 s3, s2  }
0x8d: {  	s2 =	sadd.s32 s2, s17  }
0x8e: {  	[smem:$0x3FC5] =	sst s2  }
0x8f: {  	_ = 	snop  }
0x90: {  	s2 =	sld [smem:$0x3FD0];
	(tm) =	ssettm $0x1  }
0x91: {  	s18 =	sld [smem:$0x3FFB];
	_ =	sdelay $0x3  }
0x92: {  	_ =	strace s18  }
0x93: {  	s3 =	sld [smem:$0x3FFC];
	_ =	sdelay $0x3  }
0x94: {  	_ =	strace s3  }
0x95: {  	s3 =	sld [smem:$0x3FFD];
	_ =	sdelay $0x3  }
0x96: {  	_ =	strace s3  }
0x97: {  	_ =	strace $0x8FFFFFFF  }
0x98: {  	s19 =	sld [smem:$0x3FDB];
	_ =	sdelay $0x1  }
0x99: {  	s4 =	simm.s32 $_scs_section_size  }
0x9a: {  	s5 =	simm.s32 $_size__tile_overlayer_lowered;
	s6 =	simm.s32 $_tile_overlayer_lowered  }
0x9b: {  	s22 =	simm.s32 $0x1BFF;
	s21 =	sshll.u32 s6, $0x1;
	s3 =	sadd.s32 s4, s19  }
0x9c: {  	s7 =	simm.s32 $0x0;
	s20 =	sshll.u32 s5, $0x1;
	s5 =	sadd.s32 s21, s3  }
0x9d: {  	[timem:s7], [sflag:s22] =	dma.local [hbm:s5], s20  }
0x9e: {  	_ =	swait.ge [sflag:s22], s20  }
0x9f: {  	s4 =	ssub.s32 $0x0, s20;
	[sflag:s22] =	ssyncset.done $0x0  }
0xa0: {  	[sflag:s22] =	ssyncadd.s32 s4;
	_ =	sdelay $0x1  }
0xa1: {  	s23 =	simm.s32 $0x1B8B  }
0xa2: {  	_ =	swait.ge [sflag:s23], $0x1  }
0xa3: {  	[sflag:s23] =	ssyncset.done $0x0  }
0xa4: {  	s25 =	simm.s32 $0x1B8E;
	s24 =	sld [smem:$0x3FFE];
	[sflag:s23] =	ssyncadd.s32 $0xFFFFFFFF  }
0xa5: {  	s26 =	simm.s32 $execute0_lowered;
	[smem:$0x3FD2] =	sst s25  }
0xa6: {  	s5 =	sshll.u32 s26, $0x1;
	_ =	strace $0x8000004F;
	[dreg:$0x1] =	wrdreg $0xFFFFFFFF  }
0xa7: {  	s28 =	simm.s32 $_size_execute0_lowered;
	s3 =	sadd.s32 s3, s5;
	[dreg:$0x0] =	wrdreg $0x0  }
0xa8: {  	s5 =	sshll.u32 s28, $0x1;
	[dreg:$0x2] =	wrdreg s3  }
0xa9: {  	[dreg:$0x3] =	wrdreg s5  }
0xaa: {  	[dreg:$0x4] =	wrdreg $0xC0  }
0xab: {  	_ =	task [dreg:s7], $0x5FFFF  }
0xac: {  	[dreg:$0x1] =	wrdreg $0xFFFFFFFF  }
0xad: {  	[dreg:$0x0] =	wrdreg $0x60  }
0xae: {  	[dreg:$0x2] =	wrdreg s24  }
0xaf: {  	[dreg:$0x3] =	wrdreg s2  }
0xb0: {  	[dreg:$0x4] =	wrdreg $0xC6200  }
0xb1: {  	[dreg:$0x5] =	wrdreg $0x9  }
0xb2: {  	_ =	task.clear_ibuf [dreg:s7], $0x6FFFF;
	_ =	strace $0x9000004F  }
0xb3: {  	s29 =	simm.s32 $0x9;
	_ =	strace $0x80000051  }
0xb4: {  	_ =	swait.ge [sflag:s29], $0x1  }
0xb5: {  	[sflag:s29] =	ssyncadd.s32 $0xFFFFFFFF  }
0xb6: {  	_ =	strace $0x90000051  }
0xb7: {  	_ =	sfence  }
0xb8: {  	s30 =	sld [smem:$0x0];
	_ =	sdelay $0x2  }
0xb9: {  	s31 =	sshll.u32 s1, $0xD;
	s1 =	sshrl.u32 s1, $0x2  }
0xba: {  	s3 =	sand.u32 $0x4000, s31;
	s1 =	sadd.s32 s1, s30  }
0xbb: {  	s0 =	sor.u32 s3, s0;
	s1 =	sshll.u32 s1, $0x11  }
0xbc: {  	s0 =	sor.u32 s1, s0  }
0xbd: {  	s0 =	sadd.s32 $0x8F2B, s0  }
0xbe: {  	[sflag:s0] =	ssyncadd.remote.s32 $0x1  }
0xbf: {  	_ =	sfence.sel $0xFFFF  }
0xc0: {  	[dreg:$0x0] =	wrdreg $0xFFFFFFFF;
	(pc) =	sbr.abs _section_cstart, $3  }
0xc1: {  	[dreg:$0x1] =	wrdreg $0xFFFFFFFF  }
0xc2: {  	_ =	task.clear_ibuf [dreg:s7], $0x2FFFF;
	_ =	strace $0x9FFFFFFF  }
0xc3: {  	(tm) =	ssettm $0x7FFFFFFF  }
tec
execute0_lowered:
.L_overlay_start_1:
0x0: {  	(tag) =	ssettag $0x1  }
0x1: {  	s0 =	srdreg.scid;
	s1 =	rddreg [dreg:$0x0]  }
0x2: {  	s3 =	rddreg [dreg:$0x1];
	s9 =	stileid.u32  }
0x3: {  	s2 =	rddreg [dreg:$0x2];
	s6 =	simm.s32 $0x0;
	s0 =	sand.u32 $0x1, s0  }
0x4: {  	[smem:$0x7FF] =	sst s6;
	s7 =	smul.u32 $0x13880, s9;
	s4 =	sshll.u32 s0, $0x4  }
0x5: {  	s26 =	smul.u32 $0x138800, s0;
	s0 =	ssub.s32 $0x2, s0;
	s4 =	sor.u32 s9, s4  }
0x6: {  	_ =	strace $0x80000050;
	s8 =	sshrl.u32 s0, $0x1;
	s5 =	smul.u32 $0x4E2, s4  }
0x7: {  	s9 =	smul.u32 $0x4E200, s9;
	s4 =	sadd.s32 $0xB2200, s1;
	s0 =	ssub.s32 s0, s8  }
0x8: {  	s8 =	sadd.s32 s7, s26;
	s0 =	smax.u32 s0, $0x1;
	s1 =	sadd.s32 s5, s1  }
0x9: {  	s11 =	sshrl.u32 s9, $0x2;
	[dreg:$0x7] =	wrdreg s0;
	s10 =	sadd.s32 $0x2200, s1  }
0xa: {  	s5 =	sshrl.u32 s8, $0x3;
	s1 =	sadd.s32 $0xC000, s1;
	[dreg:$0x4] =	wrdreg s10  }
0xb: {  	s8 =	sadd.s32 s11, s2;
	s12 =	sadd.s32 s3, s5;
	[dreg:$0x5] =	wrdreg s1  }
0xc: {  	s14 =	sadd.s32 $0xC80, s8;
	[dreg:$0x6] =	wrdreg s12  }
0xd: {  	s15 =	sadd.s32 $0x1900, s8;
	[dreg:$0x8] =	wrdreg s14  }
0xe: {  	s6 =	simm.s32 $0x4E20;
	s16 =	sadd.s32 $0x2580, s8;
	[dreg:$0x9] =	wrdreg s15  }
0xf: {  	s13 =	sadd.s32 s7, s2;
	s17 =	sadd.s32 $0x3200, s8;
	[dreg:$0xa] =	wrdreg s16  }
0x10: {  	s7 =	simm.s32 $0x7;
	s18 =	sadd.s32 $0x3E80, s8;
	[dreg:$0xb] =	wrdreg s17  }
0x11: {  	s9 =	simm.s32 $0x50;
	s19 =	sadd.s32 $0x4B00, s8;
	[dreg:$0xc] =	wrdreg s18  }
0x12: {  	s11 =	simm.s32 $0x9E20;
	s20 =	sadd.s32 $0x5780, s8;
	[dreg:$0xd] =	wrdreg s19  }
0x13: {  	s21 =	sadd.s32 $0x6400, s8;
	s22 =	sadd.s32 $0x7080, s8;
	[dreg:$0xe] =	wrdreg s20  }
0x14: {  	s23 =	sadd.s32 $0x7D00, s8;
	s24 =	sadd.s32 $0x8980, s8;
	[dreg:$0xf] =	wrdreg s21  }
0x15: {  	s25 =	sadd.s32 $0x9600, s8;
	s26 =	sadd.s32 $0xA280, s8;
	[dreg:$0x10] =	wrdreg s22  }
0x16: {  	s28 =	sadd.s32 $0xD480, s8;
	s29 =	sadd.s32 $0xE100, s8;
	[dreg:$0x11] =	wrdreg s23  }
0x17: {  	s30 =	sadd.s32 $0xED80, s8;
	s31 =	sadd.s32 $0xFA00, s8;
	[dreg:$0x12] =	wrdreg s24  }
0x18: {  	s0 =	sadd.s32 $0x11300, s8;
	s3 =	sadd.s32 $0x11F80, s8;
	[dreg:$0x13] =	wrdreg s25  }
0x19: {  	s5 =	sadd.s32 $0x12C00, s8;
	[dreg:$0x14] =	wrdreg s26;
	s23 =	sadd.s32 $0xAF00, s8  }
0x1a: {  	s24 =	sadd.s32 $0xBB80, s8;
	s25 =	sshrl.u32 s13, $0x3;
	s26 =	sadd.s32 $0xC800, s8  }
0x1b: {  	s1 =	sadd.s32 $0x10680, s8;
	s10 =	simm.s32 $0x7620;
	s12 =	simm.s32 $0x4  }
0x1c: {  	s13 =	simm.s32 $0x1;
	s14 =	simm.s32 $0x2;
	s15 =	simm.s32 $0x5  }
0x1d: {  	v0 =	vimm.f32 $0.0e+00;
	s16 =	simm.s32 $0x3;
	s17 =	simm.s32 $0x6;
	s18 =	simm.s32 $0x0  }
.LBB2_1:
0x1e: {  	s20 =	simm.s32 $0x0  }
0x1f: {  	s19 =	sand.u32 $0x3E00, s20  }
0x20: {  	s20 =	sand.u32 $0x70, s20;
	s21 =	sshrl.u32 s19, $0x2  }
0x21: {  	s19 =	simm.s32 $0x40;
	s21 =	sor.u32 s20, s21;
	s20 =	simm.s32 $0x0  }
.LBB2_2:
0x22: {  	p0 =	sne.s32 s19, $0x31C0  }
0x23: {  	[tilespmem:s21+$0x4E20] =	vst v0;
	s20 =	sadd.s32 $0x10, s20;
	s21 =	smov.u32 s19;
	s19 =	sadd.s32 $0x40, s19  }
.Ltmp0:
0x24: {  	(pc) =	sbr.rel @p0 .LBB2_2-.Ltmp0, $4  }
0x25: {  	_ = 	snop  }
0x26: {  	s21 =	sand.u32 $0x3E00, s21  }
0x27: {  	s22 =	sand.u32 $0x70, s20;
	s21 =	sshrl.u32 s21, $0x2  }
0x28: {  	s21 =	sor.u32 s22, s21  }
0x29: {  	[tilespmem:s21+$0x4E20] =	vst v0  }
0x2a: {  	[spmem:s8] =	stream.linear.scatter [tilespmem:s6], [sflag:$0x4], $0xC80, $0x38;
	[tilespmem:$0x1FEA0] =	vst v63  }
0x2b: {  	s19 =	rddreg [dreg:$0x8]  }
0x2c: {  	[spmem:s19] =	stream.linear.scatter [tilespmem:s6], [sflag:$0x4], $0xC80, $0x38;
	[tilespmem:$0x1FEA0] =	vst v63  }
0x2d: {  	s21 =	rddreg [dreg:$0x9]  }
0x2e: {  	[spmem:s21] =	stream.linear.scatter [tilespmem:s6], [sflag:$0x4], $0xC80, $0x38;
	[tilespmem:$0x1FEA0] =	vst v63  }
0x2f: {  	s22 =	rddreg [dreg:$0xa]  }
0x30: {  	[spmem:s22] =	stream.linear.scatter [tilespmem:s6], [sflag:$0x4], $0xC80, $0x38;
	[tilespmem:$0x1FEA0] =	vst v63  }
0x31: {  	s20 =	rddreg [dreg:$0xb]  }
0x32: {  	[spmem:s20] =	stream.linear.scatter [tilespmem:s6], [sflag:$0x4], $0xC80, $0x38;
	[tilespmem:$0x1FEA0] =	vst v63  }
0x33: {  	s21 =	rddreg [dreg:$0xc]  }
0x34: {  	[spmem:s21] =	stream.linear.scatter [tilespmem:s6], [sflag:$0x4], $0xC80, $0x38;
	[tilespmem:$0x1FEA0] =	vst v63  }
0x35: {  	s22 =	rddreg [dreg:$0xd]  }
0x36: {  	[spmem:s22] =	stream.linear.scatter [tilespmem:s6], [sflag:$0x4], $0xC80, $0x38;
	[tilespmem:$0x1FEA0] =	vst v63  }
0x37: {  	s20 =	rddreg [dreg:$0xe]  }
0x38: {  	[spmem:s20] =	stream.linear.scatter [tilespmem:s6], [sflag:$0x4], $0xC80, $0x38;
	[tilespmem:$0x1FEA0] =	vst v63  }
0x39: {  	s21 =	rddreg [dreg:$0xf]  }
0x3a: {  	[spmem:s21] =	stream.linear.scatter [tilespmem:s6], [sflag:$0x4], $0xC80, $0x38;
	[tilespmem:$0x1FEA0] =	vst v63  }
0x3b: {  	s22 =	rddreg [dreg:$0x10]  }
0x3c: {  	[spmem:s22] =	stream.linear.scatter [tilespmem:s6], [sflag:$0x4], $0xC80, $0x38;
	[tilespmem:$0x1FEA0] =	vst v63  }
0x3d: {  	s20 =	rddreg [dreg:$0x11]  }
0x3e: {  	[spmem:s20] =	stream.linear.scatter [tilespmem:s6], [sflag:$0x4], $0xC80, $0x38;
	[tilespmem:$0x1FEA0] =	vst v63  }
0x3f: {  	s21 =	rddreg [dreg:$0x12]  }
0x40: {  	[spmem:s21] =	stream.linear.scatter [tilespmem:s6], [sflag:$0x4], $0xC80, $0x38;
	[tilespmem:$0x1FEA0] =	vst v63  }
0x41: {  	s22 =	rddreg [dreg:$0x13]  }
0x42: {  	[spmem:s22] =	stream.linear.scatter [tilespmem:s6], [sflag:$0x4], $0xC80, $0x38;
	[tilespmem:$0x1FEA0] =	vst v63  }
0x43: {  	s20 =	rddreg [dreg:$0x14]  }
0x44: {  	[spmem:s20] =	stream.linear.scatter [tilespmem:s6], [sflag:$0x4], $0xC80, $0x38;
	[tilespmem:$0x1FEA0] =	vst v63  }
0x45: {  	_ = 	snop  }
0x46: {  	[spmem:s23] =	stream.linear.scatter [tilespmem:s6], [sflag:$0x4], $0xC80, $0x38;
	[tilespmem:$0x1FEA0] =	vst v63  }
0x47: {  	_ = 	snop  }
0x48: {  	[spmem:s24] =	stream.linear.scatter [tilespmem:s6], [sflag:$0x4], $0xC80, $0x38;
	[tilespmem:$0x1FEA0] =	vst v63  }
0x49: {  	_ = 	snop  }
0x4a: {  	[spmem:s26] =	stream.linear.scatter [tilespmem:s6], [sflag:$0x4], $0xC80, $0x38;
	[tilespmem:$0x1FEA0] =	vst v63  }
0x4b: {  	_ = 	snop  }
0x4c: {  	[spmem:s28] =	stream.linear.scatter [tilespmem:s6], [sflag:$0x4], $0xC80, $0x38;
	[tilespmem:$0x1FEA0] =	vst v63  }
0x4d: {  	_ = 	snop  }
0x4e: {  	[spmem:s29] =	stream.linear.scatter [tilespmem:s6], [sflag:$0x4], $0xC80, $0x38;
	[tilespmem:$0x1FEA0] =	vst v63  }
0x4f: {  	_ = 	snop  }
0x50: {  	[spmem:s30] =	stream.linear.scatter [tilespmem:s6], [sflag:$0x4], $0xC80, $0x38;
	[tilespmem:$0x1FEA0] =	vst v63  }
0x51: {  	_ = 	snop  }
0x52: {  	[spmem:s31] =	stream.linear.scatter [tilespmem:s6], [sflag:$0x4], $0xC80, $0x38;
	[tilespmem:$0x1FEA0] =	vst v63  }
0x53: {  	_ = 	snop  }
0x54: {  	[spmem:s1] =	stream.linear.scatter [tilespmem:s6], [sflag:$0x4], $0xC80, $0x38;
	[tilespmem:$0x1FEA0] =	vst v63  }
0x55: {  	_ = 	snop  }
0x56: {  	[spmem:s0] =	stream.linear.scatter [tilespmem:s6], [sflag:$0x4], $0xC80, $0x38;
	[tilespmem:$0x1FEA0] =	vst v63  }
0x57: {  	_ = 	snop  }
0x58: {  	[spmem:s3] =	stream.linear.scatter [tilespmem:s6], [sflag:$0x4], $0xC80, $0x38;
	[tilespmem:$0x1FEA0] =	vst v63  }
0x59: {  	_ = 	snop  }
0x5a: {  	[spmem:s5] =	stream.linear.scatter [tilespmem:s6], [sflag:$0x4], $0xC80, $0x38;
	[tilespmem:$0x1FEA0] =	vst v63  }
0x5b: {  	s19 =	simm.s32 $0x0;
	s20 =	rddreg [dreg:$0x4]  }
0x5c: {  	[tilespmem:s19], [sflag:$0x7] =	stream.linear.gather [hbm4b:s20+s19], $0x2710, $0x38;
	[tilespmem:$0x1FEA0] =	vst v63  }
0x5d: {  	_ =	swait.ge [sflag:s7], $0x2710  }
0x5e: {  	[sflag:s7] =	ssyncset.done $0x0  }
0x5f: {  	s22 =	simm.s32 $0x2710;
	s21 =	rddreg [dreg:$0x5];
	[sflag:s7] =	ssyncadd.s32 $0xFFFFD8F0  }
0x60: {  	[tilespmem:s22], [sflag:$0x7] =	stream.linear.gather [hbm4b:s21+s19], $0x2710, $0x38;
	[tilespmem:$0x1FEA0] =	vst v63  }
0x61: {  	_ =	swait.ge [sflag:s7], $0x2710  }
0x62: {  	[sflag:s7] =	ssyncset.done $0x0  }
0x63: {  	[sflag:s7] =	ssyncadd.s32 $0xFFFFD8F0  }
0x64: {  	[tilespmem:s10], [sflag:$0x2] =	stream.indirect.gather [hbm4b:s4+s9], $0x80, s9, s9, $0xb8;
	[tilespmem:$0x1FEA0] =	vst v63  }
0x65: {  	s22 =	simm.s32 $0xA0  }
0x66: {  	[tilespmem:s11], [sflag:$0x3] =	stream.indirect.gather [hbm4b:s4+s9], $0x80, s22, s9, $0xb8;
	[tilespmem:$0x1FEA0] =	vst v63  }
0x67: {  	_ =	swait.ge [sflag:s12], $0xC80  }
0x68: {  	[sflag:s12] =	ssyncset.done $0x0  }
0x69: {  	[sflag:s12] =	ssyncadd.s32 $0xFFFFF380  }
0x6a: {  	_ =	swait.ge [sflag:s12], $0xC80  }
0x6b: {  	[sflag:s12] =	ssyncset.done $0x0  }
0x6c: {  	[sflag:s12] =	ssyncadd.s32 $0xFFFFF380  }
0x6d: {  	_ =	swait.ge [sflag:s12], $0xC80  }
0x6e: {  	[sflag:s12] =	ssyncset.done $0x0  }
0x6f: {  	[sflag:s12] =	ssyncadd.s32 $0xFFFFF380  }
0x70: {  	_ =	swait.ge [sflag:s12], $0xC80  }
0x71: {  	[sflag:s12] =	ssyncset.done $0x0  }
0x72: {  	[sflag:s12] =	ssyncadd.s32 $0xFFFFF380  }
0x73: {  	_ =	swait.ge [sflag:s12], $0xC80  }
0x74: {  	[sflag:s12] =	ssyncset.done $0x0  }
0x75: {  	[sflag:s12] =	ssyncadd.s32 $0xFFFFF380  }
0x76: {  	_ =	swait.ge [sflag:s12], $0xC80  }
0x77: {  	[sflag:s12] =	ssyncset.done $0x0  }
0x78: {  	[sflag:s12] =	ssyncadd.s32 $0xFFFFF380  }
0x79: {  	_ =	swait.ge [sflag:s12], $0xC80  }
0x7a: {  	[sflag:s12] =	ssyncset.done $0x0  }
0x7b: {  	[sflag:s12] =	ssyncadd.s32 $0xFFFFF380  }
0x7c: {  	_ =	swait.ge [sflag:s12], $0xC80  }
0x7d: {  	[sflag:s12] =	ssyncset.done $0x0  }
0x7e: {  	[sflag:s12] =	ssyncadd.s32 $0xFFFFF380  }
0x7f: {  	_ =	swait.ge [sflag:s12], $0xC80  }
0x80: {  	[sflag:s12] =	ssyncset.done $0x0  }
0x81: {  	[sflag:s12] =	ssyncadd.s32 $0xFFFFF380  }
0x82: {  	_ =	swait.ge [sflag:s12], $0xC80  }
0x83: {  	[sflag:s12] =	ssyncset.done $0x0  }
0x84: {  	[sflag:s12] =	ssyncadd.s32 $0xFFFFF380  }
0x85: {  	_ =	swait.ge [sflag:s12], $0xC80  }
0x86: {  	[sflag:s12] =	ssyncset.done $0x0  }
0x87: {  	[sflag:s12] =	ssyncadd.s32 $0xFFFFF380  }
0x88: {  	_ =	swait.ge [sflag:s12], $0xC80  }
0x89: {  	[sflag:s12] =	ssyncset.done $0x0  }
0x8a: {  	[sflag:s12] =	ssyncadd.s32 $0xFFFFF380  }
0x8b: {  	_ =	swait.ge [sflag:s12], $0xC80  }
0x8c: {  	[sflag:s12] =	ssyncset.done $0x0  }
0x8d: {  	[sflag:s12] =	ssyncadd.s32 $0xFFFFF380  }
0x8e: {  	_ =	swait.ge [sflag:s12], $0xC80  }
0x8f: {  	[sflag:s12] =	ssyncset.done $0x0  }
0x90: {  	[sflag:s12] =	ssyncadd.s32 $0xFFFFF380  }
0x91: {  	_ =	swait.ge [sflag:s12], $0xC80  }
0x92: {  	[sflag:s12] =	ssyncset.done $0x0  }
0x93: {  	[sflag:s12] =	ssyncadd.s32 $0xFFFFF380  }
0x94: {  	_ =	swait.ge [sflag:s12], $0xC80  }
0x95: {  	[sflag:s12] =	ssyncset.done $0x0  }
0x96: {  	[sflag:s12] =	ssyncadd.s32 $0xFFFFF380  }
0x97: {  	_ =	swait.ge [sflag:s12], $0xC80  }
0x98: {  	[sflag:s12] =	ssyncset.done $0x0  }
0x99: {  	[sflag:s12] =	ssyncadd.s32 $0xFFFFF380  }
0x9a: {  	_ =	swait.ge [sflag:s12], $0xC80  }
0x9b: {  	[sflag:s12] =	ssyncset.done $0x0  }
0x9c: {  	[sflag:s12] =	ssyncadd.s32 $0xFFFFF380  }
0x9d: {  	_ =	swait.ge [sflag:s12], $0xC80  }
0x9e: {  	[sflag:s12] =	ssyncset.done $0x0  }
0x9f: {  	[sflag:s12] =	ssyncadd.s32 $0xFFFFF380  }
0xa0: {  	_ =	swait.ge [sflag:s12], $0xC80  }
0xa1: {  	[sflag:s12] =	ssyncset.done $0x0  }
0xa2: {  	[sflag:s12] =	ssyncadd.s32 $0xFFFFF380  }
0xa3: {  	_ =	swait.ge [sflag:s12], $0xC80  }
0xa4: {  	[sflag:s12] =	ssyncset.done $0x0  }
0xa5: {  	[sflag:s12] =	ssyncadd.s32 $0xFFFFF380  }
0xa6: {  	_ =	swait.ge [sflag:s12], $0xC80  }
0xa7: {  	[sflag:s12] =	ssyncset.done $0x0  }
0xa8: {  	[sflag:s12] =	ssyncadd.s32 $0xFFFFF380  }
0xa9: {  	_ =	swait.ge [sflag:s12], $0xC80  }
0xaa: {  	[sflag:s12] =	ssyncset.done $0x0  }
0xab: {  	[sflag:s12] =	ssyncadd.s32 $0xFFFFF380  }
0xac: {  	_ =	swait.ge [sflag:s12], $0xC80  }
0xad: {  	[sflag:s12] =	ssyncset.done $0x0  }
0xae: {  	[sflag:s12] =	ssyncadd.s32 $0xFFFFF380  }
0xaf: {  	_ =	swait.ge [sflag:s12], $0xC80  }
0xb0: {  	[sflag:s12] =	ssyncset.done $0x0  }
0xb1: {  	[sflag:s12] =	ssyncadd.s32 $0xFFFFF380  }
0xb2: {  	[tilespmem:s6], [sflag:$0x1] =	stream.indirect.gather [hbm4b:s4+s9], $0x80, s19, s9, $0xb8;
	[tilespmem:$0x1FEA0] =	vst v63  }
0xb3: {  	[bflag:$0x0] =	sbarrier.arrive $0xFFFF  }
0xb4: {  	_ =	swait.ge [sflag:s13], $0x2800  }
0xb5: {  	[sflag:s13] =	ssyncset.done $0x0  }
0xb6: {  	s21 =	simm.s32 $0x2710;
	[sflag:s13] =	ssyncadd.s32 $0xFFFFD800  }
0xb7: {  	[spmem:s2] =	stream.indirect.scatter.add.f32 [tilespmem:s6], [sflag:$0x4], $0x80, s21, s9, $0xb8;
	[tilespmem:$0x1FEA0] =	vst v63  }
0xb8: {  	_ =	swait.ge [sflag:s12], $0x2800  }
0xb9: {  	[sflag:s12] =	ssyncset.done $0x0  }
0xba: {  	s22 =	simm.s32 $0xF0;
	[sflag:s12] =	ssyncadd.s32 $0xFFFFD800  }
0xbb: {  	[tilespmem:s6], [sflag:$0x1] =	stream.indirect.gather [hbm4b:s4+s9], $0x80, s22, s9, $0xb8;
	[tilespmem:$0x1FEA0] =	vst v63  }
0xbc: {  	_ =	swait.ge [sflag:s14], $0x2800  }
0xbd: {  	[sflag:s14] =	ssyncset.done $0x0  }
0xbe: {  	s20 =	simm.s32 $0x2760;
	[sflag:s14] =	ssyncadd.s32 $0xFFFFD800  }
0xbf: {  	[spmem:s2] =	stream.indirect.scatter.add.f32 [tilespmem:s10], [sflag:$0x5], $0x80, s20, s9, $0xb8;
	[tilespmem:$0x1FEA0] =	vst v63  }
0xc0: {  	_ =	swait.ge [sflag:s15], $0x2800  }
0xc1: {  	[sflag:s15] =	ssyncset.done $0x0  }
0xc2: {  	s21 =	simm.s32 $0x140;
	[sflag:s15] =	ssyncadd.s32 $0xFFFFD800  }
0xc3: {  	[tilespmem:s10], [sflag:$0x2] =	stream.indirect.gather [hbm4b:s4+s9], $0x80, s21, s9, $0xb8;
	[tilespmem:$0x1FEA0] =	vst v63  }
0xc4: {  	_ =	swait.ge [sflag:s16], $0x2800  }
0xc5: {  	[sflag:s16] =	ssyncset.done $0x0  }
0xc6: {  	s22 =	simm.s32 $0x27B0;
	[sflag:s16] =	ssyncadd.s32 $0xFFFFD800  }
0xc7: {  	[spmem:s2] =	stream.indirect.scatter.add.f32 [tilespmem:s11], [sflag:$0x6], $0x80, s22, s9, $0xb8;
	[tilespmem:$0x1FEA0] =	vst v63  }
0xc8: {  	_ =	swait.ge [sflag:s17], $0x2800  }
0xc9: {  	[sflag:s17] =	ssyncset.done $0x0  }
0xca: {  	s19 =	simm.s32 $0x3C0;
	s20 =	simm.s32 $0x190;
	[sflag:s17] =	ssyncadd.s32 $0xFFFFD800  }
.LBB2_4:
0xcb: {  	[tilespmem:s11], [sflag:$0x3] =	stream.indirect.gather [hbm4b:s4+s9], $0x80, s20, s9, $0xb8;
	[tilespmem:$0x1FEA0] =	vst v63  }
0xcc: {  	s20 =	smov.u32 s19  }
0xcd: {  	p0 =	sne.s32 s19, $0x9240;
	s19 =	sadd.s32 $0x3C0, s19;
	_ =	swait.ge [sflag:s13], $0x2800  }
0xce: {  	s20 =	sshra.s32 s20, $0x2;
	[sflag:s13] =	ssyncset.done $0x0  }
0xcf: {  	s21 =	sadd.s32 $0x2710, s20;
	[sflag:s13] =	ssyncadd.s32 $0xFFFFD800  }
0xd0: {  	[spmem:s2] =	stream.indirect.scatter.add.f32 [tilespmem:s6], [sflag:$0x4], $0x80, s21, s9, $0xb8;
	[tilespmem:$0x1FEA0] =	vst v63  }
0xd1: {  	_ =	swait.ge [sflag:s12], $0x2800  }
0xd2: {  	[sflag:s12] =	ssyncset.done $0x0  }
0xd3: {  	s21 =	sadd.s32 $0xF0, s20;
	[sflag:s12] =	ssyncadd.s32 $0xFFFFD800  }
0xd4: {  	[tilespmem:s6], [sflag:$0x1] =	stream.indirect.gather [hbm4b:s4+s9], $0x80, s21, s9, $0xb8;
	[tilespmem:$0x1FEA0] =	vst v63  }
0xd5: {  	_ =	swait.ge [sflag:s14], $0x2800  }
0xd6: {  	[sflag:s14] =	ssyncset.done $0x0  }
0xd7: {  	s21 =	sadd.s32 $0x2760, s20;
	[sflag:s14] =	ssyncadd.s32 $0xFFFFD800  }
0xd8: {  	[spmem:s2] =	stream.indirect.scatter.add.f32 [tilespmem:s10], [sflag:$0x5], $0x80, s21, s9, $0xb8;
	[tilespmem:$0x1FEA0] =	vst v63  }
0xd9: {  	_ =	swait.ge [sflag:s15], $0x2800  }
0xda: {  	[sflag:s15] =	ssyncset.done $0x0  }
0xdb: {  	s21 =	sadd.s32 $0x140, s20;
	[sflag:s15] =	ssyncadd.s32 $0xFFFFD800  }
0xdc: {  	[tilespmem:s10], [sflag:$0x2] =	stream.indirect.gather [hbm4b:s4+s9], $0x80, s21, s9, $0xb8;
	[tilespmem:$0x1FEA0] =	vst v63  }
0xdd: {  	_ =	swait.ge [sflag:s16], $0x2800  }
0xde: {  	[sflag:s16] =	ssyncset.done $0x0  }
.Ltmp1:
0xdf: {  	s21 =	sadd.s32 $0x27B0, s20;
	[sflag:s16] =	ssyncadd.s32 $0xFFFFD800;
	(pc) =	sbr.rel @p0 .LBB2_4-.Ltmp1, $4  }
0xe0: {  	[spmem:s2] =	stream.indirect.scatter.add.f32 [tilespmem:s11], [sflag:$0x6], $0x80, s21, s9, $0xb8;
	[tilespmem:$0x1FEA0] =	vst v63  }
0xe1: {  	_ =	swait.ge [sflag:s17], $0x2800  }
0xe2: {  	[sflag:s17] =	ssyncset.done $0x0  }
0xe3: {  	s20 =	sadd.s32 $0x190, s20;
	[sflag:s17] =	ssyncadd.s32 $0xFFFFD800  }
0xe4: {  	[tilespmem:s11], [sflag:$0x3] =	stream.indirect.gather [hbm4b:s4+s9], $0x80, s20, s9, $0xb8;
	[tilespmem:$0x1FEA0] =	vst v63  }
0xe5: {  	_ =	swait.ge [sflag:s13], $0x2800  }
0xe6: {  	[sflag:s13] =	ssyncset.done $0x0  }
0xe7: {  	s19 =	simm.s32 $0x4C90;
	[sflag:s13] =	ssyncadd.s32 $0xFFFFD800  }
0xe8: {  	[spmem:s2] =	stream.indirect.scatter.add.f32 [tilespmem:s6], [sflag:$0x4], $0x80, s19, s9, $0xb8;
	[tilespmem:$0x1FEA0] =	vst v63  }
0xe9: {  	_ =	swait.ge [sflag:s12], $0x2800  }
0xea: {  	[sflag:s12] =	ssyncset.done $0x0  }
0xeb: {  	s20 =	simm.s32 $0x2670;
	[sflag:s12] =	ssyncadd.s32 $0xFFFFD800  }
0xec: {  	[tilespmem:s6], [sflag:$0x1] =	stream.indirect.gather [hbm4b:s4+s9], $0x80, s20, s9, $0xb8;
	[tilespmem:$0x1FEA0] =	vst v63  }
0xed: {  	_ =	swait.ge [sflag:s14], $0x2800  }
0xee: {  	[sflag:s14] =	ssyncset.done $0x0  }
0xef: {  	s21 =	simm.s32 $0x4CE0;
	[sflag:s14] =	ssyncadd.s32 $0xFFFFD800  }
0xf0: {  	[spmem:s2] =	stream.indirect.scatter.add.f32 [tilespmem:s10], [sflag:$0x5], $0x80, s21, s9, $0xb8;
	[tilespmem:$0x1FEA0] =	vst v63  }
0xf1: {  	_ =	swait.ge [sflag:s15], $0x2800  }
0xf2: {  	[sflag:s15] =	ssyncset.done $0x0  }
0xf3: {  	s22 =	simm.s32 $0x26C0;
	[sflag:s15] =	ssyncadd.s32 $0xFFFFD800  }
0xf4: {  	[tilespmem:s10], [sflag:$0x2] =	stream.indirect.gather [hbm4b:s4+s9], $0x80, s22, s9, $0xb8;
	[tilespmem:$0x1FEA0] =	vst v63  }
0xf5: {  	_ =	swait.ge [sflag:s16], $0x2800  }
0xf6: {  	[sflag:s16] =	ssyncset.done $0x0  }
0xf7: {  	s20 =	simm.s32 $0x4D30;
	[sflag:s16] =	ssyncadd.s32 $0xFFFFD800  }
0xf8: {  	[spmem:s2] =	stream.indirect.scatter.add.f32 [tilespmem:s11], [sflag:$0x6], $0x80, s20, s9, $0xb8;
	[tilespmem:$0x1FEA0] =	vst v63  }
0xf9: {  	_ =	swait.ge [sflag:s17], $0x2800  }
0xfa: {  	[sflag:s17] =	ssyncset.done $0x0  }
0xfb: {  	[sflag:s17] =	ssyncadd.s32 $0xFFFFD800  }
0xfc: {  	_ =	swait.ge [sflag:s13], $0x2800  }
0xfd: {  	[sflag:s13] =	ssyncset.done $0x0  }
0xfe: {  	s21 =	simm.s32 $0x4D80;
	[sflag:s13] =	ssyncadd.s32 $0xFFFFD800  }
0xff: {  	[spmem:s2] =	stream.indirect.scatter.add.f32 [tilespmem:s6], [sflag:$0x7], $0x80, s21, s9, $0xb8;
	[tilespmem:$0x1FEA0] =	vst v63  }
0x100: {  	_ =	swait.ge [sflag:s7], $0x2800  }
0x101: {  	[sflag:s7] =	ssyncset.done $0x0  }
0x102: {  	[sflag:s7] =	ssyncadd.s32 $0xFFFFD800  }
0x103: {  	_ =	swait.ge [sflag:s14], $0x2800  }
0x104: {  	[sflag:s14] =	ssyncset.done $0x0  }
0x105: {  	s22 =	simm.s32 $0x4DD0;
	[sflag:s14] =	ssyncadd.s32 $0xFFFFD800  }
0x106: {  	[spmem:s2] =	stream.indirect.scatter.add.f32 [tilespmem:s10], [sflag:$0x7], $0x80, s22, s9, $0xb8;
	[tilespmem:$0x1FEA0] =	vst v63  }
0x107: {  	_ =	swait.ge [sflag:s7], $0x2800  }
0x108: {  	[sflag:s7] =	ssyncset.done $0x0  }
0x109: {  	s20 =	stileid.u32;
	[sflag:s7] =	ssyncadd.s32 $0xFFFFD800  }
0x10a: {  	s19 =	sshll.u32 s20, $0x6;
	[bflag:$0x0] =	sbarrier.arrive $0xFFFF  }
0x10b: {  	s19 =	sor.u32 $0x1C07, s19;
	s21 =	rddreg [dreg:$0x6]  }
0x10c: {  	[hbm:s21], [sflag:s19] =	dma.local [spmem:s25], $0x2710  }
0x10d: {  	_ =	swait.ge [sflag:s7], $0x2710  }
0x10e: {  	s18 =	sadd.s32 $0x1, s18;
	s22 =	rddreg [dreg:$0x7]  }
0x10f: {  	p0 =	sne.s32 s18, s22  }
.Ltmp2:
0x110: {  	_ = 	snop;
	(pc) =	sbr.rel @p0 .LBB2_1-.Ltmp2, $3  }
0x111: {  	_ =	sdelay $0x1  }
0x112: {  	[sflag:s7] =	ssyncset.done $0x0  }
0x113: {  	[sflag:s7] =	ssyncadd.s32 $0xFFFFD8F0  }
0x114: {  	_ =	sfence.sel $0x180000  }
0x115: {  	[bflag:$0x0] =	sbarrier.arrive $0xFFFF  }
0x116: {  	_ =	strace $0x90000050  }
0x117: {  	s0 =	stileid.u32;
	[bflag:$0x2] =	sbarrier.arrive $0xFFFF  }
0x118: {  	p0 =	sne.s32 s0, $0x0;
	s0 =	rddreg [dreg:$0x3]  }
0x119: {  	s0 =	sadd.s32 @!p0 $0x100000, s0  }
0x11a: {  	[sflag:s0] =	ssyncadd.tile.s32 @!p0 $0x1;
	_ =	shalt  }
.Lfunc_end2:
_tile_overlayer_lowered:
.L_overlay_start_2:
0x11b: {  	(tag) =	ssettag $0x2  }
0x11c: {  	s0 =	rddreg [dreg:$0x0];
	s2 =	stileid.u32  }
0x11d: {  	s1 =	rddreg [dreg:$0x1];
	p0 =	sne.s32 s2, $0x0  }
0x11e: {  	s3 =	rddreg [dreg:$0x2];
	[bflag:$0x3] =	sbarrier.arrive $0xFFFF;
	s2 =	simm.s32 @!p0 $0x1C07  }
0x11f: {  	[timem:s3], [sflag:s2] =	dma.local @!p0 [hbm:s0], s1  }
0x120: {  	s0 =	simm.s32 @!p0 $0x7  }
0x121: {  	_ =	swait.ge @!p0 [sflag:s0], s1  }
0x122: {  	s1 =	ssub.s32 @!p0 $0x0, s1;
	[sflag:s0] =	ssyncset.done @!p0 $0x0  }
0x123: {  	[sflag:s0] =	ssyncadd.s32 @!p0 s1  }
0x124: {  	[bflag:$0x3] =	sbarrier.arrive $0xFFFF  }
0x125: {  	_ =	shalt  }

</sc_bundles>
